<compile_context>
chip_gen: v7x
topology: tpu7x:2x2x1
jax: 0.10.2.dev20260603
libtpu: 0.0.44.dev20260713+nightly
codegen_flags: <defaults>
</compile_context>

<pallas_src>
import functools

import jax
import jax.numpy as jnp
from jax import lax
from jax.experimental import pallas as pl
from jax.experimental.pallas import tpu as pltpu
from jax.experimental.pallas import tpu_sc as plsc

N_NODES = 10000
N_EDGES = 320000
D = 128

NC = 2
NS = 16
NW = NC * NS
E_W = N_EDGES // NW
C = 96
K = 106
E_WP = K * C
NE_P = NW * E_WP
NP = 10240
RPT = NP // NS

CH = 200
KH = E_W // CH

_mesh = plsc.VectorSubcoreMesh(core_axis_name="c", subcore_axis_name="s")


def _fill(buf, rows, width, value):
    @pl.loop(0, rows)
    def _(r):
        for c in range(width // 16):
            buf.at[pl.ds(r, 1), pl.ds(c * 16, 16)][...] = jnp.full(
                (1, 16), value, jnp.float32)


def _zero_table(table, zbuf, zrows, base_r, rows):
    @pl.loop(0, rows // zrows)
    def _(i):
        pltpu.sync_copy(zbuf, table.at[pl.ds(base_r + i * zrows, zrows)])


@functools.partial(
    pl.kernel,
    out_type=jax.ShapeDtypeStruct((NC, NP, 16), jnp.float32),
    mesh=_mesh,
    scratch_types=[
        pltpu.VMEM((CH,), jnp.int32),
        pltpu.VMEM((CH, 16), jnp.float32),
        pltpu.VMEM((64, 16), jnp.float32),
        pltpu.VMEM_SHARED((NP, 16), jnp.float32),
    ],
)
def _sc_hist(dst_hbm, out_hbm, dst_v, ones_v, zbuf, table):
    cid = lax.axis_index("c")
    sid = lax.axis_index("s")
    wid = sid * NC + cid

    _fill(zbuf, 64, 16, 0.0)
    _fill(ones_v, CH, 16, 1.0)
    base_r = sid * RPT
    _zero_table(table, zbuf, 64, base_r, RPT)
    plsc.subcore_barrier()

    base_e = wid * E_W

    @pl.loop(0, KH)
    def _(j):
        pltpu.sync_copy(dst_hbm.at[pl.ds(base_e + j * CH, CH)], dst_v)
        pltpu.sync_copy(ones_v, table.at[dst_v], add=True)

    plsc.subcore_barrier()
    pltpu.sync_copy(table.at[pl.ds(base_r, RPT)],
                    out_hbm.at[cid, pl.ds(base_r, RPT)])


@functools.partial(
    pl.kernel,
    out_type=jax.ShapeDtypeStruct((NC, NP, D), jnp.float32),
    mesh=_mesh,
    scratch_types=[
        pltpu.VMEM((K, C), jnp.int32),
        pltpu.VMEM((1, C), jnp.int32),
        pltpu.VMEM((1, C), jnp.int32),
        pltpu.VMEM((1, C), jnp.int32),
        pltpu.VMEM((1, C), jnp.int32),
        pltpu.VMEM((C, D), jnp.float32),
        pltpu.VMEM((C, D), jnp.float32),
        pltpu.VMEM((8, D), jnp.float32),
        pltpu.VMEM_SHARED((NP, D), jnp.float32),
        pltpu.SemaphoreType.DMA,
        pltpu.SemaphoreType.DMA,
    ],
)
def _sc_scatter(hs_hbm, eidx_hbm, out_hbm, idx_all, src_0, src_1, dst_0,
                dst_1, rows_0, rows_1, zbuf, table, sem_0, sem_1):
    cid = lax.axis_index("c")
    sid = lax.axis_index("s")
    wid = sid * NC + cid
    src_v = (src_0, src_1)
    dst_v = (dst_0, dst_1)
    rows_v = (rows_0, rows_1)
    sems = (sem_0, sem_1)

    pltpu.sync_copy(eidx_hbm.at[wid], idx_all)

    _fill(zbuf, 8, D, 0.0)
    base_r = sid * RPT
    _zero_table(table, zbuf, 8, base_r, RPT)
    plsc.subcore_barrier()

    def unpack(chunk, b):
        for g in range(C // 16):
            sl = pl.ds(16 * g, 16)
            v = idx_all.at[pl.ds(chunk, 1), sl][...]
            src_v[b].at[pl.ds(0, 1), sl][...] = lax.shift_right_logical(v, 14)
            dst_v[b].at[pl.ds(0, 1), sl][...] = jnp.bitwise_and(v, 16383)

    def start_gather(b):
        pltpu.async_copy(hs_hbm.at[src_v[b].at[0]], rows_v[b], sems[b])

    def drain_gather(b):
        pltpu.make_async_copy(hs_hbm.at[pl.ds(0, C)], rows_v[b],
                              sems[b]).wait()

    for b in range(2):
        unpack(b, b)
        start_gather(b)

    @pl.loop(0, K // 2 - 1)
    def _(jj):
        j = jj * 2
        for b in range(2):
            drain_gather(b)
            pltpu.sync_copy(rows_v[b], table.at[dst_v[b].at[0]], add=True)
            unpack(j + b + 2, b)
            start_gather(b)

    for b in range(2):
        drain_gather(b)
        pltpu.sync_copy(rows_v[b], table.at[dst_v[b].at[0]], add=True)

    plsc.subcore_barrier()
    pltpu.sync_copy(table.at[pl.ds(base_r, RPT)],
                    out_hbm.at[cid, pl.ds(base_r, RPT)])


BLK = 2000
_GRID = N_NODES // BLK


def _row_spec(w):
    return pl.BlockSpec((BLK, w), lambda i: (i, 0))


def _full_spec(a, b):
    return pl.BlockSpec((a, b), lambda i: (0, 0))


def _mm_body(x_ref, w_ref, o_ref):
    o_ref[...] = jnp.dot(x_ref[...], w_ref[...],
                         preferred_element_type=jnp.float32)


def _mm(x, w):
    return pl.pallas_call(
        _mm_body,
        grid=(_GRID,),
        in_specs=[_row_spec(D), _full_spec(D, D)],
        out_specs=_row_spec(D),
        out_shape=jax.ShapeDtypeStruct((N_NODES, D), jnp.float32),
    )(x, w)


def _dinv(d0_ref, d1_ref):
    deg = d0_ref[...][:, :1] + d1_ref[...][:, :1] + 1.0
    return lax.rsqrt(deg)


def _scale_body(h_ref, d0_ref, d1_ref, o_ref):
    o_ref[...] = h_ref[...] * _dinv(d0_ref, d1_ref)


def _scale(h, d0, d1):
    return pl.pallas_call(
        _scale_body,
        grid=(_GRID,),
        in_specs=[_row_spec(D), _row_spec(16), _row_spec(16)],
        out_specs=_row_spec(D),
        out_shape=jax.ShapeDtypeStruct((N_NODES, D), jnp.float32),
    )(h, d0, d1)


def _mid_body(p0_ref, p1_ref, hs_ref, d0_ref, d1_ref, b_ref, w_ref, o_ref):
    dinv = _dinv(d0_ref, d1_ref)
    agg = p0_ref[...] + p1_ref[...]
    h = jnp.maximum(dinv * (agg + hs_ref[...]) + b_ref[...], 0.0)
    o_ref[...] = jnp.dot(h, w_ref[...],
                         preferred_element_type=jnp.float32) * dinv


def _mid(p0, p1, hs, d0, d1, b, w):
    return pl.pallas_call(
        _mid_body,
        grid=(_GRID,),
        in_specs=[_row_spec(D), _row_spec(D), _row_spec(D), _row_spec(16),
                  _row_spec(16), _full_spec(1, D), _full_spec(D, D)],
        out_specs=_row_spec(D),
        out_shape=jax.ShapeDtypeStruct((N_NODES, D), jnp.float32),
    )(p0, p1, hs, d0, d1, b, w)


def _out_body(p0_ref, p1_ref, hs_ref, d0_ref, d1_ref, b_ref, w_ref, b3_ref,
              o_ref):
    dinv = _dinv(d0_ref, d1_ref)
    agg = p0_ref[...] + p1_ref[...]
    h = jnp.maximum(dinv * (agg + hs_ref[...]) + b_ref[...], 0.0)
    o_ref[...] = jnp.dot(h, w_ref[...],
                         preferred_element_type=jnp.float32) + b3_ref[...]


def _out(p0, p1, hs, d0, d1, b, w3p, b3p):
    return pl.pallas_call(
        _out_body,
        grid=(_GRID,),
        in_specs=[_row_spec(D), _row_spec(D), _row_spec(D), _row_spec(16),
                  _row_spec(16), _full_spec(1, D), _full_spec(D, D),
                  _full_spec(1, D)],
        out_specs=_row_spec(D),
        out_shape=jax.ShapeDtypeStruct((N_NODES, D), jnp.float32),
    )(p0, p1, hs, d0, d1, b, w3p, b3p)


def kernel(x, edge_index, W1, b1, W2, b2, W3, b3):
    src = edge_index[0].astype(jnp.int32)
    dst = edge_index[1].astype(jnp.int32)
    pad_w = E_WP - E_W
    pad_src = jnp.broadcast_to(
        jnp.arange(pad_w, dtype=jnp.int32) % N_NODES, (NW, pad_w))
    pad_dst = jnp.broadcast_to(
        N_NODES + jnp.arange(pad_w, dtype=jnp.int32) % (NP - N_NODES),
        (NW, pad_w))
    src_p = jnp.concatenate([src.reshape(NW, E_W), pad_src], 1)
    dst_p = jnp.concatenate([dst.reshape(NW, E_W), pad_dst], 1)
    eidx = (jnp.left_shift(src_p, 14) | dst_p).reshape(NW, K, C)

    out_ch = W3.shape[1]
    w3p = jnp.zeros((D, D), jnp.float32).at[:, :out_ch].set(W3)
    b3p = jnp.zeros((1, D), jnp.float32).at[:, :out_ch].set(b3)

    deg_p = _sc_hist(dst)
    h_raw1 = _mm(x, W1)
    d0 = deg_p[0, :N_NODES]
    d1 = deg_p[1, :N_NODES]

    h1s = _scale(h_raw1, d0, d1)
    p1 = _sc_scatter(h1s, eidx)
    h2s = _mid(p1[0, :N_NODES], p1[1, :N_NODES], h1s, d0, d1,
               b1.reshape(1, D), W2)
    p2 = _sc_scatter(h2s, eidx)
    outp = _out(p2[0, :N_NODES], p2[1, :N_NODES], h2s, d0, d1,
                b2.reshape(1, D), w3p, b3p)
    return outp[:, :out_ch]

# --- scband reference (transcript-rebuilt; emitter-appended) ---
"""Pipeline reference for scband-gcn-20066087207444 (READ-ONLY COPY).

The authoritative reference and input builder live on the scoring server;
editing this copy changes nothing except your own understanding.
"""

import jax, jax.numpy as jnp
import numpy as np

N_NODES = 10000
N_EDGES = 320000
IN_CH = 128
HIDDEN = 128
OUT_CH = 2


def gcn_conv(x, src, dst, W, b, num_nodes):
    # PyG GCNConv: x' = D^{-1/2} (A + I) D^{-1/2} X W + b
    loop = jnp.arange(num_nodes, dtype=src.dtype)
    row = jnp.concatenate([src, loop])
    col = jnp.concatenate([dst, loop])
    h = x @ W
    deg = jnp.zeros((num_nodes,), dtype=x.dtype).at[col].add(1.0)
    deg_inv_sqrt = jnp.where(deg > 0, deg ** -0.5, 0.0)
    norm = deg_inv_sqrt[row] * deg_inv_sqrt[col]
    msg = h[row] * norm[:, None]
    out = jnp.zeros((num_nodes, W.shape[1]), dtype=x.dtype).at[col].add(msg)
    return out + b


def setup_inputs(seed: int = 0) -> dict:
    key = jax.random.key(seed)
    k1, k2, k3, k4, k5, k6 = jax.random.split(key, 6)
    x = jax.random.normal(k1, (N_NODES, IN_CH), dtype=jnp.float32)
    edge_index = jax.random.randint(k2, (2, N_EDGES), 0, N_NODES, dtype=jnp.int64)
    s1 = (1.0 / IN_CH) ** 0.5
    s2 = (1.0 / HIDDEN) ** 0.5
    W1 = jax.random.uniform(k3, (IN_CH, HIDDEN), jnp.float32, -s1, s1)
    b1 = jnp.zeros((HIDDEN,), dtype=jnp.float32)
    W2 = jax.random.uniform(k4, (HIDDEN, HIDDEN), jnp.float32, -s2, s2)
    b2 = jnp.zeros((HIDDEN,), dtype=jnp.float32)
    W3 = jax.random.uniform(k5, (HIDDEN, OUT_CH), jnp.float32, -s2, s2)
    b3 = jax.random.uniform(k6, (OUT_CH,), jnp.float32, -s2, s2)
    return {"x": x, "edge_index": edge_index, "W1": W1, "b1": b1, "W2": W2, "b2": b2, "W3": W3, "b3": b3}


def reference(x, edge_index, W1, b1, W2, b2, W3, b3):
    # eval mode: dropout is identity
    src = edge_index[0]
    dst = edge_index[1]
    h = jax.nn.relu(gcn_conv(x, src, dst, W1, b1, N_NODES))
    h = jax.nn.relu(gcn_conv(h, src, dst, W2, b2, N_NODES))
    return h @ W3 + b3

if __name__ == "__main__":
    import jax
    _d = setup_inputs()
    print(jax.jit(kernel)(*tuple(_d.values())))

</pallas_src>

<mosaic_0001>
#map = affine_map<(d0, d1) -> (0, 0)>
#map1 = affine_map<(d0, d1) -> (0, 0, 0)>
module attributes {stable_mosaic.version = 14 : i64} {
  func.func @_sc_scatter(%arg0: i32, %arg1: i32, %arg2: memref<10000x128xf32, #tpu.memory_space<hbm>>, %arg3: memref<32x106x96xi32, #tpu.memory_space<hbm>>, %arg4: memref<2x10240x128xf32, #tpu.memory_space<hbm>>, %arg5: memref<106x96xi32, #tpu.memory_space<vmem>>, %arg6: memref<1x96xi32, #tpu.memory_space<vmem>>, %arg7: memref<1x96xi32, #tpu.memory_space<vmem>>, %arg8: memref<1x96xi32, #tpu.memory_space<vmem>>, %arg9: memref<1x96xi32, #tpu.memory_space<vmem>>, %arg10: memref<96x128xf32, #tpu.memory_space<vmem>>, %arg11: memref<96x128xf32, #tpu.memory_space<vmem>>, %arg12: memref<8x128xf32, #tpu.memory_space<vmem>>, %arg13: memref<10240x128xf32, #tpu.memory_space<vmem_shared>>, %arg14: memref<!tpu.dma_semaphore, #tpu.memory_space<semaphore_mem>>, %arg15: memref<!tpu.dma_semaphore, #tpu.memory_space<semaphore_mem>>) attributes {dimension_semantics = [#tpu.dimension_semantics<core_parallel>, #tpu.dimension_semantics<subcore_parallel>], iteration_bounds = array<i64: 2, 16>, scalar_prefetch = 0 : i64, scratch_operands = 11 : i64, tpu.core_type = #tpu.core_type<sc_vector_subcore>, window_params = [{transform_indices = #map}, {transform_indices = #map1}, {transform_indices = #map1}]} {
    %mul3A = arith.constant 2 : i32
    %mul3A_0 = arith.muli %arg1, %mul3A : i32
    %add3A = arith.addi %mul3A_0, %arg0 : i32
    "tpu.region"() ({
      %run_scoped3A_279 = tpu.sem_alloc : memref<!tpu.dma_semaphore, #tpu.memory_space<semaphore_mem>>
      %dma_start3A_280 = arith.constant 0 : i32
      %dma_start3A_281 = arith.constant 0 : i32
      %dma_start3A_282 = tpu.memref_slice %arg3[%add3A, %dma_start3A_280, %dma_start3A_281] : memref<32x106x96xi32, #tpu.memory_space<hbm>> -> memref<1x106x96xi32, #tpu.memory_space<hbm>>
      %dma_start3A_283 = tpu.memref_squeeze %dma_start3A_282 : memref<1x106x96xi32, #tpu.memory_space<hbm>> -> memref<106x96xi32, #tpu.memory_space<hbm>>
      %dma_start3A_284 = arith.constant 0 : i32
      %dma_start3A_285 = arith.constant 0 : i32
      %dma_start3A_286 = tpu.memref_slice %arg3[%add3A, %dma_start3A_284, %dma_start3A_285] : memref<32x106x96xi32, #tpu.memory_space<hbm>> -> memref<1x106x96xi32, #tpu.memory_space<hbm>>
      %dma_start3A_287 = tpu.memref_squeeze %dma_start3A_286 : memref<1x106x96xi32, #tpu.memory_space<hbm>> -> memref<106x96xi32, #tpu.memory_space<hbm>>
      tpu.enqueue_dma source(%dma_start3A_287 : memref<106x96xi32, #tpu.memory_space<hbm>>) target(%arg5 : memref<106x96xi32, #tpu.memory_space<vmem>>) target_semaphore(%run_scoped3A_279 : memref<!tpu.dma_semaphore, #tpu.memory_space<semaphore_mem>>)
      %dma_wait3A_288 = arith.constant 0 : i32
      %dma_wait3A_289 = arith.constant 0 : i32
      %dma_wait3A_290 = tpu.memref_slice %arg3[%add3A, %dma_wait3A_288, %dma_wait3A_289] : memref<32x106x96xi32, #tpu.memory_space<hbm>> -> memref<1x106x96xi32, #tpu.memory_space<hbm>>
      %dma_wait3A_291 = tpu.memref_squeeze %dma_wait3A_290 : memref<1x106x96xi32, #tpu.memory_space<hbm>> -> memref<106x96xi32, #tpu.memory_space<hbm>>
      %dma_wait3A_292 = arith.constant 0 : i32
      %dma_wait3A_293 = arith.constant 0 : i32
      %dma_wait3A_294 = tpu.memref_slice %arg3[%add3A, %dma_wait3A_292, %dma_wait3A_293] : memref<32x106x96xi32, #tpu.memory_space<hbm>> -> memref<1x106x96xi32, #tpu.memory_space<hbm>>
      %dma_wait3A_295 = tpu.memref_squeeze %dma_wait3A_294 : memref<1x106x96xi32, #tpu.memory_space<hbm>> -> memref<106x96xi32, #tpu.memory_space<hbm>>
      tpu.wait_dma2 semaphore(%run_scoped3A_279 : memref<!tpu.dma_semaphore, #tpu.memory_space<semaphore_mem>>) src(%dma_wait3A_295 : memref<106x96xi32, #tpu.memory_space<hbm>>) dst(%arg5 : memref<106x96xi32, #tpu.memory_space<vmem>>)
      tpu.yield
    }) : () -> ()
    %scan3A = arith.constant 0 : i32
    %scan3A_1 = arith.constant 8 : i32
    %scan3A_2 = arith.addi %scan3A, %scan3A_1 : i32
    %scan3A_3 = arith.constant 1 : i32
    scf.for %scan3A_279 = %scan3A to %scan3A_2 step %scan3A_3  : i32 {
      %mul3A_280 = arith.constant 1 : i32
      %mul3A_281 = arith.muli %scan3A_279, %mul3A_280 : i32
      %add3A_282 = arith.constant 0 : i32
      %add3A_283 = arith.addi %add3A_282, %mul3A_281 : i32
      %broadcast_in_dim3A = arith.constant 0.000000e+00 : f32
      %broadcast_in_dim3A_284 = vector.broadcast %broadcast_in_dim3A : f32 to vector<1x16xf32>
      %swap3A_285 = arith.index_cast %add3A_283 : i32 to index
      %swap3A_286 = arith.constant 0 : index
      %swap3A_287 = tpu.vector_load %arg12[%swap3A_285, %swap3A_286] {strides = array<i32>} : memref<8x128xf32, #tpu.memory_space<vmem>>, vector<1x16xf32>,
      %swap3A_288 = vector.shape_cast %swap3A_287 : vector<1x16xf32> to vector<1x16xf32>
      %swap3A_289 = vector.shape_cast %broadcast_in_dim3A_284 : vector<1x16xf32> to vector<1x16xf32>
      tpu.vector_store %arg12[%swap3A_285, %swap3A_286], %swap3A_289 {strides = array<i32>} : memref<8x128xf32, #tpu.memory_space<vmem>>, vector<1x16xf32>,
      %broadcast_in_dim3A_290 = arith.constant 0.000000e+00 : f32
      %broadcast_in_dim3A_291 = vector.broadcast %broadcast_in_dim3A_290 : f32 to vector<1x16xf32>
      %swap3A_292 = arith.index_cast %add3A_283 : i32 to index
      %swap3A_293 = arith.constant 16 : index
      %swap3A_294 = tpu.vector_load %arg12[%swap3A_292, %swap3A_293] {strides = array<i32>} : memref<8x128xf32, #tpu.memory_space<vmem>>, vector<1x16xf32>,
      %swap3A_295 = vector.shape_cast %swap3A_294 : vector<1x16xf32> to vector<1x16xf32>
      %swap3A_296 = vector.shape_cast %broadcast_in_dim3A_291 : vector<1x16xf32> to vector<1x16xf32>
      tpu.vector_store %arg12[%swap3A_292, %swap3A_293], %swap3A_296 {strides = array<i32>} : memref<8x128xf32, #tpu.memory_space<vmem>>, vector<1x16xf32>,
      %broadcast_in_dim3A_297 = arith.constant 0.000000e+00 : f32
      %broadcast_in_dim3A_298 = vector.broadcast %broadcast_in_dim3A_297 : f32 to vector<1x16xf32>
      %swap3A_299 = arith.index_cast %add3A_283 : i32 to index
      %swap3A_300 = arith.constant 32 : index
      %swap3A_301 = tpu.vector_load %arg12[%swap3A_299, %swap3A_300] {strides = array<i32>} : memref<8x128xf32, #tpu.memory_space<vmem>>, vector<1x16xf32>,
      %swap3A_302 = vector.shape_cast %swap3A_301 : vector<1x16xf32> to vector<1x16xf32>
      %swap3A_303 = vector.shape_cast %broadcast_in_dim3A_298 : vector<1x16xf32> to vector<1x16xf32>
      tpu.vector_store %arg12[%swap3A_299, %swap3A_300], %swap3A_303 {strides = array<i32>} : memref<8x128xf32, #tpu.memory_space<vmem>>, vector<1x16xf32>,
      %broadcast_in_dim3A_304 = arith.constant 0.000000e+00 : f32
      %broadcast_in_dim3A_305 = vector.broadcast %broadcast_in_dim3A_304 : f32 to vector<1x16xf32>
      %swap3A_306 = arith.index_cast %add3A_283 : i32 to index
      %swap3A_307 = arith.constant 48 : index
      %swap3A_308 = tpu.vector_load %arg12[%swap3A_306, %swap3A_307] {strides = array<i32>} : memref<8x128xf32, #tpu.memory_space<vmem>>, vector<1x16xf32>,
      %swap3A_309 = vector.shape_cast %swap3A_308 : vector<1x16xf32> to vector<1x16xf32>
      %swap3A_310 = vector.shape_cast %broadcast_in_dim3A_305 : vector<1x16xf32> to vector<1x16xf32>
      tpu.vector_store %arg12[%swap3A_306, %swap3A_307], %swap3A_310 {strides = array<i32>} : memref<8x128xf32, #tpu.memory_space<vmem>>, vector<1x16xf32>,
      %broadcast_in_dim3A_311 = arith.constant 0.000000e+00 : f32
      %broadcast_in_dim3A_312 = vector.broadcast %broadcast_in_dim3A_311 : f32 to vector<1x16xf32>
      %swap3A_313 = arith.index_cast %add3A_283 : i32 to index
      %swap3A_314 = arith.constant 64 : index
      %swap3A_315 = tpu.vector_load %arg12[%swap3A_313, %swap3A_314] {strides = array<i32>} : memref<8x128xf32, #tpu.memory_space<vmem>>, vector<1x16xf32>,
      %swap3A_316 = vector.shape_cast %swap3A_315 : vector<1x16xf32> to vector<1x16xf32>
      %swap3A_317 = vector.shape_cast %broadcast_in_dim3A_312 : vector<1x16xf32> to vector<1x16xf32>
      tpu.vector_store %arg12[%swap3A_313, %swap3A_314], %swap3A_317 {strides = array<i32>} : memref<8x128xf32, #tpu.memory_space<vmem>>, vector<1x16xf32>,
      %broadcast_in_dim3A_318 = arith.constant 0.000000e+00 : f32
      %broadcast_in_dim3A_319 = vector.broadcast %broadcast_in_dim3A_318 : f32 to vector<1x16xf32>
      %swap3A_320 = arith.index_cast %add3A_283 : i32 to index
      %swap3A_321 = arith.constant 80 : index
      %swap3A_322 = tpu.vector_load %arg12[%swap3A_320, %swap3A_321] {strides = array<i32>} : memref<8x128xf32, #tpu.memory_space<vmem>>, vector<1x16xf32>,
      %swap3A_323 = vector.shape_cast %swap3A_322 : vector<1x16xf32> to vector<1x16xf32>
      %swap3A_324 = vector.shape_cast %broadcast_in_dim3A_319 : vector<1x16xf32> to vector<1x16xf32>
      tpu.vector_store %arg12[%swap3A_320, %swap3A_321], %swap3A_324 {strides = array<i32>} : memref<8x128xf32, #tpu.memory_space<vmem>>, vector<1x16xf32>,
      %broadcast_in_dim3A_325 = arith.constant 0.000000e+00 : f32
      %broadcast_in_dim3A_326 = vector.broadcast %broadcast_in_dim3A_325 : f32 to vector<1x16xf32>
      %swap3A_327 = arith.index_cast %add3A_283 : i32 to index
      %swap3A_328 = arith.constant 96 : index
      %swap3A_329 = tpu.vector_load %arg12[%swap3A_327, %swap3A_328] {strides = array<i32>} : memref<8x128xf32, #tpu.memory_space<vmem>>, vector<1x16xf32>,
      %swap3A_330 = vector.shape_cast %swap3A_329 : vector<1x16xf32> to vector<1x16xf32>
      %swap3A_331 = vector.shape_cast %broadcast_in_dim3A_326 : vector<1x16xf32> to vector<1x16xf32>
      tpu.vector_store %arg12[%swap3A_327, %swap3A_328], %swap3A_331 {strides = array<i32>} : memref<8x128xf32, #tpu.memory_space<vmem>>, vector<1x16xf32>,
      %broadcast_in_dim3A_332 = arith.constant 0.000000e+00 : f32
      %broadcast_in_dim3A_333 = vector.broadcast %broadcast_in_dim3A_332 : f32 to vector<1x16xf32>
      %swap3A_334 = arith.index_cast %add3A_283 : i32 to index
      %swap3A_335 = arith.constant 112 : index
      %swap3A_336 = tpu.vector_load %arg12[%swap3A_334, %swap3A_335] {strides = array<i32>} : memref<8x128xf32, #tpu.memory_space<vmem>>, vector<1x16xf32>,
      %swap3A_337 = vector.shape_cast %swap3A_336 : vector<1x16xf32> to vector<1x16xf32>
      %swap3A_338 = vector.shape_cast %broadcast_in_dim3A_333 : vector<1x16xf32> to vector<1x16xf32>
      tpu.vector_store %arg12[%swap3A_334, %swap3A_335], %swap3A_338 {strides = array<i32>} : memref<8x128xf32, #tpu.memory_space<vmem>>, vector<1x16xf32>,
    }
    %scan3A_4 = arith.constant 8 : i32
    %mul3A_5 = arith.constant 640 : i32
    %mul3A_6 = arith.muli %arg1, %mul3A_5 : i32
    %scan3A_7 = arith.constant 0 : i32
    %scan3A_8 = arith.constant 80 : i32
    %scan3A_9 = arith.addi %scan3A_7, %scan3A_8 : i32
    %scan3A_10 = arith.constant 1 : i32
    scf.for %scan3A_279 = %scan3A_7 to %scan3A_9 step %scan3A_10  : i32 {
      %mul3A_280 = arith.constant 1 : i32
      %mul3A_281 = arith.muli %scan3A_279, %mul3A_280 : i32
      %add3A_282 = arith.constant 0 : i32
      %add3A_283 = arith.addi %add3A_282, %mul3A_281 : i32
      %mul3A_284 = arith.constant 8 : i32
      %mul3A_285 = arith.muli %add3A_283, %mul3A_284 : i32
      %add3A_286 = arith.addi %mul3A_6, %mul3A_285 : i32
      "tpu.region"() ({
        %run_scoped3A_287 = tpu.sem_alloc : memref<!tpu.dma_semaphore, #tpu.memory_space<semaphore_mem>>
        %dma_start3A_288 = arith.constant 0 : i32
        %dma_start3A_289 = tpu.memref_slice %arg13[%add3A_286, %dma_start3A_288] : memref<10240x128xf32, #tpu.memory_space<vmem_shared>> -> memref<8x128xf32, #tpu.memory_space<vmem_shared>>
        %dma_start3A_290 = arith.constant 0 : i32
        %dma_start3A_291 = tpu.memref_slice %arg13[%add3A_286, %dma_start3A_290] : memref<10240x128xf32, #tpu.memory_space<vmem_shared>> -> memref<8x128xf32, #tpu.memory_space<vmem_shared>>
        tpu.enqueue_dma source(%arg12 : memref<8x128xf32, #tpu.memory_space<vmem>>) target(%dma_start3A_291 : memref<8x128xf32, #tpu.memory_space<vmem_shared>>) target_semaphore(%run_scoped3A_287 : memref<!tpu.dma_semaphore, #tpu.memory_space<semaphore_mem>>)
        %dma_wait3A_292 = arith.constant 0 : i32
        %dma_wait3A_293 = tpu.memref_slice %arg13[%add3A_286, %dma_wait3A_292] : memref<10240x128xf32, #tpu.memory_space<vmem_shared>> -> memref<8x128xf32, #tpu.memory_space<vmem_shared>>
        %dma_wait3A_294 = arith.constant 0 : i32
        %dma_wait3A_295 = tpu.memref_slice %arg13[%add3A_286, %dma_wait3A_294] : memref<10240x128xf32, #tpu.memory_space<vmem_shared>> -> memref<8x128xf32, #tpu.memory_space<vmem_shared>>
        tpu.wait_dma2 semaphore(%run_scoped3A_287 : memref<!tpu.dma_semaphore, #tpu.memory_space<semaphore_mem>>) src(%arg12 : memref<8x128xf32, #tpu.memory_space<vmem>>) dst(%dma_wait3A_295 : memref<8x128xf32, #tpu.memory_space<vmem_shared>>)
        tpu.yield
      }) : () -> ()
    }
    %scan3A_11 = arith.constant 80 : i32
    %barrier3A = arith.constant 0 : index
    tpu.barrier barrier_id(%barrier3A)
    %get3A = arith.constant 0 : index
    %get3A_12 = arith.constant 0 : index
    %get3A_13 = tpu.vector_load %arg5[%get3A, %get3A_12] {strides = array<i32>} : memref<106x96xi32, #tpu.memory_space<vmem>>, vector<1x16xi32>,
    %get3A_14 = vector.shape_cast %get3A_13 : vector<1x16xi32> to vector<1x16xi32>
    %shift_right_logical3A = arith.constant 14 : i32
    %shift_right_logical3A_15 = vector.broadcast %shift_right_logical3A : i32 to vector<1x16xi32>
    %shift_right_logical3A_16 = arith.shrui %get3A_14, %shift_right_logical3A_15 : vector<1x16xi32>
    %swap3A = arith.constant 0 : index
    %swap3A_17 = arith.constant 0 : index
    %swap3A_18 = tpu.vector_load %arg6[%swap3A, %swap3A_17] {strides = array<i32>} : memref<1x96xi32, #tpu.memory_space<vmem>>, vector<1x16xi32>,
    %swap3A_19 = vector.shape_cast %swap3A_18 : vector<1x16xi32> to vector<1x16xi32>
    %swap3A_20 = vector.shape_cast %shift_right_logical3A_16 : vector<1x16xi32> to vector<1x16xi32>
    tpu.vector_store %arg6[%swap3A, %swap3A_17], %swap3A_20 {strides = array<i32>} : memref<1x96xi32, #tpu.memory_space<vmem>>, vector<1x16xi32>,
    %and3A = arith.constant 16383 : i32
    %and3A_21 = vector.broadcast %and3A : i32 to vector<1x16xi32>
    %and3A_22 = arith.andi %get3A_14, %and3A_21 : vector<1x16xi32>
    %swap3A_23 = arith.constant 0 : index
    %swap3A_24 = arith.constant 0 : index
    %swap3A_25 = tpu.vector_load %arg8[%swap3A_23, %swap3A_24] {strides = array<i32>} : memref<1x96xi32, #tpu.memory_space<vmem>>, vector<1x16xi32>,
    %swap3A_26 = vector.shape_cast %swap3A_25 : vector<1x16xi32> to vector<1x16xi32>
    %swap3A_27 = vector.shape_cast %and3A_22 : vector<1x16xi32> to vector<1x16xi32>
    tpu.vector_store %arg8[%swap3A_23, %swap3A_24], %swap3A_27 {strides = array<i32>} : memref<1x96xi32, #tpu.memory_space<vmem>>, vector<1x16xi32>,
    %get3A_28 = arith.constant 0 : index
    %get3A_29 = arith.constant 16 : index
    %get3A_30 = tpu.vector_load %arg5[%get3A_28, %get3A_29] {strides = array<i32>} : memref<106x96xi32, #tpu.memory_space<vmem>>, vector<1x16xi32>,
    %get3A_31 = vector.shape_cast %get3A_30 : vector<1x16xi32> to vector<1x16xi32>
    %shift_right_logical3A_32 = arith.constant 14 : i32
    %shift_right_logical3A_33 = vector.broadcast %shift_right_logical3A_32 : i32 to vector<1x16xi32>
    %shift_right_logical3A_34 = arith.shrui %get3A_31, %shift_right_logical3A_33 : vector<1x16xi32>
    %swap3A_35 = arith.constant 0 : index
    %swap3A_36 = arith.constant 16 : index
    %swap3A_37 = tpu.vector_load %arg6[%swap3A_35, %swap3A_36] {strides = array<i32>} : memref<1x96xi32, #tpu.memory_space<vmem>>, vector<1x16xi32>,
    %swap3A_38 = vector.shape_cast %swap3A_37 : vector<1x16xi32> to vector<1x16xi32>
    %swap3A_39 = vector.shape_cast %shift_right_logical3A_34 : vector<1x16xi32> to vector<1x16xi32>
    tpu.vector_store %arg6[%swap3A_35, %swap3A_36], %swap3A_39 {strides = array<i32>} : memref<1x96xi32, #tpu.memory_space<vmem>>, vector<1x16xi32>,
    %and3A_40 = arith.constant 16383 : i32
    %and3A_41 = vector.broadcast %and3A_40 : i32 to vector<1x16xi32>
    %and3A_42 = arith.andi %get3A_31, %and3A_41 : vector<1x16xi32>
    %swap3A_43 = arith.constant 0 : index
    %swap3A_44 = arith.constant 16 : index
    %swap3A_45 = tpu.vector_load %arg8[%swap3A_43, %swap3A_44] {strides = array<i32>} : memref<1x96xi32, #tpu.memory_space<vmem>>, vector<1x16xi32>,
    %swap3A_46 = vector.shape_cast %swap3A_45 : vector<1x16xi32> to vector<1x16xi32>
    %swap3A_47 = vector.shape_cast %and3A_42 : vector<1x16xi32> to vector<1x16xi32>
    tpu.vector_store %arg8[%swap3A_43, %swap3A_44], %swap3A_47 {strides = array<i32>} : memref<1x96xi32, #tpu.memory_space<vmem>>, vector<1x16xi32>,
    %get3A_48 = arith.constant 0 : index
    %get3A_49 = arith.constant 32 : index
    %get3A_50 = tpu.vector_load %arg5[%get3A_48, %get3A_49] {strides = array<i32>} : memref<106x96xi32, #tpu.memory_space<vmem>>, vector<1x16xi32>,
    %get3A_51 = vector.shape_cast %get3A_50 : vector<1x16xi32> to vector<1x16xi32>
    %shift_right_logical3A_52 = arith.constant 14 : i32
    %shift_right_logical3A_53 = vector.broadcast %shift_right_logical3A_52 : i32 to vector<1x16xi32>
    %shift_right_logical3A_54 = arith.shrui %get3A_51, %shift_right_logical3A_53 : vector<1x16xi32>
    %swap3A_55 = arith.constant 0 : index
    %swap3A_56 = arith.constant 32 : index
    %swap3A_57 = tpu.vector_load %arg6[%swap3A_55, %swap3A_56] {strides = array<i32>} : memref<1x96xi32, #tpu.memory_space<vmem>>, vector<1x16xi32>,
    %swap3A_58 = vector.shape_cast %swap3A_57 : vector<1x16xi32> to vector<1x16xi32>
    %swap3A_59 = vector.shape_cast %shift_right_logical3A_54 : vector<1x16xi32> to vector<1x16xi32>
    tpu.vector_store %arg6[%swap3A_55, %swap3A_56], %swap3A_59 {strides = array<i32>} : memref<1x96xi32, #tpu.memory_space<vmem>>, vector<1x16xi32>,
    %and3A_60 = arith.constant 16383 : i32
    %and3A_61 = vector.broadcast %and3A_60 : i32 to vector<1x16xi32>
    %and3A_62 = arith.andi %get3A_51, %and3A_61 : vector<1x16xi32>
    %swap3A_63 = arith.constant 0 : index
    %swap3A_64 = arith.constant 32 : index
    %swap3A_65 = tpu.vector_load %arg8[%swap3A_63, %swap3A_64] {strides = array<i32>} : memref<1x96xi32, #tpu.memory_space<vmem>>, vector<1x16xi32>,
    %swap3A_66 = vector.shape_cast %swap3A_65 : vector<1x16xi32> to vector<1x16xi32>
    %swap3A_67 = vector.shape_cast %and3A_62 : vector<1x16xi32> to vector<1x16xi32>
    tpu.vector_store %arg8[%swap3A_63, %swap3A_64], %swap3A_67 {strides = array<i32>} : memref<1x96xi32, #tpu.memory_space<vmem>>, vector<1x16xi32>,
    %get3A_68 = arith.constant 0 : index
    %get3A_69 = arith.constant 48 : index
    %get3A_70 = tpu.vector_load %arg5[%get3A_68, %get3A_69] {strides = array<i32>} : memref<106x96xi32, #tpu.memory_space<vmem>>, vector<1x16xi32>,
    %get3A_71 = vector.shape_cast %get3A_70 : vector<1x16xi32> to vector<1x16xi32>
    %shift_right_logical3A_72 = arith.constant 14 : i32
    %shift_right_logical3A_73 = vector.broadcast %shift_right_logical3A_72 : i32 to vector<1x16xi32>
    %shift_right_logical3A_74 = arith.shrui %get3A_71, %shift_right_logical3A_73 : vector<1x16xi32>
    %swap3A_75 = arith.constant 0 : index
    %swap3A_76 = arith.constant 48 : index
    %swap3A_77 = tpu.vector_load %arg6[%swap3A_75, %swap3A_76] {strides = array<i32>} : memref<1x96xi32, #tpu.memory_space<vmem>>, vector<1x16xi32>,
    %swap3A_78 = vector.shape_cast %swap3A_77 : vector<1x16xi32> to vector<1x16xi32>
    %swap3A_79 = vector.shape_cast %shift_right_logical3A_74 : vector<1x16xi32> to vector<1x16xi32>
    tpu.vector_store %arg6[%swap3A_75, %swap3A_76], %swap3A_79 {strides = array<i32>} : memref<1x96xi32, #tpu.memory_space<vmem>>, vector<1x16xi32>,
    %and3A_80 = arith.constant 16383 : i32
    %and3A_81 = vector.broadcast %and3A_80 : i32 to vector<1x16xi32>
    %and3A_82 = arith.andi %get3A_71, %and3A_81 : vector<1x16xi32>
    %swap3A_83 = arith.constant 0 : index
    %swap3A_84 = arith.constant 48 : index
    %swap3A_85 = tpu.vector_load %arg8[%swap3A_83, %swap3A_84] {strides = array<i32>} : memref<1x96xi32, #tpu.memory_space<vmem>>, vector<1x16xi32>,
    %swap3A_86 = vector.shape_cast %swap3A_85 : vector<1x16xi32> to vector<1x16xi32>
    %swap3A_87 = vector.shape_cast %and3A_82 : vector<1x16xi32> to vector<1x16xi32>
    tpu.vector_store %arg8[%swap3A_83, %swap3A_84], %swap3A_87 {strides = array<i32>} : memref<1x96xi32, #tpu.memory_space<vmem>>, vector<1x16xi32>,
    %get3A_88 = arith.constant 0 : index
    %get3A_89 = arith.constant 64 : index
    %get3A_90 = tpu.vector_load %arg5[%get3A_88, %get3A_89] {strides = array<i32>} : memref<106x96xi32, #tpu.memory_space<vmem>>, vector<1x16xi32>,
    %get3A_91 = vector.shape_cast %get3A_90 : vector<1x16xi32> to vector<1x16xi32>
    %shift_right_logical3A_92 = arith.constant 14 : i32
    %shift_right_logical3A_93 = vector.broadcast %shift_right_logical3A_92 : i32 to vector<1x16xi32>
    %shift_right_logical3A_94 = arith.shrui %get3A_91, %shift_right_logical3A_93 : vector<1x16xi32>
    %swap3A_95 = arith.constant 0 : index
    %swap3A_96 = arith.constant 64 : index
    %swap3A_97 = tpu.vector_load %arg6[%swap3A_95, %swap3A_96] {strides = array<i32>} : memref<1x96xi32, #tpu.memory_space<vmem>>, vector<1x16xi32>,
    %swap3A_98 = vector.shape_cast %swap3A_97 : vector<1x16xi32> to vector<1x16xi32>
    %swap3A_99 = vector.shape_cast %shift_right_logical3A_94 : vector<1x16xi32> to vector<1x16xi32>
    tpu.vector_store %arg6[%swap3A_95, %swap3A_96], %swap3A_99 {strides = array<i32>} : memref<1x96xi32, #tpu.memory_space<vmem>>, vector<1x16xi32>,
    %and3A_100 = arith.constant 16383 : i32
    %and3A_101 = vector.broadcast %and3A_100 : i32 to vector<1x16xi32>
    %and3A_102 = arith.andi %get3A_91, %and3A_101 : vector<1x16xi32>
    %swap3A_103 = arith.constant 0 : index
    %swap3A_104 = arith.constant 64 : index
    %swap3A_105 = tpu.vector_load %arg8[%swap3A_103, %swap3A_104] {strides = array<i32>} : memref<1x96xi32, #tpu.memory_space<vmem>>, vector<1x16xi32>,
    %swap3A_106 = vector.shape_cast %swap3A_105 : vector<1x16xi32> to vector<1x16xi32>
    %swap3A_107 = vector.shape_cast %and3A_102 : vector<1x16xi32> to vector<1x16xi32>
    tpu.vector_store %arg8[%swap3A_103, %swap3A_104], %swap3A_107 {strides = array<i32>} : memref<1x96xi32, #tpu.memory_space<vmem>>, vector<1x16xi32>,
    %get3A_108 = arith.constant 0 : index
    %get3A_109 = arith.constant 80 : index
    %get3A_110 = tpu.vector_load %arg5[%get3A_108, %get3A_109] {strides = array<i32>} : memref<106x96xi32, #tpu.memory_space<vmem>>, vector<1x16xi32>,
    %get3A_111 = vector.shape_cast %get3A_110 : vector<1x16xi32> to vector<1x16xi32>
    %shift_right_logical3A_112 = arith.constant 14 : i32
    %shift_right_logical3A_113 = vector.broadcast %shift_right_logical3A_112 : i32 to vector<1x16xi32>
    %shift_right_logical3A_114 = arith.shrui %get3A_111, %shift_right_logical3A_113 : vector<1x16xi32>
    %swap3A_115 = arith.constant 0 : index
    %swap3A_116 = arith.constant 80 : index
    %swap3A_117 = tpu.vector_load %arg6[%swap3A_115, %swap3A_116] {strides = array<i32>} : memref<1x96xi32, #tpu.memory_space<vmem>>, vector<1x16xi32>,
    %swap3A_118 = vector.shape_cast %swap3A_117 : vector<1x16xi32> to vector<1x16xi32>
    %swap3A_119 = vector.shape_cast %shift_right_logical3A_114 : vector<1x16xi32> to vector<1x16xi32>
    tpu.vector_store %arg6[%swap3A_115, %swap3A_116], %swap3A_119 {strides = array<i32>} : memref<1x96xi32, #tpu.memory_space<vmem>>, vector<1x16xi32>,
    %and3A_120 = arith.constant 16383 : i32
    %and3A_121 = vector.broadcast %and3A_120 : i32 to vector<1x16xi32>
    %and3A_122 = arith.andi %get3A_111, %and3A_121 : vector<1x16xi32>
    %swap3A_123 = arith.constant 0 : index
    %swap3A_124 = arith.constant 80 : index
    %swap3A_125 = tpu.vector_load %arg8[%swap3A_123, %swap3A_124] {strides = array<i32>} : memref<1x96xi32, #tpu.memory_space<vmem>>, vector<1x16xi32>,
    %swap3A_126 = vector.shape_cast %swap3A_125 : vector<1x16xi32> to vector<1x16xi32>
    %swap3A_127 = vector.shape_cast %and3A_122 : vector<1x16xi32> to vector<1x16xi32>
    tpu.vector_store %arg8[%swap3A_123, %swap3A_124], %swap3A_127 {strides = array<i32>} : memref<1x96xi32, #tpu.memory_space<vmem>>, vector<1x16xi32>,
    %dma_start3A = arith.constant 0 : i32
    %dma_start3A_128 = arith.constant 0 : i32
    %dma_start3A_129 = tpu.memref_slice %arg6[%dma_start3A, %dma_start3A_128] : memref<1x96xi32, #tpu.memory_space<vmem>> -> memref<1x96xi32, #tpu.memory_space<vmem>>
    %dma_start3A_130 = tpu.memref_squeeze %dma_start3A_129 : memref<1x96xi32, #tpu.memory_space<vmem>> -> memref<96xi32, #tpu.memory_space<vmem>>
    %dma_start3A_131 = arith.constant 0 : i32
    %dma_start3A_132 = arith.constant 0 : i32
    %dma_start3A_133 = tpu.memref_slice %arg2[%dma_start3A_131, %dma_start3A_132] : memref<10000x128xf32, #tpu.memory_space<hbm>> -> memref<10000x128xf32, #tpu.memory_space<hbm>>
    tpu.enqueue_indirect_dma source(%dma_start3A_133 : memref<10000x128xf32, #tpu.memory_space<hbm>>) target(%arg10 : memref<96x128xf32, #tpu.memory_space<vmem>>) offsets(%dma_start3A_130 : memref<96xi32, #tpu.memory_space<vmem>>) semaphore(%arg14 : memref<!tpu.dma_semaphore, #tpu.memory_space<semaphore_mem>>)
    %get3A_134 = arith.constant 1 : index
    %get3A_135 = arith.constant 0 : index
    %get3A_136 = tpu.vector_load %arg5[%get3A_134, %get3A_135] {strides = array<i32>} : memref<106x96xi32, #tpu.memory_space<vmem>>, vector<1x16xi32>,
    %get3A_137 = vector.shape_cast %get3A_136 : vector<1x16xi32> to vector<1x16xi32>
    %shift_right_logical3A_138 = arith.constant 14 : i32
    %shift_right_logical3A_139 = vector.broadcast %shift_right_logical3A_138 : i32 to vector<1x16xi32>
    %shift_right_logical3A_140 = arith.shrui %get3A_137, %shift_right_logical3A_139 : vector<1x16xi32>
    %swap3A_141 = arith.constant 0 : index
    %swap3A_142 = arith.constant 0 : index
    %swap3A_143 = tpu.vector_load %arg7[%swap3A_141, %swap3A_142] {strides = array<i32>} : memref<1x96xi32, #tpu.memory_space<vmem>>, vector<1x16xi32>,
    %swap3A_144 = vector.shape_cast %swap3A_143 : vector<1x16xi32> to vector<1x16xi32>
    %swap3A_145 = vector.shape_cast %shift_right_logical3A_140 : vector<1x16xi32> to vector<1x16xi32>
    tpu.vector_store %arg7[%swap3A_141, %swap3A_142], %swap3A_145 {strides = array<i32>} : memref<1x96xi32, #tpu.memory_space<vmem>>, vector<1x16xi32>,
    %and3A_146 = arith.constant 16383 : i32
    %and3A_147 = vector.broadcast %and3A_146 : i32 to vector<1x16xi32>
    %and3A_148 = arith.andi %get3A_137, %and3A_147 : vector<1x16xi32>
    %swap3A_149 = arith.constant 0 : index
    %swap3A_150 = arith.constant 0 : index
    %swap3A_151 = tpu.vector_load %arg9[%swap3A_149, %swap3A_150] {strides = array<i32>} : memref<1x96xi32, #tpu.memory_space<vmem>>, vector<1x16xi32>,
    %swap3A_152 = vector.shape_cast %swap3A_151 : vector<1x16xi32> to vector<1x16xi32>
    %swap3A_153 = vector.shape_cast %and3A_148 : vector<1x16xi32> to vector<1x16xi32>
    tpu.vector_store %arg9[%swap3A_149, %swap3A_150], %swap3A_153 {strides = array<i32>} : memref<1x96xi32, #tpu.memory_space<vmem>>, vector<1x16xi32>,
    %get3A_154 = arith.constant 1 : index
    %get3A_155 = arith.constant 16 : index
    %get3A_156 = tpu.vector_load %arg5[%get3A_154, %get3A_155] {strides = array<i32>} : memref<106x96xi32, #tpu.memory_space<vmem>>, vector<1x16xi32>,
    %get3A_157 = vector.shape_cast %get3A_156 : vector<1x16xi32> to vector<1x16xi32>
    %shift_right_logical3A_158 = arith.constant 14 : i32
    %shift_right_logical3A_159 = vector.broadcast %shift_right_logical3A_158 : i32 to vector<1x16xi32>
    %shift_right_logical3A_160 = arith.shrui %get3A_157, %shift_right_logical3A_159 : vector<1x16xi32>
    %swap3A_161 = arith.constant 0 : index
    %swap3A_162 = arith.constant 16 : index
    %swap3A_163 = tpu.vector_load %arg7[%swap3A_161, %swap3A_162] {strides = array<i32>} : memref<1x96xi32, #tpu.memory_space<vmem>>, vector<1x16xi32>,
    %swap3A_164 = vector.shape_cast %swap3A_163 : vector<1x16xi32> to vector<1x16xi32>
    %swap3A_165 = vector.shape_cast %shift_right_logical3A_160 : vector<1x16xi32> to vector<1x16xi32>
    tpu.vector_store %arg7[%swap3A_161, %swap3A_162], %swap3A_165 {strides = array<i32>} : memref<1x96xi32, #tpu.memory_space<vmem>>, vector<1x16xi32>,
    %and3A_166 = arith.constant 16383 : i32
    %and3A_167 = vector.broadcast %and3A_166 : i32 to vector<1x16xi32>
    %and3A_168 = arith.andi %get3A_157, %and3A_167 : vector<1x16xi32>
    %swap3A_169 = arith.constant 0 : index
    %swap3A_170 = arith.constant 16 : index
    %swap3A_171 = tpu.vector_load %arg9[%swap3A_169, %swap3A_170] {strides = array<i32>} : memref<1x96xi32, #tpu.memory_space<vmem>>, vector<1x16xi32>,
    %swap3A_172 = vector.shape_cast %swap3A_171 : vector<1x16xi32> to vector<1x16xi32>
    %swap3A_173 = vector.shape_cast %and3A_168 : vector<1x16xi32> to vector<1x16xi32>
    tpu.vector_store %arg9[%swap3A_169, %swap3A_170], %swap3A_173 {strides = array<i32>} : memref<1x96xi32, #tpu.memory_space<vmem>>, vector<1x16xi32>,
    %get3A_174 = arith.constant 1 : index
    %get3A_175 = arith.constant 32 : index
    %get3A_176 = tpu.vector_load %arg5[%get3A_174, %get3A_175] {strides = array<i32>} : memref<106x96xi32, #tpu.memory_space<vmem>>, vector<1x16xi32>,
    %get3A_177 = vector.shape_cast %get3A_176 : vector<1x16xi32> to vector<1x16xi32>
    %shift_right_logical3A_178 = arith.constant 14 : i32
    %shift_right_logical3A_179 = vector.broadcast %shift_right_logical3A_178 : i32 to vector<1x16xi32>
    %shift_right_logical3A_180 = arith.shrui %get3A_177, %shift_right_logical3A_179 : vector<1x16xi32>
    %swap3A_181 = arith.constant 0 : index
    %swap3A_182 = arith.constant 32 : index
    %swap3A_183 = tpu.vector_load %arg7[%swap3A_181, %swap3A_182] {strides = array<i32>} : memref<1x96xi32, #tpu.memory_space<vmem>>, vector<1x16xi32>,
    %swap3A_184 = vector.shape_cast %swap3A_183 : vector<1x16xi32> to vector<1x16xi32>
    %swap3A_185 = vector.shape_cast %shift_right_logical3A_180 : vector<1x16xi32> to vector<1x16xi32>
    tpu.vector_store %arg7[%swap3A_181, %swap3A_182], %swap3A_185 {strides = array<i32>} : memref<1x96xi32, #tpu.memory_space<vmem>>, vector<1x16xi32>,
    %and3A_186 = arith.constant 16383 : i32
    %and3A_187 = vector.broadcast %and3A_186 : i32 to vector<1x16xi32>
    %and3A_188 = arith.andi %get3A_177, %and3A_187 : vector<1x16xi32>
    %swap3A_189 = arith.constant 0 : index
    %swap3A_190 = arith.constant 32 : index
    %swap3A_191 = tpu.vector_load %arg9[%swap3A_189, %swap3A_190] {strides = array<i32>} : memref<1x96xi32, #tpu.memory_space<vmem>>, vector<1x16xi32>,
    %swap3A_192 = vector.shape_cast %swap3A_191 : vector<1x16xi32> to vector<1x16xi32>
    %swap3A_193 = vector.shape_cast %and3A_188 : vector<1x16xi32> to vector<1x16xi32>
    tpu.vector_store %arg9[%swap3A_189, %swap3A_190], %swap3A_193 {strides = array<i32>} : memref<1x96xi32, #tpu.memory_space<vmem>>, vector<1x16xi32>,
    %get3A_194 = arith.constant 1 : index
    %get3A_195 = arith.constant 48 : index
    %get3A_196 = tpu.vector_load %arg5[%get3A_194, %get3A_195] {strides = array<i32>} : memref<106x96xi32, #tpu.memory_space<vmem>>, vector<1x16xi32>,
    %get3A_197 = vector.shape_cast %get3A_196 : vector<1x16xi32> to vector<1x16xi32>
    %shift_right_logical3A_198 = arith.constant 14 : i32
    %shift_right_logical3A_199 = vector.broadcast %shift_right_logical3A_198 : i32 to vector<1x16xi32>
    %shift_right_logical3A_200 = arith.shrui %get3A_197, %shift_right_logical3A_199 : vector<1x16xi32>
    %swap3A_201 = arith.constant 0 : index
    %swap3A_202 = arith.constant 48 : index
    %swap3A_203 = tpu.vector_load %arg7[%swap3A_201, %swap3A_202] {strides = array<i32>} : memref<1x96xi32, #tpu.memory_space<vmem>>, vector<1x16xi32>,
    %swap3A_204 = vector.shape_cast %swap3A_203 : vector<1x16xi32> to vector<1x16xi32>
    %swap3A_205 = vector.shape_cast %shift_right_logical3A_200 : vector<1x16xi32> to vector<1x16xi32>
    tpu.vector_store %arg7[%swap3A_201, %swap3A_202], %swap3A_205 {strides = array<i32>} : memref<1x96xi32, #tpu.memory_space<vmem>>, vector<1x16xi32>,
    %and3A_206 = arith.constant 16383 : i32
    %and3A_207 = vector.broadcast %and3A_206 : i32 to vector<1x16xi32>
    %and3A_208 = arith.andi %get3A_197, %and3A_207 : vector<1x16xi32>
    %swap3A_209 = arith.constant 0 : index
    %swap3A_210 = arith.constant 48 : index
    %swap3A_211 = tpu.vector_load %arg9[%swap3A_209, %swap3A_210] {strides = array<i32>} : memref<1x96xi32, #tpu.memory_space<vmem>>, vector<1x16xi32>,
    %swap3A_212 = vector.shape_cast %swap3A_211 : vector<1x16xi32> to vector<1x16xi32>
    %swap3A_213 = vector.shape_cast %and3A_208 : vector<1x16xi32> to vector<1x16xi32>
    tpu.vector_store %arg9[%swap3A_209, %swap3A_210], %swap3A_213 {strides = array<i32>} : memref<1x96xi32, #tpu.memory_space<vmem>>, vector<1x16xi32>,
    %get3A_214 = arith.constant 1 : index
    %get3A_215 = arith.constant 64 : index
    %get3A_216 = tpu.vector_load %arg5[%get3A_214, %get3A_215] {strides = array<i32>} : memref<106x96xi32, #tpu.memory_space<vmem>>, vector<1x16xi32>,
    %get3A_217 = vector.shape_cast %get3A_216 : vector<1x16xi32> to vector<1x16xi32>
    %shift_right_logical3A_218 = arith.constant 14 : i32
    %shift_right_logical3A_219 = vector.broadcast %shift_right_logical3A_218 : i32 to vector<1x16xi32>
    %shift_right_logical3A_220 = arith.shrui %get3A_217, %shift_right_logical3A_219 : vector<1x16xi32>
    %swap3A_221 = arith.constant 0 : index
    %swap3A_222 = arith.constant 64 : index
    %swap3A_223 = tpu.vector_load %arg7[%swap3A_221, %swap3A_222] {strides = array<i32>} : memref<1x96xi32, #tpu.memory_space<vmem>>, vector<1x16xi32>,
    %swap3A_224 = vector.shape_cast %swap3A_223 : vector<1x16xi32> to vector<1x16xi32>
    %swap3A_225 = vector.shape_cast %shift_right_logical3A_220 : vector<1x16xi32> to vector<1x16xi32>
    tpu.vector_store %arg7[%swap3A_221, %swap3A_222], %swap3A_225 {strides = array<i32>} : memref<1x96xi32, #tpu.memory_space<vmem>>, vector<1x16xi32>,
    %and3A_226 = arith.constant 16383 : i32
    %and3A_227 = vector.broadcast %and3A_226 : i32 to vector<1x16xi32>
    %and3A_228 = arith.andi %get3A_217, %and3A_227 : vector<1x16xi32>
    %swap3A_229 = arith.constant 0 : index
    %swap3A_230 = arith.constant 64 : index
    %swap3A_231 = tpu.vector_load %arg9[%swap3A_229, %swap3A_230] {strides = array<i32>} : memref<1x96xi32, #tpu.memory_space<vmem>>, vector<1x16xi32>,
    %swap3A_232 = vector.shape_cast %swap3A_231 : vector<1x16xi32> to vector<1x16xi32>
    %swap3A_233 = vector.shape_cast %and3A_228 : vector<1x16xi32> to vector<1x16xi32>
    tpu.vector_store %arg9[%swap3A_229, %swap3A_230], %swap3A_233 {strides = array<i32>} : memref<1x96xi32, #tpu.memory_space<vmem>>, vector<1x16xi32>,
    %get3A_234 = arith.constant 1 : index
    %get3A_235 = arith.constant 80 : index
    %get3A_236 = tpu.vector_load %arg5[%get3A_234, %get3A_235] {strides = array<i32>} : memref<106x96xi32, #tpu.memory_space<vmem>>, vector<1x16xi32>,
    %get3A_237 = vector.shape_cast %get3A_236 : vector<1x16xi32> to vector<1x16xi32>
    %shift_right_logical3A_238 = arith.constant 14 : i32
    %shift_right_logical3A_239 = vector.broadcast %shift_right_logical3A_238 : i32 to vector<1x16xi32>
    %shift_right_logical3A_240 = arith.shrui %get3A_237, %shift_right_logical3A_239 : vector<1x16xi32>
    %swap3A_241 = arith.constant 0 : index
    %swap3A_242 = arith.constant 80 : index
    %swap3A_243 = tpu.vector_load %arg7[%swap3A_241, %swap3A_242] {strides = array<i32>} : memref<1x96xi32, #tpu.memory_space<vmem>>, vector<1x16xi32>,
    %swap3A_244 = vector.shape_cast %swap3A_243 : vector<1x16xi32> to vector<1x16xi32>
    %swap3A_245 = vector.shape_cast %shift_right_logical3A_240 : vector<1x16xi32> to vector<1x16xi32>
    tpu.vector_store %arg7[%swap3A_241, %swap3A_242], %swap3A_245 {strides = array<i32>} : memref<1x96xi32, #tpu.memory_space<vmem>>, vector<1x16xi32>,
    %and3A_246 = arith.constant 16383 : i32
    %and3A_247 = vector.broadcast %and3A_246 : i32 to vector<1x16xi32>
    %and3A_248 = arith.andi %get3A_237, %and3A_247 : vector<1x16xi32>
    %swap3A_249 = arith.constant 0 : index
    %swap3A_250 = arith.constant 80 : index
    %swap3A_251 = tpu.vector_load %arg9[%swap3A_249, %swap3A_250] {strides = array<i32>} : memref<1x96xi32, #tpu.memory_space<vmem>>, vector<1x16xi32>,
    %swap3A_252 = vector.shape_cast %swap3A_251 : vector<1x16xi32> to vector<1x16xi32>
    %swap3A_253 = vector.shape_cast %and3A_248 : vector<1x16xi32> to vector<1x16xi32>
    tpu.vector_store %arg9[%swap3A_249, %swap3A_250], %swap3A_253 {strides = array<i32>} : memref<1x96xi32, #tpu.memory_space<vmem>>, vector<1x16xi32>,
    %dma_start3A_254 = arith.constant 0 : i32
    %dma_start3A_255 = arith.constant 0 : i32
    %dma_start3A_256 = tpu.memref_slice %arg7[%dma_start3A_254, %dma_start3A_255] : memref<1x96xi32, #tpu.memory_space<vmem>> -> memref<1x96xi32, #tpu.memory_space<vmem>>
    %dma_start3A_257 = tpu.memref_squeeze %dma_start3A_256 : memref<1x96xi32, #tpu.memory_space<vmem>> -> memref<96xi32, #tpu.memory_space<vmem>>
    %dma_start3A_258 = arith.constant 0 : i32
    %dma_start3A_259 = arith.constant 0 : i32
    %dma_start3A_260 = tpu.memref_slice %arg2[%dma_start3A_258, %dma_start3A_259] : memref<10000x128xf32, #tpu.memory_space<hbm>> -> memref<10000x128xf32, #tpu.memory_space<hbm>>
    tpu.enqueue_indirect_dma source(%dma_start3A_260 : memref<10000x128xf32, #tpu.memory_space<hbm>>) target(%arg11 : memref<96x128xf32, #tpu.memory_space<vmem>>) offsets(%dma_start3A_257 : memref<96xi32, #tpu.memory_space<vmem>>) semaphore(%arg15 : memref<!tpu.dma_semaphore, #tpu.memory_space<semaphore_mem>>)
    %scan3A_261 = arith.constant 0 : i32
    %scan3A_262 = arith.constant 52 : i32
    %scan3A_263 = arith.addi %scan3A_261, %scan3A_262 : i32
    %scan3A_264 = arith.constant 1 : i32
    scf.for %scan3A_279 = %scan3A_261 to %scan3A_263 step %scan3A_264  : i32 {
      %mul3A_280 = arith.constant 1 : i32
      %mul3A_281 = arith.muli %scan3A_279, %mul3A_280 : i32
      %add3A_282 = arith.constant 0 : i32
      %add3A_283 = arith.addi %add3A_282, %mul3A_281 : i32
      %mul3A_284 = arith.constant 2 : i32
      %mul3A_285 = arith.muli %add3A_283, %mul3A_284 : i32
      %dma_wait3A_286 = arith.constant 0 : i32
      %dma_wait3A_287 = arith.constant 0 : i32
      %dma_wait3A_288 = tpu.memref_slice %arg2[%dma_wait3A_286, %dma_wait3A_287] : memref<10000x128xf32, #tpu.memory_space<hbm>> -> memref<96x128xf32, #tpu.memory_space<hbm>>
      %dma_wait3A_289 = arith.constant 0 : i32
      %dma_wait3A_290 = arith.constant 0 : i32
      %dma_wait3A_291 = tpu.memref_slice %arg2[%dma_wait3A_289, %dma_wait3A_290] : memref<10000x128xf32, #tpu.memory_space<hbm>> -> memref<96x128xf32, #tpu.memory_space<hbm>>
      tpu.wait_dma2 semaphore(%arg14 : memref<!tpu.dma_semaphore, #tpu.memory_space<semaphore_mem>>) src(%dma_wait3A_291 : memref<96x128xf32, #tpu.memory_space<hbm>>) dst(%arg10 : memref<96x128xf32, #tpu.memory_space<vmem>>)
      %run_scoped3A_292 = arith.constant 0 : i32
      "tpu.region"() ({
        %run_scoped3A_562 = tpu.sem_alloc : memref<!tpu.dma_semaphore, #tpu.memory_space<semaphore_mem>>
        %dma_start3A_563 = arith.constant 0 : i32
        %dma_start3A_564 = tpu.memref_slice %arg8[%run_scoped3A_292, %dma_start3A_563] : memref<1x96xi32, #tpu.memory_space<vmem>> -> memref<1x96xi32, #tpu.memory_space<vmem>>
        %dma_start3A_565 = tpu.memref_squeeze %dma_start3A_564 : memref<1x96xi32, #tpu.memory_space<vmem>> -> memref<96xi32, #tpu.memory_space<vmem>>
        %dma_start3A_566 = arith.constant 0 : i32
        %dma_start3A_567 = arith.constant 0 : i32
        %dma_start3A_568 = tpu.memref_slice %arg13[%dma_start3A_566, %dma_start3A_567] : memref<10240x128xf32, #tpu.memory_space<vmem_shared>> -> memref<10240x128xf32, #tpu.memory_space<vmem_shared>>
        tpu.enqueue_indirect_dma source(%arg10 : memref<96x128xf32, #tpu.memory_space<vmem>>) target(%dma_start3A_568 : memref<10240x128xf32, #tpu.memory_space<vmem_shared>>) offsets(%dma_start3A_565 : memref<96xi32, #tpu.memory_space<vmem>>) semaphore(%run_scoped3A_562 : memref<!tpu.dma_semaphore, #tpu.memory_space<semaphore_mem>>) {add = true}
        %dma_wait3A_569 = arith.constant 0 : i32
        %dma_wait3A_570 = tpu.memref_slice %arg8[%run_scoped3A_292, %dma_wait3A_569] : memref<1x96xi32, #tpu.memory_space<vmem>> -> memref<1x96xi32, #tpu.memory_space<vmem>>
        %dma_wait3A_571 = tpu.memref_squeeze %dma_wait3A_570 : memref<1x96xi32, #tpu.memory_space<vmem>> -> memref<96xi32, #tpu.memory_space<vmem>>
        %dma_wait3A_572 = arith.constant 0 : i32
        %dma_wait3A_573 = arith.constant 0 : i32
        %dma_wait3A_574 = tpu.memref_slice %arg13[%dma_wait3A_572, %dma_wait3A_573] : memref<10240x128xf32, #tpu.memory_space<vmem_shared>> -> memref<10240x128xf32, #tpu.memory_space<vmem_shared>>
        tpu.wait_indirect_dma semaphore(%run_scoped3A_562 : memref<!tpu.dma_semaphore, #tpu.memory_space<semaphore_mem>>) src(%arg10 : memref<96x128xf32, #tpu.memory_space<vmem>>) dst(%dma_wait3A_574 : memref<10240x128xf32, #tpu.memory_space<vmem_shared>>)
        tpu.yield
      }) : () -> ()
      %add3A_293 = arith.constant 0 : i32
      %add3A_294 = arith.addi %mul3A_285, %add3A_293 : i32
      %add3A_295 = arith.constant 2 : i32
      %add3A_296 = arith.addi %add3A_294, %add3A_295 : i32
      %get3A_297 = arith.index_cast %add3A_296 : i32 to index
      %get3A_298 = arith.constant 0 : index
      %get3A_299 = tpu.vector_load %arg5[%get3A_297, %get3A_298] {strides = array<i32>} : memref<106x96xi32, #tpu.memory_space<vmem>>, vector<1x16xi32>,
      %get3A_300 = vector.shape_cast %get3A_299 : vector<1x16xi32> to vector<1x16xi32>
      %shift_right_logical3A_301 = arith.constant 14 : i32
      %shift_right_logical3A_302 = vector.broadcast %shift_right_logical3A_301 : i32 to vector<1x16xi32>
      %shift_right_logical3A_303 = arith.shrui %get3A_300, %shift_right_logical3A_302 : vector<1x16xi32>
      %swap3A_304 = arith.constant 0 : index
      %swap3A_305 = arith.constant 0 : index
      %swap3A_306 = tpu.vector_load %arg6[%swap3A_304, %swap3A_305] {strides = array<i32>} : memref<1x96xi32, #tpu.memory_space<vmem>>, vector<1x16xi32>,
      %swap3A_307 = vector.shape_cast %swap3A_306 : vector<1x16xi32> to vector<1x16xi32>
      %swap3A_308 = vector.shape_cast %shift_right_logical3A_303 : vector<1x16xi32> to vector<1x16xi32>
      tpu.vector_store %arg6[%swap3A_304, %swap3A_305], %swap3A_308 {strides = array<i32>} : memref<1x96xi32, #tpu.memory_space<vmem>>, vector<1x16xi32>,
      %and3A_309 = arith.constant 16383 : i32
      %and3A_310 = vector.broadcast %and3A_309 : i32 to vector<1x16xi32>
      %and3A_311 = arith.andi %get3A_300, %and3A_310 : vector<1x16xi32>
      %swap3A_312 = arith.constant 0 : index
      %swap3A_313 = arith.constant 0 : index
      %swap3A_314 = tpu.vector_load %arg8[%swap3A_312, %swap3A_313] {strides = array<i32>} : memref<1x96xi32, #tpu.memory_space<vmem>>, vector<1x16xi32>,
      %swap3A_315 = vector.shape_cast %swap3A_314 : vector<1x16xi32> to vector<1x16xi32>
      %swap3A_316 = vector.shape_cast %and3A_311 : vector<1x16xi32> to vector<1x16xi32>
      tpu.vector_store %arg8[%swap3A_312, %swap3A_313], %swap3A_316 {strides = array<i32>} : memref<1x96xi32, #tpu.memory_space<vmem>>, vector<1x16xi32>,
      %get3A_317 = arith.index_cast %add3A_296 : i32 to index
      %get3A_318 = arith.constant 16 : index
      %get3A_319 = tpu.vector_load %arg5[%get3A_317, %get3A_318] {strides = array<i32>} : memref<106x96xi32, #tpu.memory_space<vmem>>, vector<1x16xi32>,
      %get3A_320 = vector.shape_cast %get3A_319 : vector<1x16xi32> to vector<1x16xi32>
      %shift_right_logical3A_321 = arith.constant 14 : i32
      %shift_right_logical3A_322 = vector.broadcast %shift_right_logical3A_321 : i32 to vector<1x16xi32>
      %shift_right_logical3A_323 = arith.shrui %get3A_320, %shift_right_logical3A_322 : vector<1x16xi32>
      %swap3A_324 = arith.constant 0 : index
      %swap3A_325 = arith.constant 16 : index
      %swap3A_326 = tpu.vector_load %arg6[%swap3A_324, %swap3A_325] {strides = array<i32>} : memref<1x96xi32, #tpu.memory_space<vmem>>, vector<1x16xi32>,
      %swap3A_327 = vector.shape_cast %swap3A_326 : vector<1x16xi32> to vector<1x16xi32>
      %swap3A_328 = vector.shape_cast %shift_right_logical3A_323 : vector<1x16xi32> to vector<1x16xi32>
      tpu.vector_store %arg6[%swap3A_324, %swap3A_325], %swap3A_328 {strides = array<i32>} : memref<1x96xi32, #tpu.memory_space<vmem>>, vector<1x16xi32>,
      %and3A_329 = arith.constant 16383 : i32
      %and3A_330 = vector.broadcast %and3A_329 : i32 to vector<1x16xi32>
      %and3A_331 = arith.andi %get3A_320, %and3A_330 : vector<1x16xi32>
      %swap3A_332 = arith.constant 0 : index
      %swap3A_333 = arith.constant 16 : index
      %swap3A_334 = tpu.vector_load %arg8[%swap3A_332, %swap3A_333] {strides = array<i32>} : memref<1x96xi32, #tpu.memory_space<vmem>>, vector<1x16xi32>,
      %swap3A_335 = vector.shape_cast %swap3A_334 : vector<1x16xi32> to vector<1x16xi32>
      %swap3A_336 = vector.shape_cast %and3A_331 : vector<1x16xi32> to vector<1x16xi32>
      tpu.vector_store %arg8[%swap3A_332, %swap3A_333], %swap3A_336 {strides = array<i32>} : memref<1x96xi32, #tpu.memory_space<vmem>>, vector<1x16xi32>,
      %get3A_337 = arith.index_cast %add3A_296 : i32 to index
      %get3A_338 = arith.constant 32 : index
      %get3A_339 = tpu.vector_load %arg5[%get3A_337, %get3A_338] {strides = array<i32>} : memref<106x96xi32, #tpu.memory_space<vmem>>, vector<1x16xi32>,
      %get3A_340 = vector.shape_cast %get3A_339 : vector<1x16xi32> to vector<1x16xi32>
      %shift_right_logical3A_341 = arith.constant 14 : i32
      %shift_right_logical3A_342 = vector.broadcast %shift_right_logical3A_341 : i32 to vector<1x16xi32>
      %shift_right_logical3A_343 = arith.shrui %get3A_340, %shift_right_logical3A_342 : vector<1x16xi32>
      %swap3A_344 = arith.constant 0 : index
      %swap3A_345 = arith.constant 32 : index
      %swap3A_346 = tpu.vector_load %arg6[%swap3A_344, %swap3A_345] {strides = array<i32>} : memref<1x96xi32, #tpu.memory_space<vmem>>, vector<1x16xi32>,
      %swap3A_347 = vector.shape_cast %swap3A_346 : vector<1x16xi32> to vector<1x16xi32>
      %swap3A_348 = vector.shape_cast %shift_right_logical3A_343 : vector<1x16xi32> to vector<1x16xi32>
      tpu.vector_store %arg6[%swap3A_344, %swap3A_345], %swap3A_348 {strides = array<i32>} : memref<1x96xi32, #tpu.memory_space<vmem>>, vector<1x16xi32>,
      %and3A_349 = arith.constant 16383 : i32
      %and3A_350 = vector.broadcast %and3A_349 : i32 to vector<1x16xi32>
      %and3A_351 = arith.andi %get3A_340, %and3A_350 : vector<1x16xi32>
      %swap3A_352 = arith.constant 0 : index
      %swap3A_353 = arith.constant 32 : index
      %swap3A_354 = tpu.vector_load %arg8[%swap3A_352, %swap3A_353] {strides = array<i32>} : memref<1x96xi32, #tpu.memory_space<vmem>>, vector<1x16xi32>,
      %swap3A_355 = vector.shape_cast %swap3A_354 : vector<1x16xi32> to vector<1x16xi32>
      %swap3A_356 = vector.shape_cast %and3A_351 : vector<1x16xi32> to vector<1x16xi32>
      tpu.vector_store %arg8[%swap3A_352, %swap3A_353], %swap3A_356 {strides = array<i32>} : memref<1x96xi32, #tpu.memory_space<vmem>>, vector<1x16xi32>,
      %get3A_357 = arith.index_cast %add3A_296 : i32 to index
      %get3A_358 = arith.constant 48 : index
      %get3A_359 = tpu.vector_load %arg5[%get3A_357, %get3A_358] {strides = array<i32>} : memref<106x96xi32, #tpu.memory_space<vmem>>, vector<1x16xi32>,
      %get3A_360 = vector.shape_cast %get3A_359 : vector<1x16xi32> to vector<1x16xi32>
      %shift_right_logical3A_361 = arith.constant 14 : i32
      %shift_right_logical3A_362 = vector.broadcast %shift_right_logical3A_361 : i32 to vector<1x16xi32>
      %shift_right_logical3A_363 = arith.shrui %get3A_360, %shift_right_logical3A_362 : vector<1x16xi32>
      %swap3A_364 = arith.constant 0 : index
      %swap3A_365 = arith.constant 48 : index
      %swap3A_366 = tpu.vector_load %arg6[%swap3A_364, %swap3A_365] {strides = array<i32>} : memref<1x96xi32, #tpu.memory_space<vmem>>, vector<1x16xi32>,
      %swap3A_367 = vector.shape_cast %swap3A_366 : vector<1x16xi32> to vector<1x16xi32>
      %swap3A_368 = vector.shape_cast %shift_right_logical3A_363 : vector<1x16xi32> to vector<1x16xi32>
      tpu.vector_store %arg6[%swap3A_364, %swap3A_365], %swap3A_368 {strides = array<i32>} : memref<1x96xi32, #tpu.memory_space<vmem>>, vector<1x16xi32>,
      %and3A_369 = arith.constant 16383 : i32
      %and3A_370 = vector.broadcast %and3A_369 : i32 to vector<1x16xi32>
      %and3A_371 = arith.andi %get3A_360, %and3A_370 : vector<1x16xi32>
      %swap3A_372 = arith.constant 0 : index
      %swap3A_373 = arith.constant 48 : index
      %swap3A_374 = tpu.vector_load %arg8[%swap3A_372, %swap3A_373] {strides = array<i32>} : memref<1x96xi32, #tpu.memory_space<vmem>>, vector<1x16xi32>,
      %swap3A_375 = vector.shape_cast %swap3A_374 : vector<1x16xi32> to vector<1x16xi32>
      %swap3A_376 = vector.shape_cast %and3A_371 : vector<1x16xi32> to vector<1x16xi32>
      tpu.vector_store %arg8[%swap3A_372, %swap3A_373], %swap3A_376 {strides = array<i32>} : memref<1x96xi32, #tpu.memory_space<vmem>>, vector<1x16xi32>,
      %get3A_377 = arith.index_cast %add3A_296 : i32 to index
      %get3A_378 = arith.constant 64 : index
      %get3A_379 = tpu.vector_load %arg5[%get3A_377, %get3A_378] {strides = array<i32>} : memref<106x96xi32, #tpu.memory_space<vmem>>, vector<1x16xi32>,
      %get3A_380 = vector.shape_cast %get3A_379 : vector<1x16xi32> to vector<1x16xi32>
      %shift_right_logical3A_381 = arith.constant 14 : i32
      %shift_right_logical3A_382 = vector.broadcast %shift_right_logical3A_381 : i32 to vector<1x16xi32>
      %shift_right_logical3A_383 = arith.shrui %get3A_380, %shift_right_logical3A_382 : vector<1x16xi32>
      %swap3A_384 = arith.constant 0 : index
      %swap3A_385 = arith.constant 64 : index
      %swap3A_386 = tpu.vector_load %arg6[%swap3A_384, %swap3A_385] {strides = array<i32>} : memref<1x96xi32, #tpu.memory_space<vmem>>, vector<1x16xi32>,
      %swap3A_387 = vector.shape_cast %swap3A_386 : vector<1x16xi32> to vector<1x16xi32>
      %swap3A_388 = vector.shape_cast %shift_right_logical3A_383 : vector<1x16xi32> to vector<1x16xi32>
      tpu.vector_store %arg6[%swap3A_384, %swap3A_385], %swap3A_388 {strides = array<i32>} : memref<1x96xi32, #tpu.memory_space<vmem>>, vector<1x16xi32>,
      %and3A_389 = arith.constant 16383 : i32
      %and3A_390 = vector.broadcast %and3A_389 : i32 to vector<1x16xi32>
      %and3A_391 = arith.andi %get3A_380, %and3A_390 : vector<1x16xi32>
      %swap3A_392 = arith.constant 0 : index
      %swap3A_393 = arith.constant 64 : index
      %swap3A_394 = tpu.vector_load %arg8[%swap3A_392, %swap3A_393] {strides = array<i32>} : memref<1x96xi32, #tpu.memory_space<vmem>>, vector<1x16xi32>,
      %swap3A_395 = vector.shape_cast %swap3A_394 : vector<1x16xi32> to vector<1x16xi32>
      %swap3A_396 = vector.shape_cast %and3A_391 : vector<1x16xi32> to vector<1x16xi32>
      tpu.vector_store %arg8[%swap3A_392, %swap3A_393], %swap3A_396 {strides = array<i32>} : memref<1x96xi32, #tpu.memory_space<vmem>>, vector<1x16xi32>,
      %get3A_397 = arith.index_cast %add3A_296 : i32 to index
      %get3A_398 = arith.constant 80 : index
      %get3A_399 = tpu.vector_load %arg5[%get3A_397, %get3A_398] {strides = array<i32>} : memref<106x96xi32, #tpu.memory_space<vmem>>, vector<1x16xi32>,
      %get3A_400 = vector.shape_cast %get3A_399 : vector<1x16xi32> to vector<1x16xi32>
      %shift_right_logical3A_401 = arith.constant 14 : i32
      %shift_right_logical3A_402 = vector.broadcast %shift_right_logical3A_401 : i32 to vector<1x16xi32>
      %shift_right_logical3A_403 = arith.shrui %get3A_400, %shift_right_logical3A_402 : vector<1x16xi32>
      %swap3A_404 = arith.constant 0 : index
      %swap3A_405 = arith.constant 80 : index
      %swap3A_406 = tpu.vector_load %arg6[%swap3A_404, %swap3A_405] {strides = array<i32>} : memref<1x96xi32, #tpu.memory_space<vmem>>, vector<1x16xi32>,
      %swap3A_407 = vector.shape_cast %swap3A_406 : vector<1x16xi32> to vector<1x16xi32>
      %swap3A_408 = vector.shape_cast %shift_right_logical3A_403 : vector<1x16xi32> to vector<1x16xi32>
      tpu.vector_store %arg6[%swap3A_404, %swap3A_405], %swap3A_408 {strides = array<i32>} : memref<1x96xi32, #tpu.memory_space<vmem>>, vector<1x16xi32>,
      %and3A_409 = arith.constant 16383 : i32
      %and3A_410 = vector.broadcast %and3A_409 : i32 to vector<1x16xi32>
      %and3A_411 = arith.andi %get3A_400, %and3A_410 : vector<1x16xi32>
      %swap3A_412 = arith.constant 0 : index
      %swap3A_413 = arith.constant 80 : index
      %swap3A_414 = tpu.vector_load %arg8[%swap3A_412, %swap3A_413] {strides = array<i32>} : memref<1x96xi32, #tpu.memory_space<vmem>>, vector<1x16xi32>,
      %swap3A_415 = vector.shape_cast %swap3A_414 : vector<1x16xi32> to vector<1x16xi32>
      %swap3A_416 = vector.shape_cast %and3A_411 : vector<1x16xi32> to vector<1x16xi32>
      tpu.vector_store %arg8[%swap3A_412, %swap3A_413], %swap3A_416 {strides = array<i32>} : memref<1x96xi32, #tpu.memory_space<vmem>>, vector<1x16xi32>,
      %dma_start3A_417 = arith.constant 0 : i32
      %dma_start3A_418 = arith.constant 0 : i32
      %dma_start3A_419 = tpu.memref_slice %arg6[%dma_start3A_417, %dma_start3A_418] : memref<1x96xi32, #tpu.memory_space<vmem>> -> memref<1x96xi32, #tpu.memory_space<vmem>>
      %dma_start3A_420 = tpu.memref_squeeze %dma_start3A_419 : memref<1x96xi32, #tpu.memory_space<vmem>> -> memref<96xi32, #tpu.memory_space<vmem>>
      %dma_start3A_421 = arith.constant 0 : i32
      %dma_start3A_422 = arith.constant 0 : i32
      %dma_start3A_423 = tpu.memref_slice %arg2[%dma_start3A_421, %dma_start3A_422] : memref<10000x128xf32, #tpu.memory_space<hbm>> -> memref<10000x128xf32, #tpu.memory_space<hbm>>
      tpu.enqueue_indirect_dma source(%dma_start3A_423 : memref<10000x128xf32, #tpu.memory_space<hbm>>) target(%arg10 : memref<96x128xf32, #tpu.memory_space<vmem>>) offsets(%dma_start3A_420 : memref<96xi32, #tpu.memory_space<vmem>>) semaphore(%arg14 : memref<!tpu.dma_semaphore, #tpu.memory_space<semaphore_mem>>)
      %dma_wait3A_424 = arith.constant 0 : i32
      %dma_wait3A_425 = arith.constant 0 : i32
      %dma_wait3A_426 = tpu.memref_slice %arg2[%dma_wait3A_424, %dma_wait3A_425] : memref<10000x128xf32, #tpu.memory_space<hbm>> -> memref<96x128xf32, #tpu.memory_space<hbm>>
      %dma_wait3A_427 = arith.constant 0 : i32
      %dma_wait3A_428 = arith.constant 0 : i32
      %dma_wait3A_429 = tpu.memref_slice %arg2[%dma_wait3A_427, %dma_wait3A_428] : memref<10000x128xf32, #tpu.memory_space<hbm>> -> memref<96x128xf32, #tpu.memory_space<hbm>>
      tpu.wait_dma2 semaphore(%arg15 : memref<!tpu.dma_semaphore, #tpu.memory_space<semaphore_mem>>) src(%dma_wait3A_429 : memref<96x128xf32, #tpu.memory_space<hbm>>) dst(%arg11 : memref<96x128xf32, #tpu.memory_space<vmem>>)
      %run_scoped3A_430 = arith.constant 0 : i32
      "tpu.region"() ({
        %run_scoped3A_562 = tpu.sem_alloc : memref<!tpu.dma_semaphore, #tpu.memory_space<semaphore_mem>>
        %dma_start3A_563 = arith.constant 0 : i32
        %dma_start3A_564 = tpu.memref_slice %arg9[%run_scoped3A_430, %dma_start3A_563] : memref<1x96xi32, #tpu.memory_space<vmem>> -> memref<1x96xi32, #tpu.memory_space<vmem>>
        %dma_start3A_565 = tpu.memref_squeeze %dma_start3A_564 : memref<1x96xi32, #tpu.memory_space<vmem>> -> memref<96xi32, #tpu.memory_space<vmem>>
        %dma_start3A_566 = arith.constant 0 : i32
        %dma_start3A_567 = arith.constant 0 : i32
        %dma_start3A_568 = tpu.memref_slice %arg13[%dma_start3A_566, %dma_start3A_567] : memref<10240x128xf32, #tpu.memory_space<vmem_shared>> -> memref<10240x128xf32, #tpu.memory_space<vmem_shared>>
        tpu.enqueue_indirect_dma source(%arg11 : memref<96x128xf32, #tpu.memory_space<vmem>>) target(%dma_start3A_568 : memref<10240x128xf32, #tpu.memory_space<vmem_shared>>) offsets(%dma_start3A_565 : memref<96xi32, #tpu.memory_space<vmem>>) semaphore(%run_scoped3A_562 : memref<!tpu.dma_semaphore, #tpu.memory_space<semaphore_mem>>) {add = true}
        %dma_wait3A_569 = arith.constant 0 : i32
        %dma_wait3A_570 = tpu.memref_slice %arg9[%run_scoped3A_430, %dma_wait3A_569] : memref<1x96xi32, #tpu.memory_space<vmem>> -> memref<1x96xi32, #tpu.memory_space<vmem>>
        %dma_wait3A_571 = tpu.memref_squeeze %dma_wait3A_570 : memref<1x96xi32, #tpu.memory_space<vmem>> -> memref<96xi32, #tpu.memory_space<vmem>>
        %dma_wait3A_572 = arith.constant 0 : i32
        %dma_wait3A_573 = arith.constant 0 : i32
        %dma_wait3A_574 = tpu.memref_slice %arg13[%dma_wait3A_572, %dma_wait3A_573] : memref<10240x128xf32, #tpu.memory_space<vmem_shared>> -> memref<10240x128xf32, #tpu.memory_space<vmem_shared>>
        tpu.wait_indirect_dma semaphore(%run_scoped3A_562 : memref<!tpu.dma_semaphore, #tpu.memory_space<semaphore_mem>>) src(%arg11 : memref<96x128xf32, #tpu.memory_space<vmem>>) dst(%dma_wait3A_574 : memref<10240x128xf32, #tpu.memory_space<vmem_shared>>)
        tpu.yield
      }) : () -> ()
      %add3A_431 = arith.constant 1 : i32
      %add3A_432 = arith.addi %mul3A_285, %add3A_431 : i32
      %add3A_433 = arith.constant 2 : i32
      %add3A_434 = arith.addi %add3A_432, %add3A_433 : i32
      %get3A_435 = arith.index_cast %add3A_434 : i32 to index
      %get3A_436 = arith.constant 0 : index
      %get3A_437 = tpu.vector_load %arg5[%get3A_435, %get3A_436] {strides = array<i32>} : memref<106x96xi32, #tpu.memory_space<vmem>>, vector<1x16xi32>,
      %get3A_438 = vector.shape_cast %get3A_437 : vector<1x16xi32> to vector<1x16xi32>
      %shift_right_logical3A_439 = arith.constant 14 : i32
      %shift_right_logical3A_440 = vector.broadcast %shift_right_logical3A_439 : i32 to vector<1x16xi32>
      %shift_right_logical3A_441 = arith.shrui %get3A_438, %shift_right_logical3A_440 : vector<1x16xi32>
      %swap3A_442 = arith.constant 0 : index
      %swap3A_443 = arith.constant 0 : index
      %swap3A_444 = tpu.vector_load %arg7[%swap3A_442, %swap3A_443] {strides = array<i32>} : memref<1x96xi32, #tpu.memory_space<vmem>>, vector<1x16xi32>,
      %swap3A_445 = vector.shape_cast %swap3A_444 : vector<1x16xi32> to vector<1x16xi32>
      %swap3A_446 = vector.shape_cast %shift_right_logical3A_441 : vector<1x16xi32> to vector<1x16xi32>
      tpu.vector_store %arg7[%swap3A_442, %swap3A_443], %swap3A_446 {strides = array<i32>} : memref<1x96xi32, #tpu.memory_space<vmem>>, vector<1x16xi32>,
      %and3A_447 = arith.constant 16383 : i32
      %and3A_448 = vector.broadcast %and3A_447 : i32 to vector<1x16xi32>
      %and3A_449 = arith.andi %get3A_438, %and3A_448 : vector<1x16xi32>
      %swap3A_450 = arith.constant 0 : index
      %swap3A_451 = arith.constant 0 : index
      %swap3A_452 = tpu.vector_load %arg9[%swap3A_450, %swap3A_451] {strides = array<i32>} : memref<1x96xi32, #tpu.memory_space<vmem>>, vector<1x16xi32>,
      %swap3A_453 = vector.shape_cast %swap3A_452 : vector<1x16xi32> to vector<1x16xi32>
      %swap3A_454 = vector.shape_cast %and3A_449 : vector<1x16xi32> to vector<1x16xi32>
      tpu.vector_store %arg9[%swap3A_450, %swap3A_451], %swap3A_454 {strides = array<i32>} : memref<1x96xi32, #tpu.memory_space<vmem>>, vector<1x16xi32>,
      %get3A_455 = arith.index_cast %add3A_434 : i32 to index
      %get3A_456 = arith.constant 16 : index
      %get3A_457 = tpu.vector_load %arg5[%get3A_455, %get3A_456] {strides = array<i32>} : memref<106x96xi32, #tpu.memory_space<vmem>>, vector<1x16xi32>,
      %get3A_458 = vector.shape_cast %get3A_457 : vector<1x16xi32> to vector<1x16xi32>
      %shift_right_logical3A_459 = arith.constant 14 : i32
      %shift_right_logical3A_460 = vector.broadcast %shift_right_logical3A_459 : i32 to vector<1x16xi32>
      %shift_right_logical3A_461 = arith.shrui %get3A_458, %shift_right_logical3A_460 : vector<1x16xi32>
      %swap3A_462 = arith.constant 0 : index
      %swap3A_463 = arith.constant 16 : index
      %swap3A_464 = tpu.vector_load %arg7[%swap3A_462, %swap3A_463] {strides = array<i32>} : memref<1x96xi32, #tpu.memory_space<vmem>>, vector<1x16xi32>,
      %swap3A_465 = vector.shape_cast %swap3A_464 : vector<1x16xi32> to vector<1x16xi32>
      %swap3A_466 = vector.shape_cast %shift_right_logical3A_461 : vector<1x16xi32> to vector<1x16xi32>
      tpu.vector_store %arg7[%swap3A_462, %swap3A_463], %swap3A_466 {strides = array<i32>} : memref<1x96xi32, #tpu.memory_space<vmem>>, vector<1x16xi32>,
      %and3A_467 = arith.constant 16383 : i32
      %and3A_468 = vector.broadcast %and3A_467 : i32 to vector<1x16xi32>
      %and3A_469 = arith.andi %get3A_458, %and3A_468 : vector<1x16xi32>
      %swap3A_470 = arith.constant 0 : index
      %swap3A_471 = arith.constant 16 : index
      %swap3A_472 = tpu.vector_load %arg9[%swap3A_470, %swap3A_471] {strides = array<i32>} : memref<1x96xi32, #tpu.memory_space<vmem>>, vector<1x16xi32>,
      %swap3A_473 = vector.shape_cast %swap3A_472 : vector<1x16xi32> to vector<1x16xi32>
      %swap3A_474 = vector.shape_cast %and3A_469 : vector<1x16xi32> to vector<1x16xi32>
      tpu.vector_store %arg9[%swap3A_470, %swap3A_471], %swap3A_474 {strides = array<i32>} : memref<1x96xi32, #tpu.memory_space<vmem>>, vector<1x16xi32>,
      %get3A_475 = arith.index_cast %add3A_434 : i32 to index
      %get3A_476 = arith.constant 32 : index
      %get3A_477 = tpu.vector_load %arg5[%get3A_475, %get3A_476] {strides = array<i32>} : memref<106x96xi32, #tpu.memory_space<vmem>>, vector<1x16xi32>,
      %get3A_478 = vector.shape_cast %get3A_477 : vector<1x16xi32> to vector<1x16xi32>
      %shift_right_logical3A_479 = arith.constant 14 : i32
      %shift_right_logical3A_480 = vector.broadcast %shift_right_logical3A_479 : i32 to vector<1x16xi32>
      %shift_right_logical3A_481 = arith.shrui %get3A_478, %shift_right_logical3A_480 : vector<1x16xi32>
      %swap3A_482 = arith.constant 0 : index
      %swap3A_483 = arith.constant 32 : index
      %swap3A_484 = tpu.vector_load %arg7[%swap3A_482, %swap3A_483] {strides = array<i32>} : memref<1x96xi32, #tpu.memory_space<vmem>>, vector<1x16xi32>,
      %swap3A_485 = vector.shape_cast %swap3A_484 : vector<1x16xi32> to vector<1x16xi32>
      %swap3A_486 = vector.shape_cast %shift_right_logical3A_481 : vector<1x16xi32> to vector<1x16xi32>
      tpu.vector_store %arg7[%swap3A_482, %swap3A_483], %swap3A_486 {strides = array<i32>} : memref<1x96xi32, #tpu.memory_space<vmem>>, vector<1x16xi32>,
      %and3A_487 = arith.constant 16383 : i32
      %and3A_488 = vector.broadcast %and3A_487 : i32 to vector<1x16xi32>
      %and3A_489 = arith.andi %get3A_478, %and3A_488 : vector<1x16xi32>
      %swap3A_490 = arith.constant 0 : index
      %swap3A_491 = arith.constant 32 : index
      %swap3A_492 = tpu.vector_load %arg9[%swap3A_490, %swap3A_491] {strides = array<i32>} : memref<1x96xi32, #tpu.memory_space<vmem>>, vector<1x16xi32>,
      %swap3A_493 = vector.shape_cast %swap3A_492 : vector<1x16xi32> to vector<1x16xi32>
      %swap3A_494 = vector.shape_cast %and3A_489 : vector<1x16xi32> to vector<1x16xi32>
      tpu.vector_store %arg9[%swap3A_490, %swap3A_491], %swap3A_494 {strides = array<i32>} : memref<1x96xi32, #tpu.memory_space<vmem>>, vector<1x16xi32>,
      %get3A_495 = arith.index_cast %add3A_434 : i32 to index
      %get3A_496 = arith.constant 48 : index
      %get3A_497 = tpu.vector_load %arg5[%get3A_495, %get3A_496] {strides = array<i32>} : memref<106x96xi32, #tpu.memory_space<vmem>>, vector<1x16xi32>,
      %get3A_498 = vector.shape_cast %get3A_497 : vector<1x16xi32> to vector<1x16xi32>
      %shift_right_logical3A_499 = arith.constant 14 : i32
      %shift_right_logical3A_500 = vector.broadcast %shift_right_logical3A_499 : i32 to vector<1x16xi32>
      %shift_right_logical3A_501 = arith.shrui %get3A_498, %shift_right_logical3A_500 : vector<1x16xi32>
      %swap3A_502 = arith.constant 0 : index
      %swap3A_503 = arith.constant 48 : index
      %swap3A_504 = tpu.vector_load %arg7[%swap3A_502, %swap3A_503] {strides = array<i32>} : memref<1x96xi32, #tpu.memory_space<vmem>>, vector<1x16xi32>,
      %swap3A_505 = vector.shape_cast %swap3A_504 : vector<1x16xi32> to vector<1x16xi32>
      %swap3A_506 = vector.shape_cast %shift_right_logical3A_501 : vector<1x16xi32> to vector<1x16xi32>
      tpu.vector_store %arg7[%swap3A_502, %swap3A_503], %swap3A_506 {strides = array<i32>} : memref<1x96xi32, #tpu.memory_space<vmem>>, vector<1x16xi32>,
      %and3A_507 = arith.constant 16383 : i32
      %and3A_508 = vector.broadcast %and3A_507 : i32 to vector<1x16xi32>
      %and3A_509 = arith.andi %get3A_498, %and3A_508 : vector<1x16xi32>
      %swap3A_510 = arith.constant 0 : index
      %swap3A_511 = arith.constant 48 : index
      %swap3A_512 = tpu.vector_load %arg9[%swap3A_510, %swap3A_511] {strides = array<i32>} : memref<1x96xi32, #tpu.memory_space<vmem>>, vector<1x16xi32>,
      %swap3A_513 = vector.shape_cast %swap3A_512 : vector<1x16xi32> to vector<1x16xi32>
      %swap3A_514 = vector.shape_cast %and3A_509 : vector<1x16xi32> to vector<1x16xi32>
      tpu.vector_store %arg9[%swap3A_510, %swap3A_511], %swap3A_514 {strides = array<i32>} : memref<1x96xi32, #tpu.memory_space<vmem>>, vector<1x16xi32>,
      %get3A_515 = arith.index_cast %add3A_434 : i32 to index
      %get3A_516 = arith.constant 64 : index
      %get3A_517 = tpu.vector_load %arg5[%get3A_515, %get3A_516] {strides = array<i32>} : memref<106x96xi32, #tpu.memory_space<vmem>>, vector<1x16xi32>,
      %get3A_518 = vector.shape_cast %get3A_517 : vector<1x16xi32> to vector<1x16xi32>
      %shift_right_logical3A_519 = arith.constant 14 : i32
      %shift_right_logical3A_520 = vector.broadcast %shift_right_logical3A_519 : i32 to vector<1x16xi32>
      %shift_right_logical3A_521 = arith.shrui %get3A_518, %shift_right_logical3A_520 : vector<1x16xi32>
      %swap3A_522 = arith.constant 0 : index
      %swap3A_523 = arith.constant 64 : index
      %swap3A_524 = tpu.vector_load %arg7[%swap3A_522, %swap3A_523] {strides = array<i32>} : memref<1x96xi32, #tpu.memory_space<vmem>>, vector<1x16xi32>,
      %swap3A_525 = vector.shape_cast %swap3A_524 : vector<1x16xi32> to vector<1x16xi32>
      %swap3A_526 = vector.shape_cast %shift_right_logical3A_521 : vector<1x16xi32> to vector<1x16xi32>
      tpu.vector_store %arg7[%swap3A_522, %swap3A_523], %swap3A_526 {strides = array<i32>} : memref<1x96xi32, #tpu.memory_space<vmem>>, vector<1x16xi32>,
      %and3A_527 = arith.constant 16383 : i32
      %and3A_528 = vector.broadcast %and3A_527 : i32 to vector<1x16xi32>
      %and3A_529 = arith.andi %get3A_518, %and3A_528 : vector<1x16xi32>
      %swap3A_530 = arith.constant 0 : index
      %swap3A_531 = arith.constant 64 : index
      %swap3A_532 = tpu.vector_load %arg9[%swap3A_530, %swap3A_531] {strides = array<i32>} : memref<1x96xi32, #tpu.memory_space<vmem>>, vector<1x16xi32>,
      %swap3A_533 = vector.shape_cast %swap3A_532 : vector<1x16xi32> to vector<1x16xi32>
      %swap3A_534 = vector.shape_cast %and3A_529 : vector<1x16xi32> to vector<1x16xi32>
      tpu.vector_store %arg9[%swap3A_530, %swap3A_531], %swap3A_534 {strides = array<i32>} : memref<1x96xi32, #tpu.memory_space<vmem>>, vector<1x16xi32>,
      %get3A_535 = arith.index_cast %add3A_434 : i32 to index
      %get3A_536 = arith.constant 80 : index
      %get3A_537 = tpu.vector_load %arg5[%get3A_535, %get3A_536] {strides = array<i32>} : memref<106x96xi32, #tpu.memory_space<vmem>>, vector<1x16xi32>,
      %get3A_538 = vector.shape_cast %get3A_537 : vector<1x16xi32> to vector<1x16xi32>
      %shift_right_logical3A_539 = arith.constant 14 : i32
      %shift_right_logical3A_540 = vector.broadcast %shift_right_logical3A_539 : i32 to vector<1x16xi32>
      %shift_right_logical3A_541 = arith.shrui %get3A_538, %shift_right_logical3A_540 : vector<1x16xi32>
      %swap3A_542 = arith.constant 0 : index
      %swap3A_543 = arith.constant 80 : index
      %swap3A_544 = tpu.vector_load %arg7[%swap3A_542, %swap3A_543] {strides = array<i32>} : memref<1x96xi32, #tpu.memory_space<vmem>>, vector<1x16xi32>,
      %swap3A_545 = vector.shape_cast %swap3A_544 : vector<1x16xi32> to vector<1x16xi32>
      %swap3A_546 = vector.shape_cast %shift_right_logical3A_541 : vector<1x16xi32> to vector<1x16xi32>
      tpu.vector_store %arg7[%swap3A_542, %swap3A_543], %swap3A_546 {strides = array<i32>} : memref<1x96xi32, #tpu.memory_space<vmem>>, vector<1x16xi32>,
      %and3A_547 = arith.constant 16383 : i32
      %and3A_548 = vector.broadcast %and3A_547 : i32 to vector<1x16xi32>
      %and3A_549 = arith.andi %get3A_538, %and3A_548 : vector<1x16xi32>
      %swap3A_550 = arith.constant 0 : index
      %swap3A_551 = arith.constant 80 : index
      %swap3A_552 = tpu.vector_load %arg9[%swap3A_550, %swap3A_551] {strides = array<i32>} : memref<1x96xi32, #tpu.memory_space<vmem>>, vector<1x16xi32>,
      %swap3A_553 = vector.shape_cast %swap3A_552 : vector<1x16xi32> to vector<1x16xi32>
      %swap3A_554 = vector.shape_cast %and3A_549 : vector<1x16xi32> to vector<1x16xi32>
      tpu.vector_store %arg9[%swap3A_550, %swap3A_551], %swap3A_554 {strides = array<i32>} : memref<1x96xi32, #tpu.memory_space<vmem>>, vector<1x16xi32>,
      %dma_start3A_555 = arith.constant 0 : i32
      %dma_start3A_556 = arith.constant 0 : i32
      %dma_start3A_557 = tpu.memref_slice %arg7[%dma_start3A_555, %dma_start3A_556] : memref<1x96xi32, #tpu.memory_space<vmem>> -> memref<1x96xi32, #tpu.memory_space<vmem>>
      %dma_start3A_558 = tpu.memref_squeeze %dma_start3A_557 : memref<1x96xi32, #tpu.memory_space<vmem>> -> memref<96xi32, #tpu.memory_space<vmem>>
      %dma_start3A_559 = arith.constant 0 : i32
      %dma_start3A_560 = arith.constant 0 : i32
      %dma_start3A_561 = tpu.memref_slice %arg2[%dma_start3A_559, %dma_start3A_560] : memref<10000x128xf32, #tpu.memory_space<hbm>> -> memref<10000x128xf32, #tpu.memory_space<hbm>>
      tpu.enqueue_indirect_dma source(%dma_start3A_561 : memref<10000x128xf32, #tpu.memory_space<hbm>>) target(%arg11 : memref<96x128xf32, #tpu.memory_space<vmem>>) offsets(%dma_start3A_558 : memref<96xi32, #tpu.memory_space<vmem>>) semaphore(%arg15 : memref<!tpu.dma_semaphore, #tpu.memory_space<semaphore_mem>>)
    }
    %scan3A_265 = arith.constant 52 : i32
    %dma_wait3A = arith.constant 0 : i32
    %dma_wait3A_266 = arith.constant 0 : i32
    %dma_wait3A_267 = tpu.memref_slice %arg2[%dma_wait3A, %dma_wait3A_266] : memref<10000x128xf32, #tpu.memory_space<hbm>> -> memref<96x128xf32, #tpu.memory_space<hbm>>
    %dma_wait3A_268 = arith.constant 0 : i32
    %dma_wait3A_269 = arith.constant 0 : i32
    %dma_wait3A_270 = tpu.memref_slice %arg2[%dma_wait3A_268, %dma_wait3A_269] : memref<10000x128xf32, #tpu.memory_space<hbm>> -> memref<96x128xf32, #tpu.memory_space<hbm>>
    tpu.wait_dma2 semaphore(%arg14 : memref<!tpu.dma_semaphore, #tpu.memory_space<semaphore_mem>>) src(%dma_wait3A_270 : memref<96x128xf32, #tpu.memory_space<hbm>>) dst(%arg10 : memref<96x128xf32, #tpu.memory_space<vmem>>)
    %run_scoped3A = arith.constant 0 : i32
    "tpu.region"() ({
      %run_scoped3A_279 = tpu.sem_alloc : memref<!tpu.dma_semaphore, #tpu.memory_space<semaphore_mem>>
      %dma_start3A_280 = arith.constant 0 : i32
      %dma_start3A_281 = tpu.memref_slice %arg8[%run_scoped3A, %dma_start3A_280] : memref<1x96xi32, #tpu.memory_space<vmem>> -> memref<1x96xi32, #tpu.memory_space<vmem>>
      %dma_start3A_282 = tpu.memref_squeeze %dma_start3A_281 : memref<1x96xi32, #tpu.memory_space<vmem>> -> memref<96xi32, #tpu.memory_space<vmem>>
      %dma_start3A_283 = arith.constant 0 : i32
      %dma_start3A_284 = arith.constant 0 : i32
      %dma_start3A_285 = tpu.memref_slice %arg13[%dma_start3A_283, %dma_start3A_284] : memref<10240x128xf32, #tpu.memory_space<vmem_shared>> -> memref<10240x128xf32, #tpu.memory_space<vmem_shared>>
      tpu.enqueue_indirect_dma source(%arg10 : memref<96x128xf32, #tpu.memory_space<vmem>>) target(%dma_start3A_285 : memref<10240x128xf32, #tpu.memory_space<vmem_shared>>) offsets(%dma_start3A_282 : memref<96xi32, #tpu.memory_space<vmem>>) semaphore(%run_scoped3A_279 : memref<!tpu.dma_semaphore, #tpu.memory_space<semaphore_mem>>) {add = true}
      %dma_wait3A_286 = arith.constant 0 : i32
      %dma_wait3A_287 = tpu.memref_slice %arg8[%run_scoped3A, %dma_wait3A_286] : memref<1x96xi32, #tpu.memory_space<vmem>> -> memref<1x96xi32, #tpu.memory_space<vmem>>
      %dma_wait3A_288 = tpu.memref_squeeze %dma_wait3A_287 : memref<1x96xi32, #tpu.memory_space<vmem>> -> memref<96xi32, #tpu.memory_space<vmem>>
      %dma_wait3A_289 = arith.constant 0 : i32
      %dma_wait3A_290 = arith.constant 0 : i32
      %dma_wait3A_291 = tpu.memref_slice %arg13[%dma_wait3A_289, %dma_wait3A_290] : memref<10240x128xf32, #tpu.memory_space<vmem_shared>> -> memref<10240x128xf32, #tpu.memory_space<vmem_shared>>
      tpu.wait_indirect_dma semaphore(%run_scoped3A_279 : memref<!tpu.dma_semaphore, #tpu.memory_space<semaphore_mem>>) src(%arg10 : memref<96x128xf32, #tpu.memory_space<vmem>>) dst(%dma_wait3A_291 : memref<10240x128xf32, #tpu.memory_space<vmem_shared>>)
      tpu.yield
    }) : () -> ()
    %dma_wait3A_271 = arith.constant 0 : i32
    %dma_wait3A_272 = arith.constant 0 : i32
    %dma_wait3A_273 = tpu.memref_slice %arg2[%dma_wait3A_271, %dma_wait3A_272] : memref<10000x128xf32, #tpu.memory_space<hbm>> -> memref<96x128xf32, #tpu.memory_space<hbm>>
    %dma_wait3A_274 = arith.constant 0 : i32
    %dma_wait3A_275 = arith.constant 0 : i32
    %dma_wait3A_276 = tpu.memref_slice %arg2[%dma_wait3A_274, %dma_wait3A_275] : memref<10000x128xf32, #tpu.memory_space<hbm>> -> memref<96x128xf32, #tpu.memory_space<hbm>>
    tpu.wait_dma2 semaphore(%arg15 : memref<!tpu.dma_semaphore, #tpu.memory_space<semaphore_mem>>) src(%dma_wait3A_276 : memref<96x128xf32, #tpu.memory_space<hbm>>) dst(%arg11 : memref<96x128xf32, #tpu.memory_space<vmem>>)
    %run_scoped3A_277 = arith.constant 0 : i32
    "tpu.region"() ({
      %run_scoped3A_279 = tpu.sem_alloc : memref<!tpu.dma_semaphore, #tpu.memory_space<semaphore_mem>>
      %dma_start3A_280 = arith.constant 0 : i32
      %dma_start3A_281 = tpu.memref_slice %arg9[%run_scoped3A_277, %dma_start3A_280] : memref<1x96xi32, #tpu.memory_space<vmem>> -> memref<1x96xi32, #tpu.memory_space<vmem>>
      %dma_start3A_282 = tpu.memref_squeeze %dma_start3A_281 : memref<1x96xi32, #tpu.memory_space<vmem>> -> memref<96xi32, #tpu.memory_space<vmem>>
      %dma_start3A_283 = arith.constant 0 : i32
      %dma_start3A_284 = arith.constant 0 : i32
      %dma_start3A_285 = tpu.memref_slice %arg13[%dma_start3A_283, %dma_start3A_284] : memref<10240x128xf32, #tpu.memory_space<vmem_shared>> -> memref<10240x128xf32, #tpu.memory_space<vmem_shared>>
      tpu.enqueue_indirect_dma source(%arg11 : memref<96x128xf32, #tpu.memory_space<vmem>>) target(%dma_start3A_285 : memref<10240x128xf32, #tpu.memory_space<vmem_shared>>) offsets(%dma_start3A_282 : memref<96xi32, #tpu.memory_space<vmem>>) semaphore(%run_scoped3A_279 : memref<!tpu.dma_semaphore, #tpu.memory_space<semaphore_mem>>) {add = true}
      %dma_wait3A_286 = arith.constant 0 : i32
      %dma_wait3A_287 = tpu.memref_slice %arg9[%run_scoped3A_277, %dma_wait3A_286] : memref<1x96xi32, #tpu.memory_space<vmem>> -> memref<1x96xi32, #tpu.memory_space<vmem>>
      %dma_wait3A_288 = tpu.memref_squeeze %dma_wait3A_287 : memref<1x96xi32, #tpu.memory_space<vmem>> -> memref<96xi32, #tpu.memory_space<vmem>>
      %dma_wait3A_289 = arith.constant 0 : i32
      %dma_wait3A_290 = arith.constant 0 : i32
      %dma_wait3A_291 = tpu.memref_slice %arg13[%dma_wait3A_289, %dma_wait3A_290] : memref<10240x128xf32, #tpu.memory_space<vmem_shared>> -> memref<10240x128xf32, #tpu.memory_space<vmem_shared>>
      tpu.wait_indirect_dma semaphore(%run_scoped3A_279 : memref<!tpu.dma_semaphore, #tpu.memory_space<semaphore_mem>>) src(%arg11 : memref<96x128xf32, #tpu.memory_space<vmem>>) dst(%dma_wait3A_291 : memref<10240x128xf32, #tpu.memory_space<vmem_shared>>)
      tpu.yield
    }) : () -> ()
    %barrier3A_278 = arith.constant 0 : index
    tpu.barrier barrier_id(%barrier3A_278)
    "tpu.region"() ({
      %run_scoped3A_279 = tpu.sem_alloc : memref<!tpu.dma_semaphore, #tpu.memory_space<semaphore_mem>>
      %dma_start3A_280 = arith.constant 0 : i32
      %dma_start3A_281 = tpu.memref_slice %arg4[%arg0, %mul3A_6, %dma_start3A_280] : memref<2x10240x128xf32, #tpu.memory_space<hbm>> -> memref<1x640x128xf32, #tpu.memory_space<hbm>>
      %dma_start3A_282 = tpu.memref_squeeze %dma_start3A_281 : memref<1x640x128xf32, #tpu.memory_space<hbm>> -> memref<640x128xf32, #tpu.memory_space<hbm>>
      %dma_start3A_283 = arith.constant 0 : i32
      %dma_start3A_284 = tpu.memref_slice %arg13[%mul3A_6, %dma_start3A_283] : memref<10240x128xf32, #tpu.memory_space<vmem_shared>> -> memref<640x128xf32, #tpu.memory_space<vmem_shared>>
      tpu.enqueue_dma source(%dma_start3A_284 : memref<640x128xf32, #tpu.memory_space<vmem_shared>>) target(%dma_start3A_282 : memref<640x128xf32, #tpu.memory_space<hbm>>) target_semaphore(%run_scoped3A_279 : memref<!tpu.dma_semaphore, #tpu.memory_space<semaphore_mem>>)
      %dma_wait3A_285 = arith.constant 0 : i32
      %dma_wait3A_286 = tpu.memref_slice %arg4[%arg0, %mul3A_6, %dma_wait3A_285] : memref<2x10240x128xf32, #tpu.memory_space<hbm>> -> memref<1x640x128xf32, #tpu.memory_space<hbm>>
      %dma_wait3A_287 = tpu.memref_squeeze %dma_wait3A_286 : memref<1x640x128xf32, #tpu.memory_space<hbm>> -> memref<640x128xf32, #tpu.memory_space<hbm>>
      %dma_wait3A_288 = arith.constant 0 : i32
      %dma_wait3A_289 = tpu.memref_slice %arg13[%mul3A_6, %dma_wait3A_288] : memref<10240x128xf32, #tpu.memory_space<vmem_shared>> -> memref<640x128xf32, #tpu.memory_space<vmem_shared>>
      tpu.wait_dma2 semaphore(%run_scoped3A_279 : memref<!tpu.dma_semaphore, #tpu.memory_space<semaphore_mem>>) src(%dma_wait3A_289 : memref<640x128xf32, #tpu.memory_space<vmem_shared>>) dst(%dma_wait3A_287 : memref<640x128xf32, #tpu.memory_space<hbm>>)
      tpu.yield
    }) : () -> ()
    return
  }
}

#map = affine_map<(d0, d1) -> (0)>
#map1 = affine_map<(d0, d1) -> (0, 0, 0)>
module attributes {stable_mosaic.version = 14 : i64} {
  func.func @_sc_hist(%arg0: i32, %arg1: i32, %arg2: memref<320000xi32, #tpu.memory_space<hbm>>, %arg3: memref<2x10240x16xf32, #tpu.memory_space<hbm>>, %arg4: memref<200xi32, #tpu.memory_space<vmem>>, %arg5: memref<200x16xf32, #tpu.memory_space<vmem>>, %arg6: memref<64x16xf32, #tpu.memory_space<vmem>>, %arg7: memref<10240x16xf32, #tpu.memory_space<vmem_shared>>) attributes {dimension_semantics = [#tpu.dimension_semantics<core_parallel>, #tpu.dimension_semantics<subcore_parallel>], iteration_bounds = array<i64: 2, 16>, scalar_prefetch = 0 : i64, scratch_operands = 4 : i64, tpu.core_type = #tpu.core_type<sc_vector_subcore>, window_params = [{transform_indices = #map}, {transform_indices = #map1}]} {
    %mul3A = arith.constant 2 : i32
    %mul3A_0 = arith.muli %arg1, %mul3A : i32
    %add3A = arith.addi %mul3A_0, %arg0 : i32
    %scan3A = arith.constant 0 : i32
    %scan3A_1 = arith.constant 64 : i32
    %scan3A_2 = arith.addi %scan3A, %scan3A_1 : i32
    %scan3A_3 = arith.constant 1 : i32
    scf.for %scan3A_25 = %scan3A to %scan3A_2 step %scan3A_3  : i32 {
      %mul3A_26 = arith.constant 1 : i32
      %mul3A_27 = arith.muli %scan3A_25, %mul3A_26 : i32
      %add3A_28 = arith.constant 0 : i32
      %add3A_29 = arith.addi %add3A_28, %mul3A_27 : i32
      %broadcast_in_dim3A = arith.constant 0.000000e+00 : f32
      %broadcast_in_dim3A_30 = vector.broadcast %broadcast_in_dim3A : f32 to vector<1x16xf32>
      %swap3A = arith.index_cast %add3A_29 : i32 to index
      %swap3A_31 = arith.constant 0 : index
      %swap3A_32 = tpu.vector_load %arg6[%swap3A, %swap3A_31] {strides = array<i32>} : memref<64x16xf32, #tpu.memory_space<vmem>>, vector<1x16xf32>,
      %swap3A_33 = vector.shape_cast %swap3A_32 : vector<1x16xf32> to vector<1x16xf32>
      %swap3A_34 = vector.shape_cast %broadcast_in_dim3A_30 : vector<1x16xf32> to vector<1x16xf32>
      tpu.vector_store %arg6[%swap3A, %swap3A_31], %swap3A_34 {strides = array<i32>} : memref<64x16xf32, #tpu.memory_space<vmem>>, vector<1x16xf32>,
    }
    %scan3A_4 = arith.constant 64 : i32
    %scan3A_5 = arith.constant 0 : i32
    %scan3A_6 = arith.constant 200 : i32
    %scan3A_7 = arith.addi %scan3A_5, %scan3A_6 : i32
    %scan3A_8 = arith.constant 1 : i32
    scf.for %scan3A_25 = %scan3A_5 to %scan3A_7 step %scan3A_8  : i32 {
      %mul3A_26 = arith.constant 1 : i32
      %mul3A_27 = arith.muli %scan3A_25, %mul3A_26 : i32
      %add3A_28 = arith.constant 0 : i32
      %add3A_29 = arith.addi %add3A_28, %mul3A_27 : i32
      %broadcast_in_dim3A = arith.constant 1.000000e+00 : f32
      %broadcast_in_dim3A_30 = vector.broadcast %broadcast_in_dim3A : f32 to vector<1x16xf32>
      %swap3A = arith.index_cast %add3A_29 : i32 to index
      %swap3A_31 = arith.constant 0 : index
      %swap3A_32 = tpu.vector_load %arg5[%swap3A, %swap3A_31] {strides = array<i32>} : memref<200x16xf32, #tpu.memory_space<vmem>>, vector<1x16xf32>,
      %swap3A_33 = vector.shape_cast %swap3A_32 : vector<1x16xf32> to vector<1x16xf32>
      %swap3A_34 = vector.shape_cast %broadcast_in_dim3A_30 : vector<1x16xf32> to vector<1x16xf32>
      tpu.vector_store %arg5[%swap3A, %swap3A_31], %swap3A_34 {strides = array<i32>} : memref<200x16xf32, #tpu.memory_space<vmem>>, vector<1x16xf32>,
    }
    %scan3A_9 = arith.constant 200 : i32
    %mul3A_10 = arith.constant 640 : i32
    %mul3A_11 = arith.muli %arg1, %mul3A_10 : i32
    %scan3A_12 = arith.constant 0 : i32
    %scan3A_13 = arith.constant 10 : i32
    %scan3A_14 = arith.addi %scan3A_12, %scan3A_13 : i32
    %scan3A_15 = arith.constant 1 : i32
    scf.for %scan3A_25 = %scan3A_12 to %scan3A_14 step %scan3A_15  : i32 {
      %mul3A_26 = arith.constant 1 : i32
      %mul3A_27 = arith.muli %scan3A_25, %mul3A_26 : i32
      %add3A_28 = arith.constant 0 : i32
      %add3A_29 = arith.addi %add3A_28, %mul3A_27 : i32
      %mul3A_30 = arith.constant 64 : i32
      %mul3A_31 = arith.muli %add3A_29, %mul3A_30 : i32
      %add3A_32 = arith.addi %mul3A_11, %mul3A_31 : i32
      "tpu.region"() ({
        %run_scoped3A = tpu.sem_alloc : memref<!tpu.dma_semaphore, #tpu.memory_space<semaphore_mem>>
        %dma_start3A = arith.constant 0 : i32
        %dma_start3A_33 = tpu.memref_slice %arg7[%add3A_32, %dma_start3A] : memref<10240x16xf32, #tpu.memory_space<vmem_shared>> -> memref<64x16xf32, #tpu.memory_space<vmem_shared>>
        %dma_start3A_34 = arith.constant 0 : i32
        %dma_start3A_35 = tpu.memref_slice %arg7[%add3A_32, %dma_start3A_34] : memref<10240x16xf32, #tpu.memory_space<vmem_shared>> -> memref<64x16xf32, #tpu.memory_space<vmem_shared>>
        tpu.enqueue_dma source(%arg6 : memref<64x16xf32, #tpu.memory_space<vmem>>) target(%dma_start3A_35 : memref<64x16xf32, #tpu.memory_space<vmem_shared>>) target_semaphore(%run_scoped3A : memref<!tpu.dma_semaphore, #tpu.memory_space<semaphore_mem>>)
        %dma_wait3A = arith.constant 0 : i32
        %dma_wait3A_36 = tpu.memref_slice %arg7[%add3A_32, %dma_wait3A] : memref<10240x16xf32, #tpu.memory_space<vmem_shared>> -> memref<64x16xf32, #tpu.memory_space<vmem_shared>>
        %dma_wait3A_37 = arith.constant 0 : i32
        %dma_wait3A_38 = tpu.memref_slice %arg7[%add3A_32, %dma_wait3A_37] : memref<10240x16xf32, #tpu.memory_space<vmem_shared>> -> memref<64x16xf32, #tpu.memory_space<vmem_shared>>
        tpu.wait_dma2 semaphore(%run_scoped3A : memref<!tpu.dma_semaphore, #tpu.memory_space<semaphore_mem>>) src(%arg6 : memref<64x16xf32, #tpu.memory_space<vmem>>) dst(%dma_wait3A_38 : memref<64x16xf32, #tpu.memory_space<vmem_shared>>)
        tpu.yield
      }) : () -> ()
    }
    %scan3A_16 = arith.constant 10 : i32
    %barrier3A = arith.constant 0 : index
    tpu.barrier barrier_id(%barrier3A)
    %mul3A_17 = arith.constant 10000 : i32
    %mul3A_18 = arith.muli %add3A, %mul3A_17 : i32
    %scan3A_19 = arith.constant 0 : i32
    %scan3A_20 = arith.constant 50 : i32
    %scan3A_21 = arith.addi %scan3A_19, %scan3A_20 : i32
    %scan3A_22 = arith.constant 1 : i32
    scf.for %scan3A_25 = %scan3A_19 to %scan3A_21 step %scan3A_22  : i32 {
      %mul3A_26 = arith.constant 1 : i32
      %mul3A_27 = arith.muli %scan3A_25, %mul3A_26 : i32
      %add3A_28 = arith.constant 0 : i32
      %add3A_29 = arith.addi %add3A_28, %mul3A_27 : i32
      %mul3A_30 = arith.constant 200 : i32
      %mul3A_31 = arith.muli %add3A_29, %mul3A_30 : i32
      %add3A_32 = arith.addi %mul3A_18, %mul3A_31 : i32
      "tpu.region"() ({
        %run_scoped3A = tpu.sem_alloc : memref<!tpu.dma_semaphore, #tpu.memory_space<semaphore_mem>>
        %dma_start3A = tpu.memref_slice %arg2[%add3A_32] : memref<320000xi32, #tpu.memory_space<hbm>> -> memref<200xi32, #tpu.memory_space<hbm>>
        %dma_start3A_33 = tpu.memref_slice %arg2[%add3A_32] : memref<320000xi32, #tpu.memory_space<hbm>> -> memref<200xi32, #tpu.memory_space<hbm>>
        tpu.enqueue_dma source(%dma_start3A_33 : memref<200xi32, #tpu.memory_space<hbm>>) target(%arg4 : memref<200xi32, #tpu.memory_space<vmem>>) target_semaphore(%run_scoped3A : memref<!tpu.dma_semaphore, #tpu.memory_space<semaphore_mem>>)
        %dma_wait3A = tpu.memref_slice %arg2[%add3A_32] : memref<320000xi32, #tpu.memory_space<hbm>> -> memref<200xi32, #tpu.memory_space<hbm>>
        %dma_wait3A_34 = tpu.memref_slice %arg2[%add3A_32] : memref<320000xi32, #tpu.memory_space<hbm>> -> memref<200xi32, #tpu.memory_space<hbm>>
        tpu.wait_dma2 semaphore(%run_scoped3A : memref<!tpu.dma_semaphore, #tpu.memory_space<semaphore_mem>>) src(%dma_wait3A_34 : memref<200xi32, #tpu.memory_space<hbm>>) dst(%arg4 : memref<200xi32, #tpu.memory_space<vmem>>)
        tpu.yield
      }) : () -> ()
      "tpu.region"() ({
        %run_scoped3A = tpu.sem_alloc : memref<!tpu.dma_semaphore, #tpu.memory_space<semaphore_mem>>
        %dma_start3A = arith.constant 0 : i32
        %dma_start3A_33 = arith.constant 0 : i32
        %dma_start3A_34 = tpu.memref_slice %arg7[%dma_start3A, %dma_start3A_33] : memref<10240x16xf32, #tpu.memory_space<vmem_shared>> -> memref<10240x16xf32, #tpu.memory_space<vmem_shared>>
        tpu.enqueue_indirect_dma source(%arg5 : memref<200x16xf32, #tpu.memory_space<vmem>>) target(%dma_start3A_34 : memref<10240x16xf32, #tpu.memory_space<vmem_shared>>) offsets(%arg4 : memref<200xi32, #tpu.memory_space<vmem>>) semaphore(%run_scoped3A : memref<!tpu.dma_semaphore, #tpu.memory_space<semaphore_mem>>) {add = true}
        %dma_wait3A = arith.constant 0 : i32
        %dma_wait3A_35 = arith.constant 0 : i32
        %dma_wait3A_36 = tpu.memref_slice %arg7[%dma_wait3A, %dma_wait3A_35] : memref<10240x16xf32, #tpu.memory_space<vmem_shared>> -> memref<10240x16xf32, #tpu.memory_space<vmem_shared>>
        tpu.wait_indirect_dma semaphore(%run_scoped3A : memref<!tpu.dma_semaphore, #tpu.memory_space<semaphore_mem>>) src(%arg5 : memref<200x16xf32, #tpu.memory_space<vmem>>) dst(%dma_wait3A_36 : memref<10240x16xf32, #tpu.memory_space<vmem_shared>>)
        tpu.yield
      }) : () -> ()
    }
    %scan3A_23 = arith.constant 50 : i32
    %barrier3A_24 = arith.constant 0 : index
    tpu.barrier barrier_id(%barrier3A_24)
    "tpu.region"() ({
      %run_scoped3A = tpu.sem_alloc : memref<!tpu.dma_semaphore, #tpu.memory_space<semaphore_mem>>
      %dma_start3A = arith.constant 0 : i32
      %dma_start3A_25 = tpu.memref_slice %arg3[%arg0, %mul3A_11, %dma_start3A] : memref<2x10240x16xf32, #tpu.memory_space<hbm>> -> memref<1x640x16xf32, #tpu.memory_space<hbm>>
      %dma_start3A_26 = tpu.memref_squeeze %dma_start3A_25 : memref<1x640x16xf32, #tpu.memory_space<hbm>> -> memref<640x16xf32, #tpu.memory_space<hbm>>
      %dma_start3A_27 = arith.constant 0 : i32
      %dma_start3A_28 = tpu.memref_slice %arg7[%mul3A_11, %dma_start3A_27] : memref<10240x16xf32, #tpu.memory_space<vmem_shared>> -> memref<640x16xf32, #tpu.memory_space<vmem_shared>>
      tpu.enqueue_dma source(%dma_start3A_28 : memref<640x16xf32, #tpu.memory_space<vmem_shared>>) target(%dma_start3A_26 : memref<640x16xf32, #tpu.memory_space<hbm>>) target_semaphore(%run_scoped3A : memref<!tpu.dma_semaphore, #tpu.memory_space<semaphore_mem>>)
      %dma_wait3A = arith.constant 0 : i32
      %dma_wait3A_29 = tpu.memref_slice %arg3[%arg0, %mul3A_11, %dma_wait3A] : memref<2x10240x16xf32, #tpu.memory_space<hbm>> -> memref<1x640x16xf32, #tpu.memory_space<hbm>>
      %dma_wait3A_30 = tpu.memref_squeeze %dma_wait3A_29 : memref<1x640x16xf32, #tpu.memory_space<hbm>> -> memref<640x16xf32, #tpu.memory_space<hbm>>
      %dma_wait3A_31 = arith.constant 0 : i32
      %dma_wait3A_32 = tpu.memref_slice %arg7[%mul3A_11, %dma_wait3A_31] : memref<10240x16xf32, #tpu.memory_space<vmem_shared>> -> memref<640x16xf32, #tpu.memory_space<vmem_shared>>
      tpu.wait_dma2 semaphore(%run_scoped3A : memref<!tpu.dma_semaphore, #tpu.memory_space<semaphore_mem>>) src(%dma_wait3A_32 : memref<640x16xf32, #tpu.memory_space<vmem_shared>>) dst(%dma_wait3A_30 : memref<640x16xf32, #tpu.memory_space<hbm>>)
      tpu.yield
    }) : () -> ()
    return
  }
}

#map = affine_map<(d0, d1) -> (0, 0)>
#map1 = affine_map<(d0, d1) -> (0, 0, 0)>
module attributes {stable_mosaic.version = 14 : i64} {
  func.func @_sc_scatter(%arg0: i32, %arg1: i32, %arg2: memref<10000x128xf32, #tpu.memory_space<hbm>>, %arg3: memref<32x106x96xi32, #tpu.memory_space<hbm>>, %arg4: memref<2x10240x128xf32, #tpu.memory_space<hbm>>, %arg5: memref<106x96xi32, #tpu.memory_space<vmem>>, %arg6: memref<1x96xi32, #tpu.memory_space<vmem>>, %arg7: memref<1x96xi32, #tpu.memory_space<vmem>>, %arg8: memref<1x96xi32, #tpu.memory_space<vmem>>, %arg9: memref<1x96xi32, #tpu.memory_space<vmem>>, %arg10: memref<96x128xf32, #tpu.memory_space<vmem>>, %arg11: memref<96x128xf32, #tpu.memory_space<vmem>>, %arg12: memref<8x128xf32, #tpu.memory_space<vmem>>, %arg13: memref<10240x128xf32, #tpu.memory_space<vmem_shared>>, %arg14: memref<!tpu.dma_semaphore, #tpu.memory_space<semaphore_mem>>, %arg15: memref<!tpu.dma_semaphore, #tpu.memory_space<semaphore_mem>>) attributes {dimension_semantics = [#tpu.dimension_semantics<core_parallel>, #tpu.dimension_semantics<subcore_parallel>], iteration_bounds = array<i64: 2, 16>, scalar_prefetch = 0 : i64, scratch_operands = 11 : i64, tpu.core_type = #tpu.core_type<sc_vector_subcore>, window_params = [{transform_indices = #map}, {transform_indices = #map1}, {transform_indices = #map1}]} {
    %mul3A = arith.constant 2 : i32
    %mul3A_0 = arith.muli %arg1, %mul3A : i32
    %add3A = arith.addi %mul3A_0, %arg0 : i32
    "tpu.region"() ({
      %run_scoped3A_279 = tpu.sem_alloc : memref<!tpu.dma_semaphore, #tpu.memory_space<semaphore_mem>>
      %dma_start3A_280 = arith.constant 0 : i32
      %dma_start3A_281 = arith.constant 0 : i32
      %dma_start3A_282 = tpu.memref_slice %arg3[%add3A, %dma_start3A_280, %dma_start3A_281] : memref<32x106x96xi32, #tpu.memory_space<hbm>> -> memref<1x106x96xi32, #tpu.memory_space<hbm>>
      %dma_start3A_283 = tpu.memref_squeeze %dma_start3A_282 : memref<1x106x96xi32, #tpu.memory_space<hbm>> -> memref<106x96xi32, #tpu.memory_space<hbm>>
      %dma_start3A_284 = arith.constant 0 : i32
      %dma_start3A_285 = arith.constant 0 : i32
      %dma_start3A_286 = tpu.memref_slice %arg3[%add3A, %dma_start3A_284, %dma_start3A_285] : memref<32x106x96xi32, #tpu.memory_space<hbm>> -> memref<1x106x96xi32, #tpu.memory_space<hbm>>
      %dma_start3A_287 = tpu.memref_squeeze %dma_start3A_286 : memref<1x106x96xi32, #tpu.memory_space<hbm>> -> memref<106x96xi32, #tpu.memory_space<hbm>>
      tpu.enqueue_dma source(%dma_start3A_287 : memref<106x96xi32, #tpu.memory_space<hbm>>) target(%arg5 : memref<106x96xi32, #tpu.memory_space<vmem>>) target_semaphore(%run_scoped3A_279 : memref<!tpu.dma_semaphore, #tpu.memory_space<semaphore_mem>>)
      %dma_wait3A_288 = arith.constant 0 : i32
      %dma_wait3A_289 = arith.constant 0 : i32
      %dma_wait3A_290 = tpu.memref_slice %arg3[%add3A, %dma_wait3A_288, %dma_wait3A_289] : memref<32x106x96xi32, #tpu.memory_space<hbm>> -> memref<1x106x96xi32, #tpu.memory_space<hbm>>
      %dma_wait3A_291 = tpu.memref_squeeze %dma_wait3A_290 : memref<1x106x96xi32, #tpu.memory_space<hbm>> -> memref<106x96xi32, #tpu.memory_space<hbm>>
      %dma_wait3A_292 = arith.constant 0 : i32
      %dma_wait3A_293 = arith.constant 0 : i32
      %dma_wait3A_294 = tpu.memref_slice %arg3[%add3A, %dma_wait3A_292, %dma_wait3A_293] : memref<32x106x96xi32, #tpu.memory_space<hbm>> -> memref<1x106x96xi32, #tpu.memory_space<hbm>>
      %dma_wait3A_295 = tpu.memref_squeeze %dma_wait3A_294 : memref<1x106x96xi32, #tpu.memory_space<hbm>> -> memref<106x96xi32, #tpu.memory_space<hbm>>
      tpu.wait_dma2 semaphore(%run_scoped3A_279 : memref<!tpu.dma_semaphore, #tpu.memory_space<semaphore_mem>>) src(%dma_wait3A_295 : memref<106x96xi32, #tpu.memory_space<hbm>>) dst(%arg5 : memref<106x96xi32, #tpu.memory_space<vmem>>)
      tpu.yield
    }) : () -> ()
    %scan3A = arith.constant 0 : i32
    %scan3A_1 = arith.constant 8 : i32
    %scan3A_2 = arith.addi %scan3A, %scan3A_1 : i32
    %scan3A_3 = arith.constant 1 : i32
    scf.for %scan3A_279 = %scan3A to %scan3A_2 step %scan3A_3  : i32 {
      %mul3A_280 = arith.constant 1 : i32
      %mul3A_281 = arith.muli %scan3A_279, %mul3A_280 : i32
      %add3A_282 = arith.constant 0 : i32
      %add3A_283 = arith.addi %add3A_282, %mul3A_281 : i32
      %broadcast_in_dim3A = arith.constant 0.000000e+00 : f32
      %broadcast_in_dim3A_284 = vector.broadcast %broadcast_in_dim3A : f32 to vector<1x16xf32>
      %swap3A_285 = arith.index_cast %add3A_283 : i32 to index
      %swap3A_286 = arith.constant 0 : index
      %swap3A_287 = tpu.vector_load %arg12[%swap3A_285, %swap3A_286] {strides = array<i32>} : memref<8x128xf32, #tpu.memory_space<vmem>>, vector<1x16xf32>,
      %swap3A_288 = vector.shape_cast %swap3A_287 : vector<1x16xf32> to vector<1x16xf32>
      %swap3A_289 = vector.shape_cast %broadcast_in_dim3A_284 : vector<1x16xf32> to vector<1x16xf32>
      tpu.vector_store %arg12[%swap3A_285, %swap3A_286], %swap3A_289 {strides = array<i32>} : memref<8x128xf32, #tpu.memory_space<vmem>>, vector<1x16xf32>,
      %broadcast_in_dim3A_290 = arith.constant 0.000000e+00 : f32
      %broadcast_in_dim3A_291 = vector.broadcast %broadcast_in_dim3A_290 : f32 to vector<1x16xf32>
      %swap3A_292 = arith.index_cast %add3A_283 : i32 to index
      %swap3A_293 = arith.constant 16 : index
      %swap3A_294 = tpu.vector_load %arg12[%swap3A_292, %swap3A_293] {strides = array<i32>} : memref<8x128xf32, #tpu.memory_space<vmem>>, vector<1x16xf32>,
      %swap3A_295 = vector.shape_cast %swap3A_294 : vector<1x16xf32> to vector<1x16xf32>
      %swap3A_296 = vector.shape_cast %broadcast_in_dim3A_291 : vector<1x16xf32> to vector<1x16xf32>
      tpu.vector_store %arg12[%swap3A_292, %swap3A_293], %swap3A_296 {strides = array<i32>} : memref<8x128xf32, #tpu.memory_space<vmem>>, vector<1x16xf32>,
      %broadcast_in_dim3A_297 = arith.constant 0.000000e+00 : f32
      %broadcast_in_dim3A_298 = vector.broadcast %broadcast_in_dim3A_297 : f32 to vector<1x16xf32>
      %swap3A_299 = arith.index_cast %add3A_283 : i32 to index
      %swap3A_300 = arith.constant 32 : index
      %swap3A_301 = tpu.vector_load %arg12[%swap3A_299, %swap3A_300] {strides = array<i32>} : memref<8x128xf32, #tpu.memory_space<vmem>>, vector<1x16xf32>,
      %swap3A_302 = vector.shape_cast %swap3A_301 : vector<1x16xf32> to vector<1x16xf32>
      %swap3A_303 = vector.shape_cast %broadcast_in_dim3A_298 : vector<1x16xf32> to vector<1x16xf32>
      tpu.vector_store %arg12[%swap3A_299, %swap3A_300], %swap3A_303 {strides = array<i32>} : memref<8x128xf32, #tpu.memory_space<vmem>>, vector<1x16xf32>,
      %broadcast_in_dim3A_304 = arith.constant 0.000000e+00 : f32
      %broadcast_in_dim3A_305 = vector.broadcast %broadcast_in_dim3A_304 : f32 to vector<1x16xf32>
      %swap3A_306 = arith.index_cast %add3A_283 : i32 to index
      %swap3A_307 = arith.constant 48 : index
      %swap3A_308 = tpu.vector_load %arg12[%swap3A_306, %swap3A_307] {strides = array<i32>} : memref<8x128xf32, #tpu.memory_space<vmem>>, vector<1x16xf32>,
      %swap3A_309 = vector.shape_cast %swap3A_308 : vector<1x16xf32> to vector<1x16xf32>
      %swap3A_310 = vector.shape_cast %broadcast_in_dim3A_305 : vector<1x16xf32> to vector<1x16xf32>
      tpu.vector_store %arg12[%swap3A_306, %swap3A_307], %swap3A_310 {strides = array<i32>} : memref<8x128xf32, #tpu.memory_space<vmem>>, vector<1x16xf32>,
      %broadcast_in_dim3A_311 = arith.constant 0.000000e+00 : f32
      %broadcast_in_dim3A_312 = vector.broadcast %broadcast_in_dim3A_311 : f32 to vector<1x16xf32>
      %swap3A_313 = arith.index_cast %add3A_283 : i32 to index
      %swap3A_314 = arith.constant 64 : index
      %swap3A_315 = tpu.vector_load %arg12[%swap3A_313, %swap3A_314] {strides = array<i32>} : memref<8x128xf32, #tpu.memory_space<vmem>>, vector<1x16xf32>,
      %swap3A_316 = vector.shape_cast %swap3A_315 : vector<1x16xf32> to vector<1x16xf32>
      %swap3A_317 = vector.shape_cast %broadcast_in_dim3A_312 : vector<1x16xf32> to vector<1x16xf32>
      tpu.vector_store %arg12[%swap3A_313, %swap3A_314], %swap3A_317 {strides = array<i32>} : memref<8x128xf32, #tpu.memory_space<vmem>>, vector<1x16xf32>,
      %broadcast_in_dim3A_318 = arith.constant 0.000000e+00 : f32
      %broadcast_in_dim3A_319 = vector.broadcast %broadcast_in_dim3A_318 : f32 to vector<1x16xf32>
      %swap3A_320 = arith.index_cast %add3A_283 : i32 to index
      %swap3A_321 = arith.constant 80 : index
      %swap3A_322 = tpu.vector_load %arg12[%swap3A_320, %swap3A_321] {strides = array<i32>} : memref<8x128xf32, #tpu.memory_space<vmem>>, vector<1x16xf32>,
      %swap3A_323 = vector.shape_cast %swap3A_322 : vector<1x16xf32> to vector<1x16xf32>
      %swap3A_324 = vector.shape_cast %broadcast_in_dim3A_319 : vector<1x16xf32> to vector<1x16xf32>
      tpu.vector_store %arg12[%swap3A_320, %swap3A_321], %swap3A_324 {strides = array<i32>} : memref<8x128xf32, #tpu.memory_space<vmem>>, vector<1x16xf32>,
      %broadcast_in_dim3A_325 = arith.constant 0.000000e+00 : f32
      %broadcast_in_dim3A_326 = vector.broadcast %broadcast_in_dim3A_325 : f32 to vector<1x16xf32>
      %swap3A_327 = arith.index_cast %add3A_283 : i32 to index
      %swap3A_328 = arith.constant 96 : index
      %swap3A_329 = tpu.vector_load %arg12[%swap3A_327, %swap3A_328] {strides = array<i32>} : memref<8x128xf32, #tpu.memory_space<vmem>>, vector<1x16xf32>,
      %swap3A_330 = vector.shape_cast %swap3A_329 : vector<1x16xf32> to vector<1x16xf32>
      %swap3A_331 = vector.shape_cast %broadcast_in_dim3A_326 : vector<1x16xf32> to vector<1x16xf32>
      tpu.vector_store %arg12[%swap3A_327, %swap3A_328], %swap3A_331 {strides = array<i32>} : memref<8x128xf32, #tpu.memory_space<vmem>>, vector<1x16xf32>,
      %broadcast_in_dim3A_332 = arith.constant 0.000000e+00 : f32
      %broadcast_in_dim3A_333 = vector.broadcast %broadcast_in_dim3A_332 : f32 to vector<1x16xf32>
      %swap3A_334 = arith.index_cast %add3A_283 : i32 to index
      %swap3A_335 = arith.constant 112 : index
      %swap3A_336 = tpu.vector_load %arg12[%swap3A_334, %swap3A_335] {strides = array<i32>} : memref<8x128xf32, #tpu.memory_space<vmem>>, vector<1x16xf32>,
      %swap3A_337 = vector.shape_cast %swap3A_336 : vector<1x16xf32> to vector<1x16xf32>
      %swap3A_338 = vector.shape_cast %broadcast_in_dim3A_333 : vector<1x16xf32> to vector<1x16xf32>
      tpu.vector_store %arg12[%swap3A_334, %swap3A_335], %swap3A_338 {strides = array<i32>} : memref<8x128xf32, #tpu.memory_space<vmem>>, vector<1x16xf32>,
    }
    %scan3A_4 = arith.constant 8 : i32
    %mul3A_5 = arith.constant 640 : i32
    %mul3A_6 = arith.muli %arg1, %mul3A_5 : i32
    %scan3A_7 = arith.constant 0 : i32
    %scan3A_8 = arith.constant 80 : i32
    %scan3A_9 = arith.addi %scan3A_7, %scan3A_8 : i32
    %scan3A_10 = arith.constant 1 : i32
    scf.for %scan3A_279 = %scan3A_7 to %scan3A_9 step %scan3A_10  : i32 {
      %mul3A_280 = arith.constant 1 : i32
      %mul3A_281 = arith.muli %scan3A_279, %mul3A_280 : i32
      %add3A_282 = arith.constant 0 : i32
      %add3A_283 = arith.addi %add3A_282, %mul3A_281 : i32
      %mul3A_284 = arith.constant 8 : i32
      %mul3A_285 = arith.muli %add3A_283, %mul3A_284 : i32
      %add3A_286 = arith.addi %mul3A_6, %mul3A_285 : i32
      "tpu.region"() ({
        %run_scoped3A_287 = tpu.sem_alloc : memref<!tpu.dma_semaphore, #tpu.memory_space<semaphore_mem>>
        %dma_start3A_288 = arith.constant 0 : i32
        %dma_start3A_289 = tpu.memref_slice %arg13[%add3A_286, %dma_start3A_288] : memref<10240x128xf32, #tpu.memory_space<vmem_shared>> -> memref<8x128xf32, #tpu.memory_space<vmem_shared>>
        %dma_start3A_290 = arith.constant 0 : i32
        %dma_start3A_291 = tpu.memref_slice %arg13[%add3A_286, %dma_start3A_290] : memref<10240x128xf32, #tpu.memory_space<vmem_shared>> -> memref<8x128xf32, #tpu.memory_space<vmem_shared>>
        tpu.enqueue_dma source(%arg12 : memref<8x128xf32, #tpu.memory_space<vmem>>) target(%dma_start3A_291 : memref<8x128xf32, #tpu.memory_space<vmem_shared>>) target_semaphore(%run_scoped3A_287 : memref<!tpu.dma_semaphore, #tpu.memory_space<semaphore_mem>>)
        %dma_wait3A_292 = arith.constant 0 : i32
        %dma_wait3A_293 = tpu.memref_slice %arg13[%add3A_286, %dma_wait3A_292] : memref<10240x128xf32, #tpu.memory_space<vmem_shared>> -> memref<8x128xf32, #tpu.memory_space<vmem_shared>>
        %dma_wait3A_294 = arith.constant 0 : i32
        %dma_wait3A_295 = tpu.memref_slice %arg13[%add3A_286, %dma_wait3A_294] : memref<10240x128xf32, #tpu.memory_space<vmem_shared>> -> memref<8x128xf32, #tpu.memory_space<vmem_shared>>
        tpu.wait_dma2 semaphore(%run_scoped3A_287 : memref<!tpu.dma_semaphore, #tpu.memory_space<semaphore_mem>>) src(%arg12 : memref<8x128xf32, #tpu.memory_space<vmem>>) dst(%dma_wait3A_295 : memref<8x128xf32, #tpu.memory_space<vmem_shared>>)
        tpu.yield
      }) : () -> ()
    }
    %scan3A_11 = arith.constant 80 : i32
    %barrier3A = arith.constant 0 : index
    tpu.barrier barrier_id(%barrier3A)
    %get3A = arith.constant 0 : index
    %get3A_12 = arith.constant 0 : index
    %get3A_13 = tpu.vector_load %arg5[%get3A, %get3A_12] {strides = array<i32>} : memref<106x96xi32, #tpu.memory_space<vmem>>, vector<1x16xi32>,
    %get3A_14 = vector.shape_cast %get3A_13 : vector<1x16xi32> to vector<1x16xi32>
    %shift_right_logical3A = arith.constant 14 : i32
    %shift_right_logical3A_15 = vector.broadcast %shift_right_logical3A : i32 to vector<1x16xi32>
    %shift_right_logical3A_16 = arith.shrui %get3A_14, %shift_right_logical3A_15 : vector<1x16xi32>
    %swap3A = arith.constant 0 : index
    %swap3A_17 = arith.constant 0 : index
    %swap3A_18 = tpu.vector_load %arg6[%swap3A, %swap3A_17] {strides = array<i32>} : memref<1x96xi32, #tpu.memory_space<vmem>>, vector<1x16xi32>,
    %swap3A_19 = vector.shape_cast %swap3A_18 : vector<1x16xi32> to vector<1x16xi32>
    %swap3A_20 = vector.shape_cast %shift_right_logical3A_16 : vector<1x16xi32> to vector<1x16xi32>
    tpu.vector_store %arg6[%swap3A, %swap3A_17], %swap3A_20 {strides = array<i32>} : memref<1x96xi32, #tpu.memory_space<vmem>>, vector<1x16xi32>,
    %and3A = arith.constant 16383 : i32
    %and3A_21 = vector.broadcast %and3A : i32 to vector<1x16xi32>
    %and3A_22 = arith.andi %get3A_14, %and3A_21 : vector<1x16xi32>
    %swap3A_23 = arith.constant 0 : index
    %swap3A_24 = arith.constant 0 : index
    %swap3A_25 = tpu.vector_load %arg8[%swap3A_23, %swap3A_24] {strides = array<i32>} : memref<1x96xi32, #tpu.memory_space<vmem>>, vector<1x16xi32>,
    %swap3A_26 = vector.shape_cast %swap3A_25 : vector<1x16xi32> to vector<1x16xi32>
    %swap3A_27 = vector.shape_cast %and3A_22 : vector<1x16xi32> to vector<1x16xi32>
    tpu.vector_store %arg8[%swap3A_23, %swap3A_24], %swap3A_27 {strides = array<i32>} : memref<1x96xi32, #tpu.memory_space<vmem>>, vector<1x16xi32>,
    %get3A_28 = arith.constant 0 : index
    %get3A_29 = arith.constant 16 : index
    %get3A_30 = tpu.vector_load %arg5[%get3A_28, %get3A_29] {strides = array<i32>} : memref<106x96xi32, #tpu.memory_space<vmem>>, vector<1x16xi32>,
    %get3A_31 = vector.shape_cast %get3A_30 : vector<1x16xi32> to vector<1x16xi32>
    %shift_right_logical3A_32 = arith.constant 14 : i32
    %shift_right_logical3A_33 = vector.broadcast %shift_right_logical3A_32 : i32 to vector<1x16xi32>
    %shift_right_logical3A_34 = arith.shrui %get3A_31, %shift_right_logical3A_33 : vector<1x16xi32>
    %swap3A_35 = arith.constant 0 : index
    %swap3A_36 = arith.constant 16 : index
    %swap3A_37 = tpu.vector_load %arg6[%swap3A_35, %swap3A_36] {strides = array<i32>} : memref<1x96xi32, #tpu.memory_space<vmem>>, vector<1x16xi32>,
    %swap3A_38 = vector.shape_cast %swap3A_37 : vector<1x16xi32> to vector<1x16xi32>
    %swap3A_39 = vector.shape_cast %shift_right_logical3A_34 : vector<1x16xi32> to vector<1x16xi32>
    tpu.vector_store %arg6[%swap3A_35, %swap3A_36], %swap3A_39 {strides = array<i32>} : memref<1x96xi32, #tpu.memory_space<vmem>>, vector<1x16xi32>,
    %and3A_40 = arith.constant 16383 : i32
    %and3A_41 = vector.broadcast %and3A_40 : i32 to vector<1x16xi32>
    %and3A_42 = arith.andi %get3A_31, %and3A_41 : vector<1x16xi32>
    %swap3A_43 = arith.constant 0 : index
    %swap3A_44 = arith.constant 16 : index
    %swap3A_45 = tpu.vector_load %arg8[%swap3A_43, %swap3A_44] {strides = array<i32>} : memref<1x96xi32, #tpu.memory_space<vmem>>, vector<1x16xi32>,
    %swap3A_46 = vector.shape_cast %swap3A_45 : vector<1x16xi32> to vector<1x16xi32>
    %swap3A_47 = vector.shape_cast %and3A_42 : vector<1x16xi32> to vector<1x16xi32>
    tpu.vector_store %arg8[%swap3A_43, %swap3A_44], %swap3A_47 {strides = array<i32>} : memref<1x96xi32, #tpu.memory_space<vmem>>, vector<1x16xi32>,
    %get3A_48 = arith.constant 0 : index
    %get3A_49 = arith.constant 32 : index
    %get3A_50 = tpu.vector_load %arg5[%get3A_48, %get3A_49] {strides = array<i32>} : memref<106x96xi32, #tpu.memory_space<vmem>>, vector<1x16xi32>,
    %get3A_51 = vector.shape_cast %get3A_50 : vector<1x16xi32> to vector<1x16xi32>
    %shift_right_logical3A_52 = arith.constant 14 : i32
    %shift_right_logical3A_53 = vector.broadcast %shift_right_logical3A_52 : i32 to vector<1x16xi32>
    %shift_right_logical3A_54 = arith.shrui %get3A_51, %shift_right_logical3A_53 : vector<1x16xi32>
    %swap3A_55 = arith.constant 0 : index
    %swap3A_56 = arith.constant 32 : index
    %swap3A_57 = tpu.vector_load %arg6[%swap3A_55, %swap3A_56] {strides = array<i32>} : memref<1x96xi32, #tpu.memory_space<vmem>>, vector<1x16xi32>,
    %swap3A_58 = vector.shape_cast %swap3A_57 : vector<1x16xi32> to vector<1x16xi32>
    %swap3A_59 = vector.shape_cast %shift_right_logical3A_54 : vector<1x16xi32> to vector<1x16xi32>
    tpu.vector_store %arg6[%swap3A_55, %swap3A_56], %swap3A_59 {strides = array<i32>} : memref<1x96xi32, #tpu.memory_space<vmem>>, vector<1x16xi32>,
    %and3A_60 = arith.constant 16383 : i32
    %and3A_61 = vector.broadcast %and3A_60 : i32 to vector<1x16xi32>
    %and3A_62 = arith.andi %get3A_51, %and3A_61 : vector<1x16xi32>
    %swap3A_63 = arith.constant 0 : index
    %swap3A_64 = arith.constant 32 : index
    %swap3A_65 = tpu.vector_load %arg8[%swap3A_63, %swap3A_64] {strides = array<i32>} : memref<1x96xi32, #tpu.memory_space<vmem>>, vector<1x16xi32>,
    %swap3A_66 = vector.shape_cast %swap3A_65 : vector<1x16xi32> to vector<1x16xi32>
    %swap3A_67 = vector.shape_cast %and3A_62 : vector<1x16xi32> to vector<1x16xi32>
    tpu.vector_store %arg8[%swap3A_63, %swap3A_64], %swap3A_67 {strides = array<i32>} : memref<1x96xi32, #tpu.memory_space<vmem>>, vector<1x16xi32>,
    %get3A_68 = arith.constant 0 : index
    %get3A_69 = arith.constant 48 : index
    %get3A_70 = tpu.vector_load %arg5[%get3A_68, %get3A_69] {strides = array<i32>} : memref<106x96xi32, #tpu.memory_space<vmem>>, vector<1x16xi32>,
    %get3A_71 = vector.shape_cast %get3A_70 : vector<1x16xi32> to vector<1x16xi32>
    %shift_right_logical3A_72 = arith.constant 14 : i32
    %shift_right_logical3A_73 = vector.broadcast %shift_right_logical3A_72 : i32 to vector<1x16xi32>
    %shift_right_logical3A_74 = arith.shrui %get3A_71, %shift_right_logical3A_73 : vector<1x16xi32>
    %swap3A_75 = arith.constant 0 : index
    %swap3A_76 = arith.constant 48 : index
    %swap3A_77 = tpu.vector_load %arg6[%swap3A_75, %swap3A_76] {strides = array<i32>} : memref<1x96xi32, #tpu.memory_space<vmem>>, vector<1x16xi32>,
    %swap3A_78 = vector.shape_cast %swap3A_77 : vector<1x16xi32> to vector<1x16xi32>
    %swap3A_79 = vector.shape_cast %shift_right_logical3A_74 : vector<1x16xi32> to vector<1x16xi32>
    tpu.vector_store %arg6[%swap3A_75, %swap3A_76], %swap3A_79 {strides = array<i32>} : memref<1x96xi32, #tpu.memory_space<vmem>>, vector<1x16xi32>,
    %and3A_80 = arith.constant 16383 : i32
    %and3A_81 = vector.broadcast %and3A_80 : i32 to vector<1x16xi32>
    %and3A_82 = arith.andi %get3A_71, %and3A_81 : vector<1x16xi32>
    %swap3A_83 = arith.constant 0 : index
    %swap3A_84 = arith.constant 48 : index
    %swap3A_85 = tpu.vector_load %arg8[%swap3A_83, %swap3A_84] {strides = array<i32>} : memref<1x96xi32, #tpu.memory_space<vmem>>, vector<1x16xi32>,
    %swap3A_86 = vector.shape_cast %swap3A_85 : vector<1x16xi32> to vector<1x16xi32>
    %swap3A_87 = vector.shape_cast %and3A_82 : vector<1x16xi32> to vector<1x16xi32>
    tpu.vector_store %arg8[%swap3A_83, %swap3A_84], %swap3A_87 {strides = array<i32>} : memref<1x96xi32, #tpu.memory_space<vmem>>, vector<1x16xi32>,
    %get3A_88 = arith.constant 0 : index
    %get3A_89 = arith.constant 64 : index
    %get3A_90 = tpu.vector_load %arg5[%get3A_88, %get3A_89] {strides = array<i32>} : memref<106x96xi32, #tpu.memory_space<vmem>>, vector<1x16xi32>,
    %get3A_91 = vector.shape_cast %get3A_90 : vector<1x16xi32> to vector<1x16xi32>
    %shift_right_logical3A_92 = arith.constant 14 : i32
    %shift_right_logical3A_93 = vector.broadcast %shift_right_logical3A_92 : i32 to vector<1x16xi32>
    %shift_right_logical3A_94 = arith.shrui %get3A_91, %shift_right_logical3A_93 : vector<1x16xi32>
    %swap3A_95 = arith.constant 0 : index
    %swap3A_96 = arith.constant 64 : index
    %swap3A_97 = tpu.vector_load %arg6[%swap3A_95, %swap3A_96] {strides = array<i32>} : memref<1x96xi32, #tpu.memory_space<vmem>>, vector<1x16xi32>,
    %swap3A_98 = vector.shape_cast %swap3A_97 : vector<1x16xi32> to vector<1x16xi32>
    %swap3A_99 = vector.shape_cast %shift_right_logical3A_94 : vector<1x16xi32> to vector<1x16xi32>
    tpu.vector_store %arg6[%swap3A_95, %swap3A_96], %swap3A_99 {strides = array<i32>} : memref<1x96xi32, #tpu.memory_space<vmem>>, vector<1x16xi32>,
    %and3A_100 = arith.constant 16383 : i32
    %and3A_101 = vector.broadcast %and3A_100 : i32 to vector<1x16xi32>
    %and3A_102 = arith.andi %get3A_91, %and3A_101 : vector<1x16xi32>
    %swap3A_103 = arith.constant 0 : index
    %swap3A_104 = arith.constant 64 : index
    %swap3A_105 = tpu.vector_load %arg8[%swap3A_103, %swap3A_104] {strides = array<i32>} : memref<1x96xi32, #tpu.memory_space<vmem>>, vector<1x16xi32>,
    %swap3A_106 = vector.shape_cast %swap3A_105 : vector<1x16xi32> to vector<1x16xi32>
    %swap3A_107 = vector.shape_cast %and3A_102 : vector<1x16xi32> to vector<1x16xi32>
    tpu.vector_store %arg8[%swap3A_103, %swap3A_104], %swap3A_107 {strides = array<i32>} : memref<1x96xi32, #tpu.memory_space<vmem>>, vector<1x16xi32>,
    %get3A_108 = arith.constant 0 : index
    %get3A_109 = arith.constant 80 : index
    %get3A_110 = tpu.vector_load %arg5[%get3A_108, %get3A_109] {strides = array<i32>} : memref<106x96xi32, #tpu.memory_space<vmem>>, vector<1x16xi32>,
    %get3A_111 = vector.shape_cast %get3A_110 : vector<1x16xi32> to vector<1x16xi32>
    %shift_right_logical3A_112 = arith.constant 14 : i32
    %shift_right_logical3A_113 = vector.broadcast %shift_right_logical3A_112 : i32 to vector<1x16xi32>
    %shift_right_logical3A_114 = arith.shrui %get3A_111, %shift_right_logical3A_113 : vector<1x16xi32>
    %swap3A_115 = arith.constant 0 : index
    %swap3A_116 = arith.constant 80 : index
    %swap3A_117 = tpu.vector_load %arg6[%swap3A_115, %swap3A_116] {strides = array<i32>} : memref<1x96xi32, #tpu.memory_space<vmem>>, vector<1x16xi32>,
    %swap3A_118 = vector.shape_cast %swap3A_117 : vector<1x16xi32> to vector<1x16xi32>
    %swap3A_119 = vector.shape_cast %shift_right_logical3A_114 : vector<1x16xi32> to vector<1x16xi32>
    tpu.vector_store %arg6[%swap3A_115, %swap3A_116], %swap3A_119 {strides = array<i32>} : memref<1x96xi32, #tpu.memory_space<vmem>>, vector<1x16xi32>,
    %and3A_120 = arith.constant 16383 : i32
    %and3A_121 = vector.broadcast %and3A_120 : i32 to vector<1x16xi32>
    %and3A_122 = arith.andi %get3A_111, %and3A_121 : vector<1x16xi32>
    %swap3A_123 = arith.constant 0 : index
    %swap3A_124 = arith.constant 80 : index
    %swap3A_125 = tpu.vector_load %arg8[%swap3A_123, %swap3A_124] {strides = array<i32>} : memref<1x96xi32, #tpu.memory_space<vmem>>, vector<1x16xi32>,
    %swap3A_126 = vector.shape_cast %swap3A_125 : vector<1x16xi32> to vector<1x16xi32>
    %swap3A_127 = vector.shape_cast %and3A_122 : vector<1x16xi32> to vector<1x16xi32>
    tpu.vector_store %arg8[%swap3A_123, %swap3A_124], %swap3A_127 {strides = array<i32>} : memref<1x96xi32, #tpu.memory_space<vmem>>, vector<1x16xi32>,
    %dma_start3A = arith.constant 0 : i32
    %dma_start3A_128 = arith.constant 0 : i32
    %dma_start3A_129 = tpu.memref_slice %arg6[%dma_start3A, %dma_start3A_128] : memref<1x96xi32, #tpu.memory_space<vmem>> -> memref<1x96xi32, #tpu.memory_space<vmem>>
    %dma_start3A_130 = tpu.memref_squeeze %dma_start3A_129 : memref<1x96xi32, #tpu.memory_space<vmem>> -> memref<96xi32, #tpu.memory_space<vmem>>
    %dma_start3A_131 = arith.constant 0 : i32
    %dma_start3A_132 = arith.constant 0 : i32
    %dma_start3A_133 = tpu.memref_slice %arg2[%dma_start3A_131, %dma_start3A_132] : memref<10000x128xf32, #tpu.memory_space<hbm>> -> memref<10000x128xf32, #tpu.memory_space<hbm>>
    tpu.enqueue_indirect_dma source(%dma_start3A_133 : memref<10000x128xf32, #tpu.memory_space<hbm>>) target(%arg10 : memref<96x128xf32, #tpu.memory_space<vmem>>) offsets(%dma_start3A_130 : memref<96xi32, #tpu.memory_space<vmem>>) semaphore(%arg14 : memref<!tpu.dma_semaphore, #tpu.memory_space<semaphore_mem>>)
    %get3A_134 = arith.constant 1 : index
    %get3A_135 = arith.constant 0 : index
    %get3A_136 = tpu.vector_load %arg5[%get3A_134, %get3A_135] {strides = array<i32>} : memref<106x96xi32, #tpu.memory_space<vmem>>, vector<1x16xi32>,
    %get3A_137 = vector.shape_cast %get3A_136 : vector<1x16xi32> to vector<1x16xi32>
    %shift_right_logical3A_138 = arith.constant 14 : i32
    %shift_right_logical3A_139 = vector.broadcast %shift_right_logical3A_138 : i32 to vector<1x16xi32>
    %shift_right_logical3A_140 = arith.shrui %get3A_137, %shift_right_logical3A_139 : vector<1x16xi32>
    %swap3A_141 = arith.constant 0 : index
    %swap3A_142 = arith.constant 0 : index
    %swap3A_143 = tpu.vector_load %arg7[%swap3A_141, %swap3A_142] {strides = array<i32>} : memref<1x96xi32, #tpu.memory_space<vmem>>, vector<1x16xi32>,
    %swap3A_144 = vector.shape_cast %swap3A_143 : vector<1x16xi32> to vector<1x16xi32>
    %swap3A_145 = vector.shape_cast %shift_right_logical3A_140 : vector<1x16xi32> to vector<1x16xi32>
    tpu.vector_store %arg7[%swap3A_141, %swap3A_142], %swap3A_145 {strides = array<i32>} : memref<1x96xi32, #tpu.memory_space<vmem>>, vector<1x16xi32>,
    %and3A_146 = arith.constant 16383 : i32
    %and3A_147 = vector.broadcast %and3A_146 : i32 to vector<1x16xi32>
    %and3A_148 = arith.andi %get3A_137, %and3A_147 : vector<1x16xi32>
    %swap3A_149 = arith.constant 0 : index
    %swap3A_150 = arith.constant 0 : index
    %swap3A_151 = tpu.vector_load %arg9[%swap3A_149, %swap3A_150] {strides = array<i32>} : memref<1x96xi32, #tpu.memory_space<vmem>>, vector<1x16xi32>,
    %swap3A_152 = vector.shape_cast %swap3A_151 : vector<1x16xi32> to vector<1x16xi32>
    %swap3A_153 = vector.shape_cast %and3A_148 : vector<1x16xi32> to vector<1x16xi32>
    tpu.vector_store %arg9[%swap3A_149, %swap3A_150], %swap3A_153 {strides = array<i32>} : memref<1x96xi32, #tpu.memory_space<vmem>>, vector<1x16xi32>,
    %get3A_154 = arith.constant 1 : index
    %get3A_155 = arith.constant 16 : index
    %get3A_156 = tpu.vector_load %arg5[%get3A_154, %get3A_155] {strides = array<i32>} : memref<106x96xi32, #tpu.memory_space<vmem>>, vector<1x16xi32>,
    %get3A_157 = vector.shape_cast %get3A_156 : vector<1x16xi32> to vector<1x16xi32>
    %shift_right_logical3A_158 = arith.constant 14 : i32
    %shift_right_logical3A_159 = vector.broadcast %shift_right_logical3A_158 : i32 to vector<1x16xi32>
    %shift_right_logical3A_160 = arith.shrui %get3A_157, %shift_right_logical3A_159 : vector<1x16xi32>
    %swap3A_161 = arith.constant 0 : index
    %swap3A_162 = arith.constant 16 : index
    %swap3A_163 = tpu.vector_load %arg7[%swap3A_161, %swap3A_162] {strides = array<i32>} : memref<1x96xi32, #tpu.memory_space<vmem>>, vector<1x16xi32>,
    %swap3A_164 = vector.shape_cast %swap3A_163 : vector<1x16xi32> to vector<1x16xi32>
    %swap3A_165 = vector.shape_cast %shift_right_logical3A_160 : vector<1x16xi32> to vector<1x16xi32>
    tpu.vector_store %arg7[%swap3A_161, %swap3A_162], %swap3A_165 {strides = array<i32>} : memref<1x96xi32, #tpu.memory_space<vmem>>, vector<1x16xi32>,
    %and3A_166 = arith.constant 16383 : i32
    %and3A_167 = vector.broadcast %and3A_166 : i32 to vector<1x16xi32>
    %and3A_168 = arith.andi %get3A_157, %and3A_167 : vector<1x16xi32>
    %swap3A_169 = arith.constant 0 : index
    %swap3A_170 = arith.constant 16 : index
    %swap3A_171 = tpu.vector_load %arg9[%swap3A_169, %swap3A_170] {strides = array<i32>} : memref<1x96xi32, #tpu.memory_space<vmem>>, vector<1x16xi32>,
    %swap3A_172 = vector.shape_cast %swap3A_171 : vector<1x16xi32> to vector<1x16xi32>
    %swap3A_173 = vector.shape_cast %and3A_168 : vector<1x16xi32> to vector<1x16xi32>
    tpu.vector_store %arg9[%swap3A_169, %swap3A_170], %swap3A_173 {strides = array<i32>} : memref<1x96xi32, #tpu.memory_space<vmem>>, vector<1x16xi32>,
    %get3A_174 = arith.constant 1 : index
    %get3A_175 = arith.constant 32 : index
    %get3A_176 = tpu.vector_load %arg5[%get3A_174, %get3A_175] {strides = array<i32>} : memref<106x96xi32, #tpu.memory_space<vmem>>, vector<1x16xi32>,
    %get3A_177 = vector.shape_cast %get3A_176 : vector<1x16xi32> to vector<1x16xi32>
    %shift_right_logical3A_178 = arith.constant 14 : i32
    %shift_right_logical3A_179 = vector.broadcast %shift_right_logical3A_178 : i32 to vector<1x16xi32>
    %shift_right_logical3A_180 = arith.shrui %get3A_177, %shift_right_logical3A_179 : vector<1x16xi32>
    %swap3A_181 = arith.constant 0 : index
    %swap3A_182 = arith.constant 32 : index
    %swap3A_183 = tpu.vector_load %arg7[%swap3A_181, %swap3A_182] {strides = array<i32>} : memref<1x96xi32, #tpu.memory_space<vmem>>, vector<1x16xi32>,
    %swap3A_184 = vector.shape_cast %swap3A_183 : vector<1x16xi32> to vector<1x16xi32>
    %swap3A_185 = vector.shape_cast %shift_right_logical3A_180 : vector<1x16xi32> to vector<1x16xi32>
    tpu.vector_store %arg7[%swap3A_181, %swap3A_182], %swap3A_185 {strides = array<i32>} : memref<1x96xi32, #tpu.memory_space<vmem>>, vector<1x16xi32>,
    %and3A_186 = arith.constant 16383 : i32
    %and3A_187 = vector.broadcast %and3A_186 : i32 to vector<1x16xi32>
    %and3A_188 = arith.andi %get3A_177, %and3A_187 : vector<1x16xi32>
    %swap3A_189 = arith.constant 0 : index
    %swap3A_190 = arith.constant 32 : index
    %swap3A_191 = tpu.vector_load %arg9[%swap3A_189, %swap3A_190] {strides = array<i32>} : memref<1x96xi32, #tpu.memory_space<vmem>>, vector<1x16xi32>,
    %swap3A_192 = vector.shape_cast %swap3A_191 : vector<1x16xi32> to vector<1x16xi32>
    %swap3A_193 = vector.shape_cast %and3A_188 : vector<1x16xi32> to vector<1x16xi32>
    tpu.vector_store %arg9[%swap3A_189, %swap3A_190], %swap3A_193 {strides = array<i32>} : memref<1x96xi32, #tpu.memory_space<vmem>>, vector<1x16xi32>,
    %get3A_194 = arith.constant 1 : index
    %get3A_195 = arith.constant 48 : index
    %get3A_196 = tpu.vector_load %arg5[%get3A_194, %get3A_195] {strides = array<i32>} : memref<106x96xi32, #tpu.memory_space<vmem>>, vector<1x16xi32>,
    %get3A_197 = vector.shape_cast %get3A_196 : vector<1x16xi32> to vector<1x16xi32>
    %shift_right_logical3A_198 = arith.constant 14 : i32
    %shift_right_logical3A_199 = vector.broadcast %shift_right_logical3A_198 : i32 to vector<1x16xi32>
    %shift_right_logical3A_200 = arith.shrui %get3A_197, %shift_right_logical3A_199 : vector<1x16xi32>
    %swap3A_201 = arith.constant 0 : index
    %swap3A_202 = arith.constant 48 : index
    %swap3A_203 = tpu.vector_load %arg7[%swap3A_201, %swap3A_202] {strides = array<i32>} : memref<1x96xi32, #tpu.memory_space<vmem>>, vector<1x16xi32>,
    %swap3A_204 = vector.shape_cast %swap3A_203 : vector<1x16xi32> to vector<1x16xi32>
    %swap3A_205 = vector.shape_cast %shift_right_logical3A_200 : vector<1x16xi32> to vector<1x16xi32>
    tpu.vector_store %arg7[%swap3A_201, %swap3A_202], %swap3A_205 {strides = array<i32>} : memref<1x96xi32, #tpu.memory_space<vmem>>, vector<1x16xi32>,
    %and3A_206 = arith.constant 16383 : i32
    %and3A_207 = vector.broadcast %and3A_206 : i32 to vector<1x16xi32>
    %and3A_208 = arith.andi %get3A_197, %and3A_207 : vector<1x16xi32>
    %swap3A_209 = arith.constant 0 : index
    %swap3A_210 = arith.constant 48 : index
    %swap3A_211 = tpu.vector_load %arg9[%swap3A_209, %swap3A_210] {strides = array<i32>} : memref<1x96xi32, #tpu.memory_space<vmem>>, vector<1x16xi32>,
    %swap3A_212 = vector.shape_cast %swap3A_211 : vector<1x16xi32> to vector<1x16xi32>
    %swap3A_213 = vector.shape_cast %and3A_208 : vector<1x16xi32> to vector<1x16xi32>
    tpu.vector_store %arg9[%swap3A_209, %swap3A_210], %swap3A_213 {strides = array<i32>} : memref<1x96xi32, #tpu.memory_space<vmem>>, vector<1x16xi32>,
    %get3A_214 = arith.constant 1 : index
    %get3A_215 = arith.constant 64 : index
    %get3A_216 = tpu.vector_load %arg5[%get3A_214, %get3A_215] {strides = array<i32>} : memref<106x96xi32, #tpu.memory_space<vmem>>, vector<1x16xi32>,
    %get3A_217 = vector.shape_cast %get3A_216 : vector<1x16xi32> to vector<1x16xi32>
    %shift_right_logical3A_218 = arith.constant 14 : i32
    %shift_right_logical3A_219 = vector.broadcast %shift_right_logical3A_218 : i32 to vector<1x16xi32>
    %shift_right_logical3A_220 = arith.shrui %get3A_217, %shift_right_logical3A_219 : vector<1x16xi32>
    %swap3A_221 = arith.constant 0 : index
    %swap3A_222 = arith.constant 64 : index
    %swap3A_223 = tpu.vector_load %arg7[%swap3A_221, %swap3A_222] {strides = array<i32>} : memref<1x96xi32, #tpu.memory_space<vmem>>, vector<1x16xi32>,
    %swap3A_224 = vector.shape_cast %swap3A_223 : vector<1x16xi32> to vector<1x16xi32>
    %swap3A_225 = vector.shape_cast %shift_right_logical3A_220 : vector<1x16xi32> to vector<1x16xi32>
    tpu.vector_store %arg7[%swap3A_221, %swap3A_222], %swap3A_225 {strides = array<i32>} : memref<1x96xi32, #tpu.memory_space<vmem>>, vector<1x16xi32>,
    %and3A_226 = arith.constant 16383 : i32
    %and3A_227 = vector.broadcast %and3A_226 : i32 to vector<1x16xi32>
    %and3A_228 = arith.andi %get3A_217, %and3A_227 : vector<1x16xi32>
    %swap3A_229 = arith.constant 0 : index
    %swap3A_230 = arith.constant 64 : index
    %swap3A_231 = tpu.vector_load %arg9[%swap3A_229, %swap3A_230] {strides = array<i32>} : memref<1x96xi32, #tpu.memory_space<vmem>>, vector<1x16xi32>,
    %swap3A_232 = vector.shape_cast %swap3A_231 : vector<1x16xi32> to vector<1x16xi32>
    %swap3A_233 = vector.shape_cast %and3A_228 : vector<1x16xi32> to vector<1x16xi32>
    tpu.vector_store %arg9[%swap3A_229, %swap3A_230], %swap3A_233 {strides = array<i32>} : memref<1x96xi32, #tpu.memory_space<vmem>>, vector<1x16xi32>,
    %get3A_234 = arith.constant 1 : index
    %get3A_235 = arith.constant 80 : index
    %get3A_236 = tpu.vector_load %arg5[%get3A_234, %get3A_235] {strides = array<i32>} : memref<106x96xi32, #tpu.memory_space<vmem>>, vector<1x16xi32>,
    %get3A_237 = vector.shape_cast %get3A_236 : vector<1x16xi32> to vector<1x16xi32>
    %shift_right_logical3A_238 = arith.constant 14 : i32
    %shift_right_logical3A_239 = vector.broadcast %shift_right_logical3A_238 : i32 to vector<1x16xi32>
    %shift_right_logical3A_240 = arith.shrui %get3A_237, %shift_right_logical3A_239 : vector<1x16xi32>
    %swap3A_241 = arith.constant 0 : index
    %swap3A_242 = arith.constant 80 : index
    %swap3A_243 = tpu.vector_load %arg7[%swap3A_241, %swap3A_242] {strides = array<i32>} : memref<1x96xi32, #tpu.memory_space<vmem>>, vector<1x16xi32>,
    %swap3A_244 = vector.shape_cast %swap3A_243 : vector<1x16xi32> to vector<1x16xi32>
    %swap3A_245 = vector.shape_cast %shift_right_logical3A_240 : vector<1x16xi32> to vector<1x16xi32>
    tpu.vector_store %arg7[%swap3A_241, %swap3A_242], %swap3A_245 {strides = array<i32>} : memref<1x96xi32, #tpu.memory_space<vmem>>, vector<1x16xi32>,
    %and3A_246 = arith.constant 16383 : i32
    %and3A_247 = vector.broadcast %and3A_246 : i32 to vector<1x16xi32>
    %and3A_248 = arith.andi %get3A_237, %and3A_247 : vector<1x16xi32>
    %swap3A_249 = arith.constant 0 : index
    %swap3A_250 = arith.constant 80 : index
    %swap3A_251 = tpu.vector_load %arg9[%swap3A_249, %swap3A_250] {strides = array<i32>} : memref<1x96xi32, #tpu.memory_space<vmem>>, vector<1x16xi32>,
    %swap3A_252 = vector.shape_cast %swap3A_251 : vector<1x16xi32> to vector<1x16xi32>
    %swap3A_253 = vector.shape_cast %and3A_248 : vector<1x16xi32> to vector<1x16xi32>
    tpu.vector_store %arg9[%swap3A_249, %swap3A_250], %swap3A_253 {strides = array<i32>} : memref<1x96xi32, #tpu.memory_space<vmem>>, vector<1x16xi32>,
    %dma_start3A_254 = arith.constant 0 : i32
    %dma_start3A_255 = arith.constant 0 : i32
    %dma_start3A_256 = tpu.memref_slice %arg7[%dma_start3A_254, %dma_start3A_255] : memref<1x96xi32, #tpu.memory_space<vmem>> -> memref<1x96xi32, #tpu.memory_space<vmem>>
    %dma_start3A_257 = tpu.memref_squeeze %dma_start3A_256 : memref<1x96xi32, #tpu.memory_space<vmem>> -> memref<96xi32, #tpu.memory_space<vmem>>
    %dma_start3A_258 = arith.constant 0 : i32
    %dma_start3A_259 = arith.constant 0 : i32
    %dma_start3A_260 = tpu.memref_slice %arg2[%dma_start3A_258, %dma_start3A_259] : memref<10000x128xf32, #tpu.memory_space<hbm>> -> memref<10000x128xf32, #tpu.memory_space<hbm>>
    tpu.enqueue_indirect_dma source(%dma_start3A_260 : memref<10000x128xf32, #tpu.memory_space<hbm>>) target(%arg11 : memref<96x128xf32, #tpu.memory_space<vmem>>) offsets(%dma_start3A_257 : memref<96xi32, #tpu.memory_space<vmem>>) semaphore(%arg15 : memref<!tpu.dma_semaphore, #tpu.memory_space<semaphore_mem>>)
    %scan3A_261 = arith.constant 0 : i32
    %scan3A_262 = arith.constant 52 : i32
    %scan3A_263 = arith.addi %scan3A_261, %scan3A_262 : i32
    %scan3A_264 = arith.constant 1 : i32
    scf.for %scan3A_279 = %scan3A_261 to %scan3A_263 step %scan3A_264  : i32 {
      %mul3A_280 = arith.constant 1 : i32
      %mul3A_281 = arith.muli %scan3A_279, %mul3A_280 : i32
      %add3A_282 = arith.constant 0 : i32
      %add3A_283 = arith.addi %add3A_282, %mul3A_281 : i32
      %mul3A_284 = arith.constant 2 : i32
      %mul3A_285 = arith.muli %add3A_283, %mul3A_284 : i32
      %dma_wait3A_286 = arith.constant 0 : i32
      %dma_wait3A_287 = arith.constant 0 : i32
      %dma_wait3A_288 = tpu.memref_slice %arg2[%dma_wait3A_286, %dma_wait3A_287] : memref<10000x128xf32, #tpu.memory_space<hbm>> -> memref<96x128xf32, #tpu.memory_space<hbm>>
      %dma_wait3A_289 = arith.constant 0 : i32
      %dma_wait3A_290 = arith.constant 0 : i32
      %dma_wait3A_291 = tpu.memref_slice %arg2[%dma_wait3A_289, %dma_wait3A_290] : memref<10000x128xf32, #tpu.memory_space<hbm>> -> memref<96x128xf32, #tpu.memory_space<hbm>>
      tpu.wait_dma2 semaphore(%arg14 : memref<!tpu.dma_semaphore, #tpu.memory_space<semaphore_mem>>) src(%dma_wait3A_291 : memref<96x128xf32, #tpu.memory_space<hbm>>) dst(%arg10 : memref<96x128xf32, #tpu.memory_space<vmem>>)
      %run_scoped3A_292 = arith.constant 0 : i32
      "tpu.region"() ({
        %run_scoped3A_562 = tpu.sem_alloc : memref<!tpu.dma_semaphore, #tpu.memory_space<semaphore_mem>>
        %dma_start3A_563 = arith.constant 0 : i32
        %dma_start3A_564 = tpu.memref_slice %arg8[%run_scoped3A_292, %dma_start3A_563] : memref<1x96xi32, #tpu.memory_space<vmem>> -> memref<1x96xi32, #tpu.memory_space<vmem>>
        %dma_start3A_565 = tpu.memref_squeeze %dma_start3A_564 : memref<1x96xi32, #tpu.memory_space<vmem>> -> memref<96xi32, #tpu.memory_space<vmem>>
        %dma_start3A_566 = arith.constant 0 : i32
        %dma_start3A_567 = arith.constant 0 : i32
        %dma_start3A_568 = tpu.memref_slice %arg13[%dma_start3A_566, %dma_start3A_567] : memref<10240x128xf32, #tpu.memory_space<vmem_shared>> -> memref<10240x128xf32, #tpu.memory_space<vmem_shared>>
        tpu.enqueue_indirect_dma source(%arg10 : memref<96x128xf32, #tpu.memory_space<vmem>>) target(%dma_start3A_568 : memref<10240x128xf32, #tpu.memory_space<vmem_shared>>) offsets(%dma_start3A_565 : memref<96xi32, #tpu.memory_space<vmem>>) semaphore(%run_scoped3A_562 : memref<!tpu.dma_semaphore, #tpu.memory_space<semaphore_mem>>) {add = true}
        %dma_wait3A_569 = arith.constant 0 : i32
        %dma_wait3A_570 = tpu.memref_slice %arg8[%run_scoped3A_292, %dma_wait3A_569] : memref<1x96xi32, #tpu.memory_space<vmem>> -> memref<1x96xi32, #tpu.memory_space<vmem>>
        %dma_wait3A_571 = tpu.memref_squeeze %dma_wait3A_570 : memref<1x96xi32, #tpu.memory_space<vmem>> -> memref<96xi32, #tpu.memory_space<vmem>>
        %dma_wait3A_572 = arith.constant 0 : i32
        %dma_wait3A_573 = arith.constant 0 : i32
        %dma_wait3A_574 = tpu.memref_slice %arg13[%dma_wait3A_572, %dma_wait3A_573] : memref<10240x128xf32, #tpu.memory_space<vmem_shared>> -> memref<10240x128xf32, #tpu.memory_space<vmem_shared>>
        tpu.wait_indirect_dma semaphore(%run_scoped3A_562 : memref<!tpu.dma_semaphore, #tpu.memory_space<semaphore_mem>>) src(%arg10 : memref<96x128xf32, #tpu.memory_space<vmem>>) dst(%dma_wait3A_574 : memref<10240x128xf32, #tpu.memory_space<vmem_shared>>)
        tpu.yield
      }) : () -> ()
      %add3A_293 = arith.constant 0 : i32
      %add3A_294 = arith.addi %mul3A_285, %add3A_293 : i32
      %add3A_295 = arith.constant 2 : i32
      %add3A_296 = arith.addi %add3A_294, %add3A_295 : i32
      %get3A_297 = arith.index_cast %add3A_296 : i32 to index
      %get3A_298 = arith.constant 0 : index
      %get3A_299 = tpu.vector_load %arg5[%get3A_297, %get3A_298] {strides = array<i32>} : memref<106x96xi32, #tpu.memory_space<vmem>>, vector<1x16xi32>,
      %get3A_300 = vector.shape_cast %get3A_299 : vector<1x16xi32> to vector<1x16xi32>
      %shift_right_logical3A_301 = arith.constant 14 : i32
      %shift_right_logical3A_302 = vector.broadcast %shift_right_logical3A_301 : i32 to vector<1x16xi32>
      %shift_right_logical3A_303 = arith.shrui %get3A_300, %shift_right_logical3A_302 : vector<1x16xi32>
      %swap3A_304 = arith.constant 0 : index
      %swap3A_305 = arith.constant 0 : index
      %swap3A_306 = tpu.vector_load %arg6[%swap3A_304, %swap3A_305] {strides = array<i32>} : memref<1x96xi32, #tpu.memory_space<vmem>>, vector<1x16xi32>,
      %swap3A_307 = vector.shape_cast %swap3A_306 : vector<1x16xi32> to vector<1x16xi32>
      %swap3A_308 = vector.shape_cast %shift_right_logical3A_303 : vector<1x16xi32> to vector<1x16xi32>
      tpu.vector_store %arg6[%swap3A_304, %swap3A_305], %swap3A_308 {strides = array<i32>} : memref<1x96xi32, #tpu.memory_space<vmem>>, vector<1x16xi32>,
      %and3A_309 = arith.constant 16383 : i32
      %and3A_310 = vector.broadcast %and3A_309 : i32 to vector<1x16xi32>
      %and3A_311 = arith.andi %get3A_300, %and3A_310 : vector<1x16xi32>
      %swap3A_312 = arith.constant 0 : index
      %swap3A_313 = arith.constant 0 : index
      %swap3A_314 = tpu.vector_load %arg8[%swap3A_312, %swap3A_313] {strides = array<i32>} : memref<1x96xi32, #tpu.memory_space<vmem>>, vector<1x16xi32>,
      %swap3A_315 = vector.shape_cast %swap3A_314 : vector<1x16xi32> to vector<1x16xi32>
      %swap3A_316 = vector.shape_cast %and3A_311 : vector<1x16xi32> to vector<1x16xi32>
      tpu.vector_store %arg8[%swap3A_312, %swap3A_313], %swap3A_316 {strides = array<i32>} : memref<1x96xi32, #tpu.memory_space<vmem>>, vector<1x16xi32>,
      %get3A_317 = arith.index_cast %add3A_296 : i32 to index
      %get3A_318 = arith.constant 16 : index
      %get3A_319 = tpu.vector_load %arg5[%get3A_317, %get3A_318] {strides = array<i32>} : memref<106x96xi32, #tpu.memory_space<vmem>>, vector<1x16xi32>,
      %get3A_320 = vector.shape_cast %get3A_319 : vector<1x16xi32> to vector<1x16xi32>
      %shift_right_logical3A_321 = arith.constant 14 : i32
      %shift_right_logical3A_322 = vector.broadcast %shift_right_logical3A_321 : i32 to vector<1x16xi32>
      %shift_right_logical3A_323 = arith.shrui %get3A_320, %shift_right_logical3A_322 : vector<1x16xi32>
      %swap3A_324 = arith.constant 0 : index
      %swap3A_325 = arith.constant 16 : index
      %swap3A_326 = tpu.vector_load %arg6[%swap3A_324, %swap3A_325] {strides = array<i32>} : memref<1x96xi32, #tpu.memory_space<vmem>>, vector<1x16xi32>,
      %swap3A_327 = vector.shape_cast %swap3A_326 : vector<1x16xi32> to vector<1x16xi32>
      %swap3A_328 = vector.shape_cast %shift_right_logical3A_323 : vector<1x16xi32> to vector<1x16xi32>
      tpu.vector_store %arg6[%swap3A_324, %swap3A_325], %swap3A_328 {strides = array<i32>} : memref<1x96xi32, #tpu.memory_space<vmem>>, vector<1x16xi32>,
      %and3A_329 = arith.constant 16383 : i32
      %and3A_330 = vector.broadcast %and3A_329 : i32 to vector<1x16xi32>
      %and3A_331 = arith.andi %get3A_320, %and3A_330 : vector<1x16xi32>
      %swap3A_332 = arith.constant 0 : index
      %swap3A_333 = arith.constant 16 : index
      %swap3A_334 = tpu.vector_load %arg8[%swap3A_332, %swap3A_333] {strides = array<i32>} : memref<1x96xi32, #tpu.memory_space<vmem>>, vector<1x16xi32>,
      %swap3A_335 = vector.shape_cast %swap3A_334 : vector<1x16xi32> to vector<1x16xi32>
      %swap3A_336 = vector.shape_cast %and3A_331 : vector<1x16xi32> to vector<1x16xi32>
      tpu.vector_store %arg8[%swap3A_332, %swap3A_333], %swap3A_336 {strides = array<i32>} : memref<1x96xi32, #tpu.memory_space<vmem>>, vector<1x16xi32>,
      %get3A_337 = arith.index_cast %add3A_296 : i32 to index
      %get3A_338 = arith.constant 32 : index
      %get3A_339 = tpu.vector_load %arg5[%get3A_337, %get3A_338] {strides = array<i32>} : memref<106x96xi32, #tpu.memory_space<vmem>>, vector<1x16xi32>,
      %get3A_340 = vector.shape_cast %get3A_339 : vector<1x16xi32> to vector<1x16xi32>
      %shift_right_logical3A_341 = arith.constant 14 : i32
      %shift_right_logical3A_342 = vector.broadcast %shift_right_logical3A_341 : i32 to vector<1x16xi32>
      %shift_right_logical3A_343 = arith.shrui %get3A_340, %shift_right_logical3A_342 : vector<1x16xi32>
      %swap3A_344 = arith.constant 0 : index
      %swap3A_345 = arith.constant 32 : index
      %swap3A_346 = tpu.vector_load %arg6[%swap3A_344, %swap3A_345] {strides = array<i32>} : memref<1x96xi32, #tpu.memory_space<vmem>>, vector<1x16xi32>,
      %swap3A_347 = vector.shape_cast %swap3A_346 : vector<1x16xi32> to vector<1x16xi32>
      %swap3A_348 = vector.shape_cast %shift_right_logical3A_343 : vector<1x16xi32> to vector<1x16xi32>
      tpu.vector_store %arg6[%swap3A_344, %swap3A_345], %swap3A_348 {strides = array<i32>} : memref<1x96xi32, #tpu.memory_space<vmem>>, vector<1x16xi32>,
      %and3A_349 = arith.constant 16383 : i32
      %and3A_350 = vector.broadcast %and3A_349 : i32 to vector<1x16xi32>
      %and3A_351 = arith.andi %get3A_340, %and3A_350 : vector<1x16xi32>
      %swap3A_352 = arith.constant 0 : index
      %swap3A_353 = arith.constant 32 : index
      %swap3A_354 = tpu.vector_load %arg8[%swap3A_352, %swap3A_353] {strides = array<i32>} : memref<1x96xi32, #tpu.memory_space<vmem>>, vector<1x16xi32>,
      %swap3A_355 = vector.shape_cast %swap3A_354 : vector<1x16xi32> to vector<1x16xi32>
      %swap3A_356 = vector.shape_cast %and3A_351 : vector<1x16xi32> to vector<1x16xi32>
      tpu.vector_store %arg8[%swap3A_352, %swap3A_353], %swap3A_356 {strides = array<i32>} : memref<1x96xi32, #tpu.memory_space<vmem>>, vector<1x16xi32>,
      %get3A_357 = arith.index_cast %add3A_296 : i32 to index
      %get3A_358 = arith.constant 48 : index
      %get3A_359 = tpu.vector_load %arg5[%get3A_357, %get3A_358] {strides = array<i32>} : memref<106x96xi32, #tpu.memory_space<vmem>>, vector<1x16xi32>,
      %get3A_360 = vector.shape_cast %get3A_359 : vector<1x16xi32> to vector<1x16xi32>
      %shift_right_logical3A_361 = arith.constant 14 : i32
      %shift_right_logical3A_362 = vector.broadcast %shift_right_logical3A_361 : i32 to vector<1x16xi32>
      %shift_right_logical3A_363 = arith.shrui %get3A_360, %shift_right_logical3A_362 : vector<1x16xi32>
      %swap3A_364 = arith.constant 0 : index
      %swap3A_365 = arith.constant 48 : index
      %swap3A_366 = tpu.vector_load %arg6[%swap3A_364, %swap3A_365] {strides = array<i32>} : memref<1x96xi32, #tpu.memory_space<vmem>>, vector<1x16xi32>,
      %swap3A_367 = vector.shape_cast %swap3A_366 : vector<1x16xi32> to vector<1x16xi32>
      %swap3A_368 = vector.shape_cast %shift_right_logical3A_363 : vector<1x16xi32> to vector<1x16xi32>
      tpu.vector_store %arg6[%swap3A_364, %swap3A_365], %swap3A_368 {strides = array<i32>} : memref<1x96xi32, #tpu.memory_space<vmem>>, vector<1x16xi32>,
      %and3A_369 = arith.constant 16383 : i32
      %and3A_370 = vector.broadcast %and3A_369 : i32 to vector<1x16xi32>
      %and3A_371 = arith.andi %get3A_360, %and3A_370 : vector<1x16xi32>
      %swap3A_372 = arith.constant 0 : index
      %swap3A_373 = arith.constant 48 : index
      %swap3A_374 = tpu.vector_load %arg8[%swap3A_372, %swap3A_373] {strides = array<i32>} : memref<1x96xi32, #tpu.memory_space<vmem>>, vector<1x16xi32>,
      %swap3A_375 = vector.shape_cast %swap3A_374 : vector<1x16xi32> to vector<1x16xi32>
      %swap3A_376 = vector.shape_cast %and3A_371 : vector<1x16xi32> to vector<1x16xi32>
      tpu.vector_store %arg8[%swap3A_372, %swap3A_373], %swap3A_376 {strides = array<i32>} : memref<1x96xi32, #tpu.memory_space<vmem>>, vector<1x16xi32>,
      %get3A_377 = arith.index_cast %add3A_296 : i32 to index
      %get3A_378 = arith.constant 64 : index
      %get3A_379 = tpu.vector_load %arg5[%get3A_377, %get3A_378] {strides = array<i32>} : memref<106x96xi32, #tpu.memory_space<vmem>>, vector<1x16xi32>,
      %get3A_380 = vector.shape_cast %get3A_379 : vector<1x16xi32> to vector<1x16xi32>
      %shift_right_logical3A_381 = arith.constant 14 : i32
      %shift_right_logical3A_382 = vector.broadcast %shift_right_logical3A_381 : i32 to vector<1x16xi32>
      %shift_right_logical3A_383 = arith.shrui %get3A_380, %shift_right_logical3A_382 : vector<1x16xi32>
      %swap3A_384 = arith.constant 0 : index
      %swap3A_385 = arith.constant 64 : index
      %swap3A_386 = tpu.vector_load %arg6[%swap3A_384, %swap3A_385] {strides = array<i32>} : memref<1x96xi32, #tpu.memory_space<vmem>>, vector<1x16xi32>,
      %swap3A_387 = vector.shape_cast %swap3A_386 : vector<1x16xi32> to vector<1x16xi32>
      %swap3A_388 = vector.shape_cast %shift_right_logical3A_383 : vector<1x16xi32> to vector<1x16xi32>
      tpu.vector_store %arg6[%swap3A_384, %swap3A_385], %swap3A_388 {strides = array<i32>} : memref<1x96xi32, #tpu.memory_space<vmem>>, vector<1x16xi32>,
      %and3A_389 = arith.constant 16383 : i32
      %and3A_390 = vector.broadcast %and3A_389 : i32 to vector<1x16xi32>
      %and3A_391 = arith.andi %get3A_380, %and3A_390 : vector<1x16xi32>
      %swap3A_392 = arith.constant 0 : index
      %swap3A_393 = arith.constant 64 : index
      %swap3A_394 = tpu.vector_load %arg8[%swap3A_392, %swap3A_393] {strides = array<i32>} : memref<1x96xi32, #tpu.memory_space<vmem>>, vector<1x16xi32>,
      %swap3A_395 = vector.shape_cast %swap3A_394 : vector<1x16xi32> to vector<1x16xi32>
      %swap3A_396 = vector.shape_cast %and3A_391 : vector<1x16xi32> to vector<1x16xi32>
      tpu.vector_store %arg8[%swap3A_392, %swap3A_393], %swap3A_396 {strides = array<i32>} : memref<1x96xi32, #tpu.memory_space<vmem>>, vector<1x16xi32>,
      %get3A_397 = arith.index_cast %add3A_296 : i32 to index
      %get3A_398 = arith.constant 80 : index
      %get3A_399 = tpu.vector_load %arg5[%get3A_397, %get3A_398] {strides = array<i32>} : memref<106x96xi32, #tpu.memory_space<vmem>>, vector<1x16xi32>,
      %get3A_400 = vector.shape_cast %get3A_399 : vector<1x16xi32> to vector<1x16xi32>
      %shift_right_logical3A_401 = arith.constant 14 : i32
      %shift_right_logical3A_402 = vector.broadcast %shift_right_logical3A_401 : i32 to vector<1x16xi32>
      %shift_right_logical3A_403 = arith.shrui %get3A_400, %shift_right_logical3A_402 : vector<1x16xi32>
      %swap3A_404 = arith.constant 0 : index
      %swap3A_405 = arith.constant 80 : index
      %swap3A_406 = tpu.vector_load %arg6[%swap3A_404, %swap3A_405] {strides = array<i32>} : memref<1x96xi32, #tpu.memory_space<vmem>>, vector<1x16xi32>,
      %swap3A_407 = vector.shape_cast %swap3A_406 : vector<1x16xi32> to vector<1x16xi32>
      %swap3A_408 = vector.shape_cast %shift_right_logical3A_403 : vector<1x16xi32> to vector<1x16xi32>
      tpu.vector_store %arg6[%swap3A_404, %swap3A_405], %swap3A_408 {strides = array<i32>} : memref<1x96xi32, #tpu.memory_space<vmem>>, vector<1x16xi32>,
      %and3A_409 = arith.constant 16383 : i32
      %and3A_410 = vector.broadcast %and3A_409 : i32 to vector<1x16xi32>
      %and3A_411 = arith.andi %get3A_400, %and3A_410 : vector<1x16xi32>
      %swap3A_412 = arith.constant 0 : index
      %swap3A_413 = arith.constant 80 : index
      %swap3A_414 = tpu.vector_load %arg8[%swap3A_412, %swap3A_413] {strides = array<i32>} : memref<1x96xi32, #tpu.memory_space<vmem>>, vector<1x16xi32>,
      %swap3A_415 = vector.shape_cast %swap3A_414 : vector<1x16xi32> to vector<1x16xi32>
      %swap3A_416 = vector.shape_cast %and3A_411 : vector<1x16xi32> to vector<1x16xi32>
      tpu.vector_store %arg8[%swap3A_412, %swap3A_413], %swap3A_416 {strides = array<i32>} : memref<1x96xi32, #tpu.memory_space<vmem>>, vector<1x16xi32>,
      %dma_start3A_417 = arith.constant 0 : i32
      %dma_start3A_418 = arith.constant 0 : i32
      %dma_start3A_419 = tpu.memref_slice %arg6[%dma_start3A_417, %dma_start3A_418] : memref<1x96xi32, #tpu.memory_space<vmem>> -> memref<1x96xi32, #tpu.memory_space<vmem>>
      %dma_start3A_420 = tpu.memref_squeeze %dma_start3A_419 : memref<1x96xi32, #tpu.memory_space<vmem>> -> memref<96xi32, #tpu.memory_space<vmem>>
      %dma_start3A_421 = arith.constant 0 : i32
      %dma_start3A_422 = arith.constant 0 : i32
      %dma_start3A_423 = tpu.memref_slice %arg2[%dma_start3A_421, %dma_start3A_422] : memref<10000x128xf32, #tpu.memory_space<hbm>> -> memref<10000x128xf32, #tpu.memory_space<hbm>>
      tpu.enqueue_indirect_dma source(%dma_start3A_423 : memref<10000x128xf32, #tpu.memory_space<hbm>>) target(%arg10 : memref<96x128xf32, #tpu.memory_space<vmem>>) offsets(%dma_start3A_420 : memref<96xi32, #tpu.memory_space<vmem>>) semaphore(%arg14 : memref<!tpu.dma_semaphore, #tpu.memory_space<semaphore_mem>>)
      %dma_wait3A_424 = arith.constant 0 : i32
      %dma_wait3A_425 = arith.constant 0 : i32
      %dma_wait3A_426 = tpu.memref_slice %arg2[%dma_wait3A_424, %dma_wait3A_425] : memref<10000x128xf32, #tpu.memory_space<hbm>> -> memref<96x128xf32, #tpu.memory_space<hbm>>
      %dma_wait3A_427 = arith.constant 0 : i32
      %dma_wait3A_428 = arith.constant 0 : i32
      %dma_wait3A_429 = tpu.memref_slice %arg2[%dma_wait3A_427, %dma_wait3A_428] : memref<10000x128xf32, #tpu.memory_space<hbm>> -> memref<96x128xf32, #tpu.memory_space<hbm>>
      tpu.wait_dma2 semaphore(%arg15 : memref<!tpu.dma_semaphore, #tpu.memory_space<semaphore_mem>>) src(%dma_wait3A_429 : memref<96x128xf32, #tpu.memory_space<hbm>>) dst(%arg11 : memref<96x128xf32, #tpu.memory_space<vmem>>)
      %run_scoped3A_430 = arith.constant 0 : i32
      "tpu.region"() ({
        %run_scoped3A_562 = tpu.sem_alloc : memref<!tpu.dma_semaphore, #tpu.memory_space<semaphore_mem>>
        %dma_start3A_563 = arith.constant 0 : i32
        %dma_start3A_564 = tpu.memref_slice %arg9[%run_scoped3A_430, %dma_start3A_563] : memref<1x96xi32, #tpu.memory_space<vmem>> -> memref<1x96xi32, #tpu.memory_space<vmem>>
        %dma_start3A_565 = tpu.memref_squeeze %dma_start3A_564 : memref<1x96xi32, #tpu.memory_space<vmem>> -> memref<96xi32, #tpu.memory_space<vmem>>
        %dma_start3A_566 = arith.constant 0 : i32
        %dma_start3A_567 = arith.constant 0 : i32
        %dma_start3A_568 = tpu.memref_slice %arg13[%dma_start3A_566, %dma_start3A_567] : memref<10240x128xf32, #tpu.memory_space<vmem_shared>> -> memref<10240x128xf32, #tpu.memory_space<vmem_shared>>
        tpu.enqueue_indirect_dma source(%arg11 : memref<96x128xf32, #tpu.memory_space<vmem>>) target(%dma_start3A_568 : memref<10240x128xf32, #tpu.memory_space<vmem_shared>>) offsets(%dma_start3A_565 : memref<96xi32, #tpu.memory_space<vmem>>) semaphore(%run_scoped3A_562 : memref<!tpu.dma_semaphore, #tpu.memory_space<semaphore_mem>>) {add = true}
        %dma_wait3A_569 = arith.constant 0 : i32
        %dma_wait3A_570 = tpu.memref_slice %arg9[%run_scoped3A_430, %dma_wait3A_569] : memref<1x96xi32, #tpu.memory_space<vmem>> -> memref<1x96xi32, #tpu.memory_space<vmem>>
        %dma_wait3A_571 = tpu.memref_squeeze %dma_wait3A_570 : memref<1x96xi32, #tpu.memory_space<vmem>> -> memref<96xi32, #tpu.memory_space<vmem>>
        %dma_wait3A_572 = arith.constant 0 : i32
        %dma_wait3A_573 = arith.constant 0 : i32
        %dma_wait3A_574 = tpu.memref_slice %arg13[%dma_wait3A_572, %dma_wait3A_573] : memref<10240x128xf32, #tpu.memory_space<vmem_shared>> -> memref<10240x128xf32, #tpu.memory_space<vmem_shared>>
        tpu.wait_indirect_dma semaphore(%run_scoped3A_562 : memref<!tpu.dma_semaphore, #tpu.memory_space<semaphore_mem>>) src(%arg11 : memref<96x128xf32, #tpu.memory_space<vmem>>) dst(%dma_wait3A_574 : memref<10240x128xf32, #tpu.memory_space<vmem_shared>>)
        tpu.yield
      }) : () -> ()
      %add3A_431 = arith.constant 1 : i32
      %add3A_432 = arith.addi %mul3A_285, %add3A_431 : i32
      %add3A_433 = arith.constant 2 : i32
      %add3A_434 = arith.addi %add3A_432, %add3A_433 : i32
      %get3A_435 = arith.index_cast %add3A_434 : i32 to index
      %get3A_436 = arith.constant 0 : index
      %get3A_437 = tpu.vector_load %arg5[%get3A_435, %get3A_436] {strides = array<i32>} : memref<106x96xi32, #tpu.memory_space<vmem>>, vector<1x16xi32>,
      %get3A_438 = vector.shape_cast %get3A_437 : vector<1x16xi32> to vector<1x16xi32>
      %shift_right_logical3A_439 = arith.constant 14 : i32
      %shift_right_logical3A_440 = vector.broadcast %shift_right_logical3A_439 : i32 to vector<1x16xi32>
      %shift_right_logical3A_441 = arith.shrui %get3A_438, %shift_right_logical3A_440 : vector<1x16xi32>
      %swap3A_442 = arith.constant 0 : index
      %swap3A_443 = arith.constant 0 : index
      %swap3A_444 = tpu.vector_load %arg7[%swap3A_442, %swap3A_443] {strides = array<i32>} : memref<1x96xi32, #tpu.memory_space<vmem>>, vector<1x16xi32>,
      %swap3A_445 = vector.shape_cast %swap3A_444 : vector<1x16xi32> to vector<1x16xi32>
      %swap3A_446 = vector.shape_cast %shift_right_logical3A_441 : vector<1x16xi32> to vector<1x16xi32>
      tpu.vector_store %arg7[%swap3A_442, %swap3A_443], %swap3A_446 {strides = array<i32>} : memref<1x96xi32, #tpu.memory_space<vmem>>, vector<1x16xi32>,
      %and3A_447 = arith.constant 16383 : i32
      %and3A_448 = vector.broadcast %and3A_447 : i32 to vector<1x16xi32>
      %and3A_449 = arith.andi %get3A_438, %and3A_448 : vector<1x16xi32>
      %swap3A_450 = arith.constant 0 : index
      %swap3A_451 = arith.constant 0 : index
      %swap3A_452 = tpu.vector_load %arg9[%swap3A_450, %swap3A_451] {strides = array<i32>} : memref<1x96xi32, #tpu.memory_space<vmem>>, vector<1x16xi32>,
      %swap3A_453 = vector.shape_cast %swap3A_452 : vector<1x16xi32> to vector<1x16xi32>
      %swap3A_454 = vector.shape_cast %and3A_449 : vector<1x16xi32> to vector<1x16xi32>
      tpu.vector_store %arg9[%swap3A_450, %swap3A_451], %swap3A_454 {strides = array<i32>} : memref<1x96xi32, #tpu.memory_space<vmem>>, vector<1x16xi32>,
      %get3A_455 = arith.index_cast %add3A_434 : i32 to index
      %get3A_456 = arith.constant 16 : index
      %get3A_457 = tpu.vector_load %arg5[%get3A_455, %get3A_456] {strides = array<i32>} : memref<106x96xi32, #tpu.memory_space<vmem>>, vector<1x16xi32>,
      %get3A_458 = vector.shape_cast %get3A_457 : vector<1x16xi32> to vector<1x16xi32>
      %shift_right_logical3A_459 = arith.constant 14 : i32
      %shift_right_logical3A_460 = vector.broadcast %shift_right_logical3A_459 : i32 to vector<1x16xi32>
      %shift_right_logical3A_461 = arith.shrui %get3A_458, %shift_right_logical3A_460 : vector<1x16xi32>
      %swap3A_462 = arith.constant 0 : index
      %swap3A_463 = arith.constant 16 : index
      %swap3A_464 = tpu.vector_load %arg7[%swap3A_462, %swap3A_463] {strides = array<i32>} : memref<1x96xi32, #tpu.memory_space<vmem>>, vector<1x16xi32>,
      %swap3A_465 = vector.shape_cast %swap3A_464 : vector<1x16xi32> to vector<1x16xi32>
      %swap3A_466 = vector.shape_cast %shift_right_logical3A_461 : vector<1x16xi32> to vector<1x16xi32>
      tpu.vector_store %arg7[%swap3A_462, %swap3A_463], %swap3A_466 {strides = array<i32>} : memref<1x96xi32, #tpu.memory_space<vmem>>, vector<1x16xi32>,
      %and3A_467 = arith.constant 16383 : i32
      %and3A_468 = vector.broadcast %and3A_467 : i32 to vector<1x16xi32>
      %and3A_469 = arith.andi %get3A_458, %and3A_468 : vector<1x16xi32>
      %swap3A_470 = arith.constant 0 : index
      %swap3A_471 = arith.constant 16 : index
      %swap3A_472 = tpu.vector_load %arg9[%swap3A_470, %swap3A_471] {strides = array<i32>} : memref<1x96xi32, #tpu.memory_space<vmem>>, vector<1x16xi32>,
      %swap3A_473 = vector.shape_cast %swap3A_472 : vector<1x16xi32> to vector<1x16xi32>
      %swap3A_474 = vector.shape_cast %and3A_469 : vector<1x16xi32> to vector<1x16xi32>
      tpu.vector_store %arg9[%swap3A_470, %swap3A_471], %swap3A_474 {strides = array<i32>} : memref<1x96xi32, #tpu.memory_space<vmem>>, vector<1x16xi32>,
      %get3A_475 = arith.index_cast %add3A_434 : i32 to index
      %get3A_476 = arith.constant 32 : index
      %get3A_477 = tpu.vector_load %arg5[%get3A_475, %get3A_476] {strides = array<i32>} : memref<106x96xi32, #tpu.memory_space<vmem>>, vector<1x16xi32>,
      %get3A_478 = vector.shape_cast %get3A_477 : vector<1x16xi32> to vector<1x16xi32>
      %shift_right_logical3A_479 = arith.constant 14 : i32
      %shift_right_logical3A_480 = vector.broadcast %shift_right_logical3A_479 : i32 to vector<1x16xi32>
      %shift_right_logical3A_481 = arith.shrui %get3A_478, %shift_right_logical3A_480 : vector<1x16xi32>
      %swap3A_482 = arith.constant 0 : index
      %swap3A_483 = arith.constant 32 : index
      %swap3A_484 = tpu.vector_load %arg7[%swap3A_482, %swap3A_483] {strides = array<i32>} : memref<1x96xi32, #tpu.memory_space<vmem>>, vector<1x16xi32>,
      %swap3A_485 = vector.shape_cast %swap3A_484 : vector<1x16xi32> to vector<1x16xi32>
      %swap3A_486 = vector.shape_cast %shift_right_logical3A_481 : vector<1x16xi32> to vector<1x16xi32>
      tpu.vector_store %arg7[%swap3A_482, %swap3A_483], %swap3A_486 {strides = array<i32>} : memref<1x96xi32, #tpu.memory_space<vmem>>, vector<1x16xi32>,
      %and3A_487 = arith.constant 16383 : i32
      %and3A_488 = vector.broadcast %and3A_487 : i32 to vector<1x16xi32>
      %and3A_489 = arith.andi %get3A_478, %and3A_488 : vector<1x16xi32>
      %swap3A_490 = arith.constant 0 : index
      %swap3A_491 = arith.constant 32 : index
      %swap3A_492 = tpu.vector_load %arg9[%swap3A_490, %swap3A_491] {strides = array<i32>} : memref<1x96xi32, #tpu.memory_space<vmem>>, vector<1x16xi32>,
      %swap3A_493 = vector.shape_cast %swap3A_492 : vector<1x16xi32> to vector<1x16xi32>
      %swap3A_494 = vector.shape_cast %and3A_489 : vector<1x16xi32> to vector<1x16xi32>
      tpu.vector_store %arg9[%swap3A_490, %swap3A_491], %swap3A_494 {strides = array<i32>} : memref<1x96xi32, #tpu.memory_space<vmem>>, vector<1x16xi32>,
      %get3A_495 = arith.index_cast %add3A_434 : i32 to index
      %get3A_496 = arith.constant 48 : index
      %get3A_497 = tpu.vector_load %arg5[%get3A_495, %get3A_496] {strides = array<i32>} : memref<106x96xi32, #tpu.memory_space<vmem>>, vector<1x16xi32>,
      %get3A_498 = vector.shape_cast %get3A_497 : vector<1x16xi32> to vector<1x16xi32>
      %shift_right_logical3A_499 = arith.constant 14 : i32
      %shift_right_logical3A_500 = vector.broadcast %shift_right_logical3A_499 : i32 to vector<1x16xi32>
      %shift_right_logical3A_501 = arith.shrui %get3A_498, %shift_right_logical3A_500 : vector<1x16xi32>
      %swap3A_502 = arith.constant 0 : index
      %swap3A_503 = arith.constant 48 : index
      %swap3A_504 = tpu.vector_load %arg7[%swap3A_502, %swap3A_503] {strides = array<i32>} : memref<1x96xi32, #tpu.memory_space<vmem>>, vector<1x16xi32>,
      %swap3A_505 = vector.shape_cast %swap3A_504 : vector<1x16xi32> to vector<1x16xi32>
      %swap3A_506 = vector.shape_cast %shift_right_logical3A_501 : vector<1x16xi32> to vector<1x16xi32>
      tpu.vector_store %arg7[%swap3A_502, %swap3A_503], %swap3A_506 {strides = array<i32>} : memref<1x96xi32, #tpu.memory_space<vmem>>, vector<1x16xi32>,
      %and3A_507 = arith.constant 16383 : i32
      %and3A_508 = vector.broadcast %and3A_507 : i32 to vector<1x16xi32>
      %and3A_509 = arith.andi %get3A_498, %and3A_508 : vector<1x16xi32>
      %swap3A_510 = arith.constant 0 : index
      %swap3A_511 = arith.constant 48 : index
      %swap3A_512 = tpu.vector_load %arg9[%swap3A_510, %swap3A_511] {strides = array<i32>} : memref<1x96xi32, #tpu.memory_space<vmem>>, vector<1x16xi32>,
      %swap3A_513 = vector.shape_cast %swap3A_512 : vector<1x16xi32> to vector<1x16xi32>
      %swap3A_514 = vector.shape_cast %and3A_509 : vector<1x16xi32> to vector<1x16xi32>
      tpu.vector_store %arg9[%swap3A_510, %swap3A_511], %swap3A_514 {strides = array<i32>} : memref<1x96xi32, #tpu.memory_space<vmem>>, vector<1x16xi32>,
      %get3A_515 = arith.index_cast %add3A_434 : i32 to index
      %get3A_516 = arith.constant 64 : index
      %get3A_517 = tpu.vector_load %arg5[%get3A_515, %get3A_516] {strides = array<i32>} : memref<106x96xi32, #tpu.memory_space<vmem>>, vector<1x16xi32>,
      %get3A_518 = vector.shape_cast %get3A_517 : vector<1x16xi32> to vector<1x16xi32>
      %shift_right_logical3A_519 = arith.constant 14 : i32
      %shift_right_logical3A_520 = vector.broadcast %shift_right_logical3A_519 : i32 to vector<1x16xi32>
      %shift_right_logical3A_521 = arith.shrui %get3A_518, %shift_right_logical3A_520 : vector<1x16xi32>
      %swap3A_522 = arith.constant 0 : index
      %swap3A_523 = arith.constant 64 : index
      %swap3A_524 = tpu.vector_load %arg7[%swap3A_522, %swap3A_523] {strides = array<i32>} : memref<1x96xi32, #tpu.memory_space<vmem>>, vector<1x16xi32>,
      %swap3A_525 = vector.shape_cast %swap3A_524 : vector<1x16xi32> to vector<1x16xi32>
      %swap3A_526 = vector.shape_cast %shift_right_logical3A_521 : vector<1x16xi32> to vector<1x16xi32>
      tpu.vector_store %arg7[%swap3A_522, %swap3A_523], %swap3A_526 {strides = array<i32>} : memref<1x96xi32, #tpu.memory_space<vmem>>, vector<1x16xi32>,
      %and3A_527 = arith.constant 16383 : i32
      %and3A_528 = vector.broadcast %and3A_527 : i32 to vector<1x16xi32>
      %and3A_529 = arith.andi %get3A_518, %and3A_528 : vector<1x16xi32>
      %swap3A_530 = arith.constant 0 : index
      %swap3A_531 = arith.constant 64 : index
      %swap3A_532 = tpu.vector_load %arg9[%swap3A_530, %swap3A_531] {strides = array<i32>} : memref<1x96xi32, #tpu.memory_space<vmem>>, vector<1x16xi32>,
      %swap3A_533 = vector.shape_cast %swap3A_532 : vector<1x16xi32> to vector<1x16xi32>
      %swap3A_534 = vector.shape_cast %and3A_529 : vector<1x16xi32> to vector<1x16xi32>
      tpu.vector_store %arg9[%swap3A_530, %swap3A_531], %swap3A_534 {strides = array<i32>} : memref<1x96xi32, #tpu.memory_space<vmem>>, vector<1x16xi32>,
      %get3A_535 = arith.index_cast %add3A_434 : i32 to index
      %get3A_536 = arith.constant 80 : index
      %get3A_537 = tpu.vector_load %arg5[%get3A_535, %get3A_536] {strides = array<i32>} : memref<106x96xi32, #tpu.memory_space<vmem>>, vector<1x16xi32>,
      %get3A_538 = vector.shape_cast %get3A_537 : vector<1x16xi32> to vector<1x16xi32>
      %shift_right_logical3A_539 = arith.constant 14 : i32
      %shift_right_logical3A_540 = vector.broadcast %shift_right_logical3A_539 : i32 to vector<1x16xi32>
      %shift_right_logical3A_541 = arith.shrui %get3A_538, %shift_right_logical3A_540 : vector<1x16xi32>
      %swap3A_542 = arith.constant 0 : index
      %swap3A_543 = arith.constant 80 : index
      %swap3A_544 = tpu.vector_load %arg7[%swap3A_542, %swap3A_543] {strides = array<i32>} : memref<1x96xi32, #tpu.memory_space<vmem>>, vector<1x16xi32>,
      %swap3A_545 = vector.shape_cast %swap3A_544 : vector<1x16xi32> to vector<1x16xi32>
      %swap3A_546 = vector.shape_cast %shift_right_logical3A_541 : vector<1x16xi32> to vector<1x16xi32>
      tpu.vector_store %arg7[%swap3A_542, %swap3A_543], %swap3A_546 {strides = array<i32>} : memref<1x96xi32, #tpu.memory_space<vmem>>, vector<1x16xi32>,
      %and3A_547 = arith.constant 16383 : i32
      %and3A_548 = vector.broadcast %and3A_547 : i32 to vector<1x16xi32>
      %and3A_549 = arith.andi %get3A_538, %and3A_548 : vector<1x16xi32>
      %swap3A_550 = arith.constant 0 : index
      %swap3A_551 = arith.constant 80 : index
      %swap3A_552 = tpu.vector_load %arg9[%swap3A_550, %swap3A_551] {strides = array<i32>} : memref<1x96xi32, #tpu.memory_space<vmem>>, vector<1x16xi32>,
      %swap3A_553 = vector.shape_cast %swap3A_552 : vector<1x16xi32> to vector<1x16xi32>
      %swap3A_554 = vector.shape_cast %and3A_549 : vector<1x16xi32> to vector<1x16xi32>
      tpu.vector_store %arg9[%swap3A_550, %swap3A_551], %swap3A_554 {strides = array<i32>} : memref<1x96xi32, #tpu.memory_space<vmem>>, vector<1x16xi32>,
      %dma_start3A_555 = arith.constant 0 : i32
      %dma_start3A_556 = arith.constant 0 : i32
      %dma_start3A_557 = tpu.memref_slice %arg7[%dma_start3A_555, %dma_start3A_556] : memref<1x96xi32, #tpu.memory_space<vmem>> -> memref<1x96xi32, #tpu.memory_space<vmem>>
      %dma_start3A_558 = tpu.memref_squeeze %dma_start3A_557 : memref<1x96xi32, #tpu.memory_space<vmem>> -> memref<96xi32, #tpu.memory_space<vmem>>
      %dma_start3A_559 = arith.constant 0 : i32
      %dma_start3A_560 = arith.constant 0 : i32
      %dma_start3A_561 = tpu.memref_slice %arg2[%dma_start3A_559, %dma_start3A_560] : memref<10000x128xf32, #tpu.memory_space<hbm>> -> memref<10000x128xf32, #tpu.memory_space<hbm>>
      tpu.enqueue_indirect_dma source(%dma_start3A_561 : memref<10000x128xf32, #tpu.memory_space<hbm>>) target(%arg11 : memref<96x128xf32, #tpu.memory_space<vmem>>) offsets(%dma_start3A_558 : memref<96xi32, #tpu.memory_space<vmem>>) semaphore(%arg15 : memref<!tpu.dma_semaphore, #tpu.memory_space<semaphore_mem>>)
    }
    %scan3A_265 = arith.constant 52 : i32
    %dma_wait3A = arith.constant 0 : i32
    %dma_wait3A_266 = arith.constant 0 : i32
    %dma_wait3A_267 = tpu.memref_slice %arg2[%dma_wait3A, %dma_wait3A_266] : memref<10000x128xf32, #tpu.memory_space<hbm>> -> memref<96x128xf32, #tpu.memory_space<hbm>>
    %dma_wait3A_268 = arith.constant 0 : i32
    %dma_wait3A_269 = arith.constant 0 : i32
    %dma_wait3A_270 = tpu.memref_slice %arg2[%dma_wait3A_268, %dma_wait3A_269] : memref<10000x128xf32, #tpu.memory_space<hbm>> -> memref<96x128xf32, #tpu.memory_space<hbm>>
    tpu.wait_dma2 semaphore(%arg14 : memref<!tpu.dma_semaphore, #tpu.memory_space<semaphore_mem>>) src(%dma_wait3A_270 : memref<96x128xf32, #tpu.memory_space<hbm>>) dst(%arg10 : memref<96x128xf32, #tpu.memory_space<vmem>>)
    %run_scoped3A = arith.constant 0 : i32
    "tpu.region"() ({
      %run_scoped3A_279 = tpu.sem_alloc : memref<!tpu.dma_semaphore, #tpu.memory_space<semaphore_mem>>
      %dma_start3A_280 = arith.constant 0 : i32
      %dma_start3A_281 = tpu.memref_slice %arg8[%run_scoped3A, %dma_start3A_280] : memref<1x96xi32, #tpu.memory_space<vmem>> -> memref<1x96xi32, #tpu.memory_space<vmem>>
      %dma_start3A_282 = tpu.memref_squeeze %dma_start3A_281 : memref<1x96xi32, #tpu.memory_space<vmem>> -> memref<96xi32, #tpu.memory_space<vmem>>
      %dma_start3A_283 = arith.constant 0 : i32
      %dma_start3A_284 = arith.constant 0 : i32
      %dma_start3A_285 = tpu.memref_slice %arg13[%dma_start3A_283, %dma_start3A_284] : memref<10240x128xf32, #tpu.memory_space<vmem_shared>> -> memref<10240x128xf32, #tpu.memory_space<vmem_shared>>
      tpu.enqueue_indirect_dma source(%arg10 : memref<96x128xf32, #tpu.memory_space<vmem>>) target(%dma_start3A_285 : memref<10240x128xf32, #tpu.memory_space<vmem_shared>>) offsets(%dma_start3A_282 : memref<96xi32, #tpu.memory_space<vmem>>) semaphore(%run_scoped3A_279 : memref<!tpu.dma_semaphore, #tpu.memory_space<semaphore_mem>>) {add = true}
      %dma_wait3A_286 = arith.constant 0 : i32
      %dma_wait3A_287 = tpu.memref_slice %arg8[%run_scoped3A, %dma_wait3A_286] : memref<1x96xi32, #tpu.memory_space<vmem>> -> memref<1x96xi32, #tpu.memory_space<vmem>>
      %dma_wait3A_288 = tpu.memref_squeeze %dma_wait3A_287 : memref<1x96xi32, #tpu.memory_space<vmem>> -> memref<96xi32, #tpu.memory_space<vmem>>
      %dma_wait3A_289 = arith.constant 0 : i32
      %dma_wait3A_290 = arith.constant 0 : i32
      %dma_wait3A_291 = tpu.memref_slice %arg13[%dma_wait3A_289, %dma_wait3A_290] : memref<10240x128xf32, #tpu.memory_space<vmem_shared>> -> memref<10240x128xf32, #tpu.memory_space<vmem_shared>>
      tpu.wait_indirect_dma semaphore(%run_scoped3A_279 : memref<!tpu.dma_semaphore, #tpu.memory_space<semaphore_mem>>) src(%arg10 : memref<96x128xf32, #tpu.memory_space<vmem>>) dst(%dma_wait3A_291 : memref<10240x128xf32, #tpu.memory_space<vmem_shared>>)
      tpu.yield
    }) : () -> ()
    %dma_wait3A_271 = arith.constant 0 : i32
    %dma_wait3A_272 = arith.constant 0 : i32
    %dma_wait3A_273 = tpu.memref_slice %arg2[%dma_wait3A_271, %dma_wait3A_272] : memref<10000x128xf32, #tpu.memory_space<hbm>> -> memref<96x128xf32, #tpu.memory_space<hbm>>
    %dma_wait3A_274 = arith.constant 0 : i32
    %dma_wait3A_275 = arith.constant 0 : i32
    %dma_wait3A_276 = tpu.memref_slice %arg2[%dma_wait3A_274, %dma_wait3A_275] : memref<10000x128xf32, #tpu.memory_space<hbm>> -> memref<96x128xf32, #tpu.memory_space<hbm>>
    tpu.wait_dma2 semaphore(%arg15 : memref<!tpu.dma_semaphore, #tpu.memory_space<semaphore_mem>>) src(%dma_wait3A_276 : memref<96x128xf32, #tpu.memory_space<hbm>>) dst(%arg11 : memref<96x128xf32, #tpu.memory_space<vmem>>)
    %run_scoped3A_277 = arith.constant 0 : i32
    "tpu.region"() ({
      %run_scoped3A_279 = tpu.sem_alloc : memref<!tpu.dma_semaphore, #tpu.memory_space<semaphore_mem>>
      %dma_start3A_280 = arith.constant 0 : i32
      %dma_start3A_281 = tpu.memref_slice %arg9[%run_scoped3A_277, %dma_start3A_280] : memref<1x96xi32, #tpu.memory_space<vmem>> -> memref<1x96xi32, #tpu.memory_space<vmem>>
      %dma_start3A_282 = tpu.memref_squeeze %dma_start3A_281 : memref<1x96xi32, #tpu.memory_space<vmem>> -> memref<96xi32, #tpu.memory_space<vmem>>
      %dma_start3A_283 = arith.constant 0 : i32
      %dma_start3A_284 = arith.constant 0 : i32
      %dma_start3A_285 = tpu.memref_slice %arg13[%dma_start3A_283, %dma_start3A_284] : memref<10240x128xf32, #tpu.memory_space<vmem_shared>> -> memref<10240x128xf32, #tpu.memory_space<vmem_shared>>
      tpu.enqueue_indirect_dma source(%arg11 : memref<96x128xf32, #tpu.memory_space<vmem>>) target(%dma_start3A_285 : memref<10240x128xf32, #tpu.memory_space<vmem_shared>>) offsets(%dma_start3A_282 : memref<96xi32, #tpu.memory_space<vmem>>) semaphore(%run_scoped3A_279 : memref<!tpu.dma_semaphore, #tpu.memory_space<semaphore_mem>>) {add = true}
      %dma_wait3A_286 = arith.constant 0 : i32
      %dma_wait3A_287 = tpu.memref_slice %arg9[%run_scoped3A_277, %dma_wait3A_286] : memref<1x96xi32, #tpu.memory_space<vmem>> -> memref<1x96xi32, #tpu.memory_space<vmem>>
      %dma_wait3A_288 = tpu.memref_squeeze %dma_wait3A_287 : memref<1x96xi32, #tpu.memory_space<vmem>> -> memref<96xi32, #tpu.memory_space<vmem>>
      %dma_wait3A_289 = arith.constant 0 : i32
      %dma_wait3A_290 = arith.constant 0 : i32
      %dma_wait3A_291 = tpu.memref_slice %arg13[%dma_wait3A_289, %dma_wait3A_290] : memref<10240x128xf32, #tpu.memory_space<vmem_shared>> -> memref<10240x128xf32, #tpu.memory_space<vmem_shared>>
      tpu.wait_indirect_dma semaphore(%run_scoped3A_279 : memref<!tpu.dma_semaphore, #tpu.memory_space<semaphore_mem>>) src(%arg11 : memref<96x128xf32, #tpu.memory_space<vmem>>) dst(%dma_wait3A_291 : memref<10240x128xf32, #tpu.memory_space<vmem_shared>>)
      tpu.yield
    }) : () -> ()
    %barrier3A_278 = arith.constant 0 : index
    tpu.barrier barrier_id(%barrier3A_278)
    "tpu.region"() ({
      %run_scoped3A_279 = tpu.sem_alloc : memref<!tpu.dma_semaphore, #tpu.memory_space<semaphore_mem>>
      %dma_start3A_280 = arith.constant 0 : i32
      %dma_start3A_281 = tpu.memref_slice %arg4[%arg0, %mul3A_6, %dma_start3A_280] : memref<2x10240x128xf32, #tpu.memory_space<hbm>> -> memref<1x640x128xf32, #tpu.memory_space<hbm>>
      %dma_start3A_282 = tpu.memref_squeeze %dma_start3A_281 : memref<1x640x128xf32, #tpu.memory_space<hbm>> -> memref<640x128xf32, #tpu.memory_space<hbm>>
      %dma_start3A_283 = arith.constant 0 : i32
      %dma_start3A_284 = tpu.memref_slice %arg13[%mul3A_6, %dma_start3A_283] : memref<10240x128xf32, #tpu.memory_space<vmem_shared>> -> memref<640x128xf32, #tpu.memory_space<vmem_shared>>
      tpu.enqueue_dma source(%dma_start3A_284 : memref<640x128xf32, #tpu.memory_space<vmem_shared>>) target(%dma_start3A_282 : memref<640x128xf32, #tpu.memory_space<hbm>>) target_semaphore(%run_scoped3A_279 : memref<!tpu.dma_semaphore, #tpu.memory_space<semaphore_mem>>)
      %dma_wait3A_285 = arith.constant 0 : i32
      %dma_wait3A_286 = tpu.memref_slice %arg4[%arg0, %mul3A_6, %dma_wait3A_285] : memref<2x10240x128xf32, #tpu.memory_space<hbm>> -> memref<1x640x128xf32, #tpu.memory_space<hbm>>
      %dma_wait3A_287 = tpu.memref_squeeze %dma_wait3A_286 : memref<1x640x128xf32, #tpu.memory_space<hbm>> -> memref<640x128xf32, #tpu.memory_space<hbm>>
      %dma_wait3A_288 = arith.constant 0 : i32
      %dma_wait3A_289 = tpu.memref_slice %arg13[%mul3A_6, %dma_wait3A_288] : memref<10240x128xf32, #tpu.memory_space<vmem_shared>> -> memref<640x128xf32, #tpu.memory_space<vmem_shared>>
      tpu.wait_dma2 semaphore(%run_scoped3A_279 : memref<!tpu.dma_semaphore, #tpu.memory_space<semaphore_mem>>) src(%dma_wait3A_289 : memref<640x128xf32, #tpu.memory_space<vmem_shared>>) dst(%dma_wait3A_287 : memref<640x128xf32, #tpu.memory_space<hbm>>)
      tpu.yield
    }) : () -> ()
    return
  }
}

module attributes {stable_mosaic.version = 14 : i64} {
  func.func @_mm_body(%arg0: i32, %arg1: memref<2000x128xf32, #tpu.memory_space<vmem>>, %arg2: memref<128x128xf32, #tpu.memory_space<vmem>>, %arg3: memref<2000x128xf32, #tpu.memory_space<vmem>>) attributes {dimension_semantics = [#tpu.dimension_semantics<arbitrary>], iteration_bounds = array<i64: 5>, scalar_prefetch = 0 : i64, scratch_operands = 0 : i64, tpu.core_type = #tpu.core_type<tc>, window_params = [{transform_indices = @transform_0, window_bounds = array<i64: 2000, 128>}, {pipeline_mode = #tpu.pipeline_mode<synchronous>, transform_indices = @transform_1, window_bounds = array<i64: 128, 128>}, {transform_indices = @transform_2, window_bounds = array<i64: 2000, 128>}]} {
    %get3A = arith.constant 0 : index
    %get3A_0 = arith.constant 0 : index
    %get3A_1 = vector.load %arg1[%get3A, %get3A_0] : memref<2000x128xf32, #tpu.memory_space<vmem>>, vector<2000x128xf32>
    %get3A_2 = arith.constant 0 : index
    %get3A_3 = arith.constant 0 : index
    %get3A_4 = vector.load %arg2[%get3A_2, %get3A_3] : memref<128x128xf32, #tpu.memory_space<vmem>>, vector<128x128xf32>
    %dot_general3A = arith.constant dense<0.000000e+00> : vector<2000x128xf32>
    %dot_general3A_5 = tpu.matmul %get3A_1, %get3A_4, %dot_general3A {dimension_numbers = #tpu.dot_dimension_numbers<[1], [0], [0], [1], [0, 0, 1, 1], [], []>, transpose_lhs_hint = false} : vector<2000x128xf32>, vector<128x128xf32>, vector<2000x128xf32> -> vector<2000x128xf32>
    %swap3A = arith.constant 0 : index
    %swap3A_6 = arith.constant 0 : index
    %swap3A_7 = vector.load %arg3[%swap3A, %swap3A_6] : memref<2000x128xf32, #tpu.memory_space<vmem>>, vector<2000x128xf32>
    tpu.vector_store %arg3[%swap3A, %swap3A_6], %dot_general3A_5 {strides = array<i32>} : memref<2000x128xf32, #tpu.memory_space<vmem>>, vector<2000x128xf32>,
    return
  }
  func.func @transform_0(%arg0: i32) -> (i32, i32) {
    %c0_i32 = arith.constant 0 : i32
    %c0_i32_0 = arith.constant 0 : i32
    return %arg0, %c0_i32 : i32, i32
  }
  func.func @transform_1(%arg0: i32) -> (i32, i32) {
    %c0_i32 = arith.constant 0 : i32
    %c0_i32_0 = arith.constant 0 : i32
    %c0_i32_1 = arith.constant 0 : i32
    return %c0_i32, %c0_i32_0 : i32, i32
  }
  func.func @transform_2(%arg0: i32) -> (i32, i32) {
    %c0_i32 = arith.constant 0 : i32
    %c0_i32_0 = arith.constant 0 : i32
    return %arg0, %c0_i32 : i32, i32
  }
}

module attributes {stable_mosaic.version = 14 : i64} {
  func.func @_scale_body(%arg0: i32, %arg1: memref<2000x128xf32, #tpu.memory_space<vmem>>, %arg2: memref<2000x16xf32, #tpu.memory_space<vmem>>, %arg3: memref<2000x16xf32, #tpu.memory_space<vmem>>, %arg4: memref<2000x128xf32, #tpu.memory_space<vmem>>) attributes {dimension_semantics = [#tpu.dimension_semantics<arbitrary>], iteration_bounds = array<i64: 5>, scalar_prefetch = 0 : i64, scratch_operands = 0 : i64, tpu.core_type = #tpu.core_type<tc>, window_params = [{transform_indices = @transform_0, window_bounds = array<i64: 2000, 128>}, {transform_indices = @transform_1, window_bounds = array<i64: 2000, 16>}, {transform_indices = @transform_2, window_bounds = array<i64: 2000, 16>}, {transform_indices = @transform_3, window_bounds = array<i64: 2000, 128>}]} {
    %get3A = arith.constant 0 : index
    %get3A_0 = arith.constant 0 : index
    %get3A_1 = vector.load %arg1[%get3A, %get3A_0] : memref<2000x128xf32, #tpu.memory_space<vmem>>, vector<2000x128xf32>
    %get3A_2 = arith.constant 0 : index
    %get3A_3 = arith.constant 0 : index
    %get3A_4 = vector.load %arg2[%get3A_2, %get3A_3] : memref<2000x16xf32, #tpu.memory_space<vmem>>, vector<2000x16xf32>
    %slice3A = vector.extract_strided_slice %get3A_4 {offsets = [0, 0], sizes = [2000, 1], strides = [1, 1]} : vector<2000x16xf32> to vector<2000x1xf32>
    %get3A_5 = arith.constant 0 : index
    %get3A_6 = arith.constant 0 : index
    %get3A_7 = vector.load %arg3[%get3A_5, %get3A_6] : memref<2000x16xf32, #tpu.memory_space<vmem>>, vector<2000x16xf32>
    %slice3A_8 = vector.extract_strided_slice %get3A_7 {offsets = [0, 0], sizes = [2000, 1], strides = [1, 1]} : vector<2000x16xf32> to vector<2000x1xf32>
    %add3A = arith.addf %slice3A, %slice3A_8 : vector<2000x1xf32>
    %add3A_9 = arith.constant 1.000000e+00 : f32
    %add3A_10 = vector.broadcast %add3A_9 : f32 to vector<2000x1xf32>
    %add3A_11 = arith.addf %add3A, %add3A_10 : vector<2000x1xf32>
    %rsqrt3A = math.rsqrt %add3A_11 : vector<2000x1xf32>
    %mul3A = vector.broadcast %rsqrt3A : vector<2000x1xf32> to vector<2000x128xf32>
    %mul3A_12 = arith.mulf %get3A_1, %mul3A : vector<2000x128xf32>
    %swap3A = arith.constant 0 : index
    %swap3A_13 = arith.constant 0 : index
    %swap3A_14 = vector.load %arg4[%swap3A, %swap3A_13] : memref<2000x128xf32, #tpu.memory_space<vmem>>, vector<2000x128xf32>
    tpu.vector_store %arg4[%swap3A, %swap3A_13], %mul3A_12 {strides = array<i32>} : memref<2000x128xf32, #tpu.memory_space<vmem>>, vector<2000x128xf32>,
    return
  }
  func.func @transform_0(%arg0: i32) -> (i32, i32) {
    %c0_i32 = arith.constant 0 : i32
    %c0_i32_0 = arith.constant 0 : i32
    return %arg0, %c0_i32 : i32, i32
  }
  func.func @transform_1(%arg0: i32) -> (i32, i32) {
    %c0_i32 = arith.constant 0 : i32
    %c0_i32_0 = arith.constant 0 : i32
    return %arg0, %c0_i32 : i32, i32
  }
  func.func @transform_2(%arg0: i32) -> (i32, i32) {
    %c0_i32 = arith.constant 0 : i32
    %c0_i32_0 = arith.constant 0 : i32
    return %arg0, %c0_i32 : i32, i32
  }
  func.func @transform_3(%arg0: i32) -> (i32, i32) {
    %c0_i32 = arith.constant 0 : i32
    %c0_i32_0 = arith.constant 0 : i32
    return %arg0, %c0_i32 : i32, i32
  }
}

module attributes {stable_mosaic.version = 14 : i64} {
  func.func @_mid_body(%arg0: i32, %arg1: memref<2000x128xf32, #tpu.memory_space<vmem>>, %arg2: memref<2000x128xf32, #tpu.memory_space<vmem>>, %arg3: memref<2000x128xf32, #tpu.memory_space<vmem>>, %arg4: memref<2000x16xf32, #tpu.memory_space<vmem>>, %arg5: memref<2000x16xf32, #tpu.memory_space<vmem>>, %arg6: memref<1x128xf32, #tpu.memory_space<vmem>>, %arg7: memref<128x128xf32, #tpu.memory_space<vmem>>, %arg8: memref<2000x128xf32, #tpu.memory_space<vmem>>) attributes {dimension_semantics = [#tpu.dimension_semantics<arbitrary>], iteration_bounds = array<i64: 5>, scalar_prefetch = 0 : i64, scratch_operands = 0 : i64, tpu.core_type = #tpu.core_type<tc>, window_params = [{transform_indices = @transform_0, window_bounds = array<i64: 2000, 128>}, {transform_indices = @transform_1, window_bounds = array<i64: 2000, 128>}, {transform_indices = @transform_2, window_bounds = array<i64: 2000, 128>}, {transform_indices = @transform_3, window_bounds = array<i64: 2000, 16>}, {transform_indices = @transform_4, window_bounds = array<i64: 2000, 16>}, {pipeline_mode = #tpu.pipeline_mode<synchronous>, transform_indices = @transform_5, window_bounds = array<i64: 1, 128>}, {pipeline_mode = #tpu.pipeline_mode<synchronous>, transform_indices = @transform_6, window_bounds = array<i64: 128, 128>}, {transform_indices = @transform_7, window_bounds = array<i64: 2000, 128>}]} {
    %get3A = arith.constant 0 : index
    %get3A_0 = arith.constant 0 : index
    %get3A_1 = vector.load %arg4[%get3A, %get3A_0] : memref<2000x16xf32, #tpu.memory_space<vmem>>, vector<2000x16xf32>
    %slice3A = vector.extract_strided_slice %get3A_1 {offsets = [0, 0], sizes = [2000, 1], strides = [1, 1]} : vector<2000x16xf32> to vector<2000x1xf32>
    %get3A_2 = arith.constant 0 : index
    %get3A_3 = arith.constant 0 : index
    %get3A_4 = vector.load %arg5[%get3A_2, %get3A_3] : memref<2000x16xf32, #tpu.memory_space<vmem>>, vector<2000x16xf32>
    %slice3A_5 = vector.extract_strided_slice %get3A_4 {offsets = [0, 0], sizes = [2000, 1], strides = [1, 1]} : vector<2000x16xf32> to vector<2000x1xf32>
    %add3A = arith.addf %slice3A, %slice3A_5 : vector<2000x1xf32>
    %add3A_6 = arith.constant 1.000000e+00 : f32
    %add3A_7 = vector.broadcast %add3A_6 : f32 to vector<2000x1xf32>
    %add3A_8 = arith.addf %add3A, %add3A_7 : vector<2000x1xf32>
    %rsqrt3A = math.rsqrt %add3A_8 : vector<2000x1xf32>
    %get3A_9 = arith.constant 0 : index
    %get3A_10 = arith.constant 0 : index
    %get3A_11 = vector.load %arg1[%get3A_9, %get3A_10] : memref<2000x128xf32, #tpu.memory_space<vmem>>, vector<2000x128xf32>
    %get3A_12 = arith.constant 0 : index
    %get3A_13 = arith.constant 0 : index
    %get3A_14 = vector.load %arg2[%get3A_12, %get3A_13] : memref<2000x128xf32, #tpu.memory_space<vmem>>, vector<2000x128xf32>
    %add3A_15 = arith.addf %get3A_11, %get3A_14 : vector<2000x128xf32>
    %get3A_16 = arith.constant 0 : index
    %get3A_17 = arith.constant 0 : index
    %get3A_18 = vector.load %arg3[%get3A_16, %get3A_17] : memref<2000x128xf32, #tpu.memory_space<vmem>>, vector<2000x128xf32>
    %add3A_19 = arith.addf %add3A_15, %get3A_18 : vector<2000x128xf32>
    %mul3A = vector.broadcast %rsqrt3A : vector<2000x1xf32> to vector<2000x128xf32>
    %mul3A_20 = arith.mulf %mul3A, %add3A_19 : vector<2000x128xf32>
    %get3A_21 = arith.constant 0 : index
    %get3A_22 = arith.constant 0 : index
    %get3A_23 = vector.load %arg6[%get3A_21, %get3A_22] : memref<1x128xf32, #tpu.memory_space<vmem>>, vector<1x128xf32>
    %add3A_24 = vector.broadcast %get3A_23 : vector<1x128xf32> to vector<2000x128xf32>
    %add3A_25 = arith.addf %mul3A_20, %add3A_24 : vector<2000x128xf32>
    %max3A = arith.constant 0.000000e+00 : f32
    %max3A_26 = vector.broadcast %max3A : f32 to vector<2000x128xf32>
    %max3A_27 = arith.maximumf %add3A_25, %max3A_26 : vector<2000x128xf32>
    %get3A_28 = arith.constant 0 : index
    %get3A_29 = arith.constant 0 : index
    %get3A_30 = vector.load %arg7[%get3A_28, %get3A_29] : memref<128x128xf32, #tpu.memory_space<vmem>>, vector<128x128xf32>
    %dot_general3A = arith.constant dense<0.000000e+00> : vector<2000x128xf32>
    %dot_general3A_31 = tpu.matmul %max3A_27, %get3A_30, %dot_general3A {dimension_numbers = #tpu.dot_dimension_numbers<[1], [0], [0], [1], [0, 0, 1, 1], [], []>, transpose_lhs_hint = false} : vector<2000x128xf32>, vector<128x128xf32>, vector<2000x128xf32> -> vector<2000x128xf32>
    %mul3A_32 = vector.broadcast %rsqrt3A : vector<2000x1xf32> to vector<2000x128xf32>
    %mul3A_33 = arith.mulf %dot_general3A_31, %mul3A_32 : vector<2000x128xf32>
    %swap3A = arith.constant 0 : index
    %swap3A_34 = arith.constant 0 : index
    %swap3A_35 = vector.load %arg8[%swap3A, %swap3A_34] : memref<2000x128xf32, #tpu.memory_space<vmem>>, vector<2000x128xf32>
    tpu.vector_store %arg8[%swap3A, %swap3A_34], %mul3A_33 {strides = array<i32>} : memref<2000x128xf32, #tpu.memory_space<vmem>>, vector<2000x128xf32>,
    return
  }
  func.func @transform_0(%arg0: i32) -> (i32, i32) {
    %c0_i32 = arith.constant 0 : i32
    %c0_i32_0 = arith.constant 0 : i32
    return %arg0, %c0_i32 : i32, i32
  }
  func.func @transform_1(%arg0: i32) -> (i32, i32) {
    %c0_i32 = arith.constant 0 : i32
    %c0_i32_0 = arith.constant 0 : i32
    return %arg0, %c0_i32 : i32, i32
  }
  func.func @transform_2(%arg0: i32) -> (i32, i32) {
    %c0_i32 = arith.constant 0 : i32
    %c0_i32_0 = arith.constant 0 : i32
    return %arg0, %c0_i32 : i32, i32
  }
  func.func @transform_3(%arg0: i32) -> (i32, i32) {
    %c0_i32 = arith.constant 0 : i32
    %c0_i32_0 = arith.constant 0 : i32
    return %arg0, %c0_i32 : i32, i32
  }
  func.func @transform_4(%arg0: i32) -> (i32, i32) {
    %c0_i32 = arith.constant 0 : i32
    %c0_i32_0 = arith.constant 0 : i32
    return %arg0, %c0_i32 : i32, i32
  }
  func.func @transform_5(%arg0: i32) -> (i32, i32) {
    %c0_i32 = arith.constant 0 : i32
    %c0_i32_0 = arith.constant 0 : i32
    %c0_i32_1 = arith.constant 0 : i32
    return %c0_i32, %c0_i32_0 : i32, i32
  }
  func.func @transform_6(%arg0: i32) -> (i32, i32) {
    %c0_i32 = arith.constant 0 : i32
    %c0_i32_0 = arith.constant 0 : i32
    %c0_i32_1 = arith.constant 0 : i32
    return %c0_i32, %c0_i32_0 : i32, i32
  }
  func.func @transform_7(%arg0: i32) -> (i32, i32) {
    %c0_i32 = arith.constant 0 : i32
    %c0_i32_0 = arith.constant 0 : i32
    return %arg0, %c0_i32 : i32, i32
  }
}

module attributes {stable_mosaic.version = 14 : i64} {
  func.func @_out_body(%arg0: i32, %arg1: memref<2000x128xf32, #tpu.memory_space<vmem>>, %arg2: memref<2000x128xf32, #tpu.memory_space<vmem>>, %arg3: memref<2000x128xf32, #tpu.memory_space<vmem>>, %arg4: memref<2000x16xf32, #tpu.memory_space<vmem>>, %arg5: memref<2000x16xf32, #tpu.memory_space<vmem>>, %arg6: memref<1x128xf32, #tpu.memory_space<vmem>>, %arg7: memref<128x128xf32, #tpu.memory_space<vmem>>, %arg8: memref<1x128xf32, #tpu.memory_space<vmem>>, %arg9: memref<2000x128xf32, #tpu.memory_space<vmem>>) attributes {dimension_semantics = [#tpu.dimension_semantics<arbitrary>], iteration_bounds = array<i64: 5>, scalar_prefetch = 0 : i64, scratch_operands = 0 : i64, tpu.core_type = #tpu.core_type<tc>, window_params = [{transform_indices = @transform_0, window_bounds = array<i64: 2000, 128>}, {transform_indices = @transform_1, window_bounds = array<i64: 2000, 128>}, {transform_indices = @transform_2, window_bounds = array<i64: 2000, 128>}, {transform_indices = @transform_3, window_bounds = array<i64: 2000, 16>}, {transform_indices = @transform_4, window_bounds = array<i64: 2000, 16>}, {pipeline_mode = #tpu.pipeline_mode<synchronous>, transform_indices = @transform_5, window_bounds = array<i64: 1, 128>}, {pipeline_mode = #tpu.pipeline_mode<synchronous>, transform_indices = @transform_6, window_bounds = array<i64: 128, 128>}, {pipeline_mode = #tpu.pipeline_mode<synchronous>, transform_indices = @transform_7, window_bounds = array<i64: 1, 128>}, {transform_indices = @transform_8, window_bounds = array<i64: 2000, 128>}]} {
    %get3A = arith.constant 0 : index
    %get3A_0 = arith.constant 0 : index
    %get3A_1 = vector.load %arg4[%get3A, %get3A_0] : memref<2000x16xf32, #tpu.memory_space<vmem>>, vector<2000x16xf32>
    %slice3A = vector.extract_strided_slice %get3A_1 {offsets = [0, 0], sizes = [2000, 1], strides = [1, 1]} : vector<2000x16xf32> to vector<2000x1xf32>
    %get3A_2 = arith.constant 0 : index
    %get3A_3 = arith.constant 0 : index
    %get3A_4 = vector.load %arg5[%get3A_2, %get3A_3] : memref<2000x16xf32, #tpu.memory_space<vmem>>, vector<2000x16xf32>
    %slice3A_5 = vector.extract_strided_slice %get3A_4 {offsets = [0, 0], sizes = [2000, 1], strides = [1, 1]} : vector<2000x16xf32> to vector<2000x1xf32>
    %add3A = arith.addf %slice3A, %slice3A_5 : vector<2000x1xf32>
    %add3A_6 = arith.constant 1.000000e+00 : f32
    %add3A_7 = vector.broadcast %add3A_6 : f32 to vector<2000x1xf32>
    %add3A_8 = arith.addf %add3A, %add3A_7 : vector<2000x1xf32>
    %rsqrt3A = math.rsqrt %add3A_8 : vector<2000x1xf32>
    %get3A_9 = arith.constant 0 : index
    %get3A_10 = arith.constant 0 : index
    %get3A_11 = vector.load %arg1[%get3A_9, %get3A_10] : memref<2000x128xf32, #tpu.memory_space<vmem>>, vector<2000x128xf32>
    %get3A_12 = arith.constant 0 : index
    %get3A_13 = arith.constant 0 : index
    %get3A_14 = vector.load %arg2[%get3A_12, %get3A_13] : memref<2000x128xf32, #tpu.memory_space<vmem>>, vector<2000x128xf32>
    %add3A_15 = arith.addf %get3A_11, %get3A_14 : vector<2000x128xf32>
    %get3A_16 = arith.constant 0 : index
    %get3A_17 = arith.constant 0 : index
    %get3A_18 = vector.load %arg3[%get3A_16, %get3A_17] : memref<2000x128xf32, #tpu.memory_space<vmem>>, vector<2000x128xf32>
    %add3A_19 = arith.addf %add3A_15, %get3A_18 : vector<2000x128xf32>
    %mul3A = vector.broadcast %rsqrt3A : vector<2000x1xf32> to vector<2000x128xf32>
    %mul3A_20 = arith.mulf %mul3A, %add3A_19 : vector<2000x128xf32>
    %get3A_21 = arith.constant 0 : index
    %get3A_22 = arith.constant 0 : index
    %get3A_23 = vector.load %arg6[%get3A_21, %get3A_22] : memref<1x128xf32, #tpu.memory_space<vmem>>, vector<1x128xf32>
    %add3A_24 = vector.broadcast %get3A_23 : vector<1x128xf32> to vector<2000x128xf32>
    %add3A_25 = arith.addf %mul3A_20, %add3A_24 : vector<2000x128xf32>
    %max3A = arith.constant 0.000000e+00 : f32
    %max3A_26 = vector.broadcast %max3A : f32 to vector<2000x128xf32>
    %max3A_27 = arith.maximumf %add3A_25, %max3A_26 : vector<2000x128xf32>
    %get3A_28 = arith.constant 0 : index
    %get3A_29 = arith.constant 0 : index
    %get3A_30 = vector.load %arg7[%get3A_28, %get3A_29] : memref<128x128xf32, #tpu.memory_space<vmem>>, vector<128x128xf32>
    %dot_general3A = arith.constant dense<0.000000e+00> : vector<2000x128xf32>
    %dot_general3A_31 = tpu.matmul %max3A_27, %get3A_30, %dot_general3A {dimension_numbers = #tpu.dot_dimension_numbers<[1], [0], [0], [1], [0, 0, 1, 1], [], []>, transpose_lhs_hint = false} : vector<2000x128xf32>, vector<128x128xf32>, vector<2000x128xf32> -> vector<2000x128xf32>
    %get3A_32 = arith.constant 0 : index
    %get3A_33 = arith.constant 0 : index
    %get3A_34 = vector.load %arg8[%get3A_32, %get3A_33] : memref<1x128xf32, #tpu.memory_space<vmem>>, vector<1x128xf32>
    %add3A_35 = vector.broadcast %get3A_34 : vector<1x128xf32> to vector<2000x128xf32>
    %add3A_36 = arith.addf %dot_general3A_31, %add3A_35 : vector<2000x128xf32>
    %swap3A = arith.constant 0 : index
    %swap3A_37 = arith.constant 0 : index
    %swap3A_38 = vector.load %arg9[%swap3A, %swap3A_37] : memref<2000x128xf32, #tpu.memory_space<vmem>>, vector<2000x128xf32>
    tpu.vector_store %arg9[%swap3A, %swap3A_37], %add3A_36 {strides = array<i32>} : memref<2000x128xf32, #tpu.memory_space<vmem>>, vector<2000x128xf32>,
    return
  }
  func.func @transform_0(%arg0: i32) -> (i32, i32) {
    %c0_i32 = arith.constant 0 : i32
    %c0_i32_0 = arith.constant 0 : i32
    return %arg0, %c0_i32 : i32, i32
  }
  func.func @transform_1(%arg0: i32) -> (i32, i32) {
    %c0_i32 = arith.constant 0 : i32
    %c0_i32_0 = arith.constant 0 : i32
    return %arg0, %c0_i32 : i32, i32
  }
  func.func @transform_2(%arg0: i32) -> (i32, i32) {
    %c0_i32 = arith.constant 0 : i32
    %c0_i32_0 = arith.constant 0 : i32
    return %arg0, %c0_i32 : i32, i32
  }
  func.func @transform_3(%arg0: i32) -> (i32, i32) {
    %c0_i32 = arith.constant 0 : i32
    %c0_i32_0 = arith.constant 0 : i32
    return %arg0, %c0_i32 : i32, i32
  }
  func.func @transform_4(%arg0: i32) -> (i32, i32) {
    %c0_i32 = arith.constant 0 : i32
    %c0_i32_0 = arith.constant 0 : i32
    return %arg0, %c0_i32 : i32, i32
  }
  func.func @transform_5(%arg0: i32) -> (i32, i32) {
    %c0_i32 = arith.constant 0 : i32
    %c0_i32_0 = arith.constant 0 : i32
    %c0_i32_1 = arith.constant 0 : i32
    return %c0_i32, %c0_i32_0 : i32, i32
  }
  func.func @transform_6(%arg0: i32) -> (i32, i32) {
    %c0_i32 = arith.constant 0 : i32
    %c0_i32_0 = arith.constant 0 : i32
    %c0_i32_1 = arith.constant 0 : i32
    return %c0_i32, %c0_i32_0 : i32, i32
  }
  func.func @transform_7(%arg0: i32) -> (i32, i32) {
    %c0_i32 = arith.constant 0 : i32
    %c0_i32_0 = arith.constant 0 : i32
    %c0_i32_1 = arith.constant 0 : i32
    return %c0_i32, %c0_i32_0 : i32, i32
  }
  func.func @transform_8(%arg0: i32) -> (i32, i32) {
    %c0_i32 = arith.constant 0 : i32
    %c0_i32_0 = arith.constant 0 : i32
    return %arg0, %c0_i32 : i32, i32
  }
}

</mosaic_0001>

<sc_bundles>
// kernel: kernel.12.cloned.1.call-start
scs
__scs_entry_jumppad:
0x0: {  	(pc) =	sbr.rel $0x88, $3  }
0x1: {  	(tag) =	ssettag $0x0;
	lr =	simm.s32 $0x1  }
0x2: {  	[smem:$0x3F99] =	sst lr;
	_ =	strace $0xD0000000  }
0x3: {  	_ = 	snop  }
0x4: {  	_ = 	snop  }
0x5: {  	_ = 	snop  }
0x6: {  	_ = 	snop  }
0x7: {  	_ = 	snop  }
__scs_overlays_trampoline_lowered:
0x8: {  	[smem:$0x3FA8] =	sst s0  }
0x9: {  	[smem:$0x3FA9] =	sst s1  }
0xa: {  	[smem:$0x3FAA] =	sst s2  }
0xb: {  	[smem:$0x3FAB] =	sst s3  }
0xc: {  	[smem:$0x3FAC] =	sst s4  }
0xd: {  	[smem:$0x3FAD] =	sst s5  }
0xe: {  	[smem:$0x3FAE] =	sst s6  }
0xf: {  	[smem:$0x3FAF] =	sst s7  }
0x10: {  	[smem:$0x3FB0] =	sst s8  }
0x11: {  	[smem:$0x3FB1] =	sst s9;
	s0 =	simm.s32 @!p0 $0x0  }
0x12: {  	s1 =	sld [smem:$0x3F97];
	s0 =	simm.s32 @p0 $0x1  }
0x13: {  	[smem:$0x3FB2] =	sst s0;
	s0 =	simm.s32 @!p1 $0x0  }
0x14: {  	s2 =	sld [smem:$0x3F96];
	s0 =	simm.s32 @p1 $0x1  }
0x15: {  	[smem:$0x3FB3] =	sst s0;
	s0 =	simm.s32 @!p2 $0x0  }
0x16: {  	s3 =	sld [smem:$0x3FDB];
	s0 =	simm.s32 @p2 $0x1  }
0x17: {  	s4 =	simm.s32 $0x1BF5;
	[smem:$0x3FB5] =	sst s0  }
0x18: {  	s0 =	sld [smem:$0x3F98];
	_ =	swait.ge [sflag:s4], $0x0  }
0x19: {  	s7 =	sld [smem:$0x3F99]  }
0x1a: {  	s8 =	sadd.s32 $0xFFFFE003, lr  }
0x1b: {  	s9 =	sadd.s32 $0xFFFFFEF7, lr;
	s5 =	simm.s32 $0xFFFFFFFF;
	p2 =	slt.u32 s8, $0xFFFFF086  }
0x1c: {  	p1 =	slt.u32 s9, $0xF7A;
	s5 =	simm.s32 @!p2 $0x0  }
0x1d: {  	s5 =	simm.s32 @p1 $0x1;
	p0 =	seq.s32 s7, s2  }
0x1e: {  	s7 =	smul.u32 @!p0 $0xF7A, s2;
	p2 =	seq.s32 @!p0 s5, $0x0  }
0x1f: {  	s9 =	smul.u32 $0xF7A, s1;
	s8 =	simm.s32 @!p0 $0x1BF5;
	p2 =	por !p2, p0  }
0x20: {  	[sflag:s8] =	ssyncset.s32 @!p0 $0xFFFFF086;
	s6 =	sadd.s32 @!p0 s3, s7;
	s7 =	simm.s32 @!p0 $0x108  }
0x21: {  	s3 =	sadd.s32 s3, s9;
	s6 =	sadd.s32 @!p0 $0x88, s6;
	s7 =	simm.s32 @p2 $0x1082  }
0x22: {  	[simem:s7], [sflag:s8] =	dma.local @!p0 [hbm:s6], $0xF7A  }
0x23: {  	s9 =	sor.u32 $0xD0000000, s2;
	s6 =	simm.s32 $0x108;
	_ =	swait.ge @!p0 [sflag:s8], $0x0  }
0x24: {  	s3 =	sadd.s32 $0x88, s3;
	s6 =	simm.s32 @!p1 $0x1082;
	[sflag:s4] =	ssyncset.s32 $0xFFFFF086  }
0x25: {  	[simem:s6], [sflag:s4] =	dma.local [hbm:s3], $0xF7A  }
0x26: {  	[smem:$0x3F99] =	sst s1;
	(tag) =	ssettag s2;
	_ =	strace s9  }
0x27: {  	s1 =	sld [smem:$0x3FA9]  }
0x28: {  	s2 =	sld [smem:$0x3FAA]  }
0x29: {  	s4 =	sld [smem:$0x3FAC]  }
0x2a: {  	p0 =	seq.s32 s5, $0x0;
	s5 =	sld [smem:$0x3FAD]  }
0x2b: {  	s6 =	sld [smem:$0x3FAE]  }
0x2c: {  	s7 =	sld [smem:$0x3FAF]  }
0x2d: {  	s3 =	simm.s32 $0x108;
	s8 =	sld [smem:$0x3FB0]  }
0x2e: {  	s3 =	simm.s32 @!p0 $0x1082;
	s9 =	sld [smem:$0x3FB1]  }
0x2f: {  	lr =	sadd.s32 s0, s3;
	s0 =	sld [smem:$0x3FA8]  }
0x30: {  	s3 =	sld [smem:$0x3FAB]  }
0x31: {  	[smem:$0x3FB4] =	sst s10  }
0x32: {  	s10 =	sld [smem:$0x3FB2];
	_ =	sdelay $0x3  }
0x33: {  	p0 =	seq.s32 s10, $0x1;
	s10 =	sld [smem:$0x3FB4];
	_ =	sdelay $0x3  }
0x34: {  	[smem:$0x3FB4] =	sst s10  }
0x35: {  	s10 =	sld [smem:$0x3FB3];
	_ =	sdelay $0x3  }
0x36: {  	p1 =	seq.s32 s10, $0x1;
	s10 =	sld [smem:$0x3FB4];
	_ =	sdelay $0x3  }
0x37: {  	[smem:$0x3FB4] =	sst s10  }
0x38: {  	s10 =	sld [smem:$0x3FB5]  }
0x39: {  	_ = 	snop;
	(pc) =	sbr.ind lr, $3  }
0x3a: {  	_ = 	snop  }
0x3b: {  	_ = 	snop  }
0x3c: {  	p2 =	seq.s32 s10, $0x1;
	s10 =	sld [smem:$0x3FB4]  }
0x3d: {  	_ =	shalt  }
0x3e: {  	_ =	shalt  }
0x3f: {  	_ =	shalt  }
0x40: {  	_ =	shalt  }
0x41: {  	_ =	shalt  }
0x42: {  	_ =	shalt  }
0x43: {  	_ =	shalt  }
0x44: {  	_ =	shalt  }
0x45: {  	_ =	shalt  }
0x46: {  	_ =	shalt  }
0x47: {  	_ =	shalt  }
0x48: {  	_ =	shalt  }
0x49: {  	_ =	shalt  }
0x4a: {  	_ =	shalt  }
0x4b: {  	_ =	shalt  }
0x4c: {  	_ =	shalt  }
0x4d: {  	_ =	shalt  }
0x4e: {  	_ =	shalt  }
0x4f: {  	_ =	shalt  }
0x50: {  	_ =	shalt  }
0x51: {  	_ =	shalt  }
0x52: {  	_ =	shalt  }
0x53: {  	_ =	shalt  }
0x54: {  	_ =	shalt  }
0x55: {  	_ =	shalt  }
0x56: {  	_ =	shalt  }
0x57: {  	_ =	shalt  }
0x58: {  	_ =	shalt  }
0x59: {  	_ =	shalt  }
0x5a: {  	_ =	shalt  }
0x5b: {  	_ =	shalt  }
0x5c: {  	_ =	shalt  }
0x5d: {  	_ =	shalt  }
0x5e: {  	_ =	shalt  }
0x5f: {  	_ =	shalt  }
0x60: {  	_ =	shalt  }
0x61: {  	_ =	shalt  }
0x62: {  	_ =	shalt  }
0x63: {  	_ =	shalt  }
0x64: {  	_ =	shalt  }
0x65: {  	_ =	shalt  }
0x66: {  	_ =	shalt  }
0x67: {  	_ =	shalt  }
0x68: {  	_ =	shalt  }
0x69: {  	_ =	shalt  }
0x6a: {  	_ =	shalt  }
0x6b: {  	_ =	shalt  }
0x6c: {  	_ =	shalt  }
0x6d: {  	_ =	shalt  }
0x6e: {  	_ =	shalt  }
0x6f: {  	_ =	shalt  }
0x70: {  	_ =	shalt  }
0x71: {  	_ =	shalt  }
0x72: {  	_ =	shalt  }
0x73: {  	_ =	shalt  }
0x74: {  	_ =	shalt  }
0x75: {  	_ =	shalt  }
0x76: {  	_ =	shalt  }
0x77: {  	_ =	shalt  }
0x78: {  	_ =	shalt  }
0x79: {  	_ =	shalt  }
0x7a: {  	_ =	shalt  }
0x7b: {  	_ =	shalt  }
0x7c: {  	_ =	shalt  }
0x7d: {  	_ =	shalt  }
0x7e: {  	_ =	shalt  }
0x7f: {  	_ =	shalt  }
0x80: {  	_ =	shalt  }
0x81: {  	_ =	shalt  }
0x82: {  	_ =	shalt  }
0x83: {  	_ =	shalt  }
0x84: {  	_ =	shalt  }
0x85: {  	_ =	shalt  }
0x86: {  	_ =	shalt  }
0x87: {  	_ =	shalt  }
.Lfunc_end0:
.L_simem_size_0:
called_computation.1_lowered:
.L_overlay_start_0:
0x88: {  	s2 =	sld [smem:$0x3FD9]  }
0x89: {  	s3 =	sld [smem:$0x3FFE];
	_ =	sdelay $0x1  }
0x8a: {  	s1 =	srdreg.scid  }
0x8b: {  	s0 =	sand.u32 $0x1, s1  }
0x8c: {  	s16 =	sshll.u32 s0, $0xA;
	s2 =	sadd.s32 s3, s2  }
0x8d: {  	s2 =	sadd.s32 s2, s16  }
0x8e: {  	[smem:$0x3FC0] =	sst s2  }
0x8f: {  	_ = 	snop  }
0x90: {  	(tm) =	ssettm $0x1  }
0x91: {  	s17 =	sld [smem:$0x3FFB];
	_ =	sdelay $0x3  }
0x92: {  	_ =	strace s17  }
0x93: {  	s2 =	sld [smem:$0x3FFC];
	_ =	sdelay $0x3  }
0x94: {  	_ =	strace s2  }
0x95: {  	s2 =	sld [smem:$0x3FFD];
	_ =	sdelay $0x3  }
0x96: {  	_ =	strace s2  }
0x97: {  	_ =	strace $0x8FFFFFFF  }
0x98: {  	s18 =	sld [smem:$0x3FDB];
	_ =	sdelay $0x1  }
0x99: {  	s19 =	simm.s32 $_scs_section_size  }
0x9a: {  	s4 =	simm.s32 $_size__tile_overlayer_lowered;
	s5 =	simm.s32 $_tile_overlayer_lowered  }
0x9b: {  	s22 =	simm.s32 $0x1BFF;
	s21 =	sshll.u32 s5, $0x1;
	s2 =	sadd.s32 s19, s18  }
0x9c: {  	s6 =	simm.s32 $0x0;
	s20 =	sshll.u32 s4, $0x1;
	s4 =	sadd.s32 s21, s2  }
0x9d: {  	[timem:s6], [sflag:s22] =	dma.local [hbm:s4], s20  }
0x9e: {  	_ =	swait.ge [sflag:s22], s20  }
0x9f: {  	s3 =	ssub.s32 $0x0, s20;
	[sflag:s22] =	ssyncset.done $0x0  }
0xa0: {  	[sflag:s22] =	ssyncadd.s32 s3;
	_ =	sdelay $0x1  }
0xa1: {  	s23 =	simm.s32 $0x1B8B  }
0xa2: {  	_ =	swait.ge [sflag:s23], $0x1  }
0xa3: {  	[sflag:s23] =	ssyncset.done $0x0  }
0xa4: {  	s25 =	simm.s32 $0x1B8E;
	s24 =	sld [smem:$0x3FFE];
	[sflag:s23] =	ssyncadd.s32 $0xFFFFFFFF  }
0xa5: {  	s26 =	simm.s32 $execute0_lowered;
	[smem:$0x3FD2] =	sst s25  }
0xa6: {  	s4 =	sshll.u32 s26, $0x1;
	_ =	strace $0x80000049;
	[dreg:$0x1] =	wrdreg $0xFFFFFFFF  }
0xa7: {  	s28 =	simm.s32 $_size_execute0_lowered;
	s2 =	sadd.s32 s2, s4;
	[dreg:$0x0] =	wrdreg $0x0  }
0xa8: {  	s4 =	sshll.u32 s28, $0x1;
	[dreg:$0x2] =	wrdreg s2  }
0xa9: {  	[dreg:$0x3] =	wrdreg s4  }
0xaa: {  	[dreg:$0x4] =	wrdreg $0xC0  }
0xab: {  	_ =	task [dreg:s6], $0x5FFFF  }
0xac: {  	[dreg:$0x1] =	wrdreg $0xFFFFFFFF  }
0xad: {  	[dreg:$0x0] =	wrdreg $0x60  }
0xae: {  	[dreg:$0x2] =	wrdreg s24  }
0xaf: {  	[dreg:$0x3] =	wrdreg $0x9E000  }
0xb0: {  	[dreg:$0x4] =	wrdreg $0x9  }
0xb1: {  	_ =	task.clear_ibuf [dreg:s6], $0x5FFFF;
	_ =	strace $0x90000049  }
0xb2: {  	s29 =	simm.s32 $0x9;
	_ =	strace $0x8000004B  }
0xb3: {  	_ =	swait.ge [sflag:s29], $0x1  }
0xb4: {  	[sflag:s29] =	ssyncadd.s32 $0xFFFFFFFF  }
0xb5: {  	_ =	strace $0x9000004B  }
0xb6: {  	_ =	sfence  }
0xb7: {  	s30 =	sld [smem:$0x0];
	_ =	sdelay $0x2  }
0xb8: {  	s31 =	sshll.u32 s1, $0xD;
	s1 =	sshrl.u32 s1, $0x2  }
0xb9: {  	s3 =	sand.u32 $0x4000, s31;
	s1 =	sadd.s32 s1, s30  }
0xba: {  	s0 =	sor.u32 s3, s0;
	s1 =	sshll.u32 s1, $0x11  }
0xbb: {  	s0 =	sor.u32 s1, s0  }
0xbc: {  	s0 =	sadd.s32 $0x8F2B, s0  }
0xbd: {  	[sflag:s0] =	ssyncadd.remote.s32 $0x1  }
0xbe: {  	_ =	sfence.sel $0xFFFF  }
0xbf: {  	[dreg:$0x0] =	wrdreg $0xFFFFFFFF;
	(pc) =	sbr.abs _section_cstart, $3  }
0xc0: {  	[dreg:$0x1] =	wrdreg $0xFFFFFFFF  }
0xc1: {  	_ =	task.clear_ibuf [dreg:s6], $0x2FFFF;
	_ =	strace $0x9FFFFFFF  }
0xc2: {  	(tm) =	ssettm $0x7FFFFFFF  }
0xc3: {  	_ =	shalt  }
tec
execute0_lowered:
.L_overlay_start_1:
0x0: {  	(tag) =	ssettag $0x1  }
0x1: {  	s5 =	rddreg [dreg:$0x0]  }
0x2: {  	s1 =	rddreg [dreg:$0x1]  }
0x3: {  	s2 =	srdreg.scid;
	s0 =	rddreg [dreg:$0x2]  }
0x4: {  	s3 =	simm.s32 $0x0;
	s11 =	simm.s32 $0x60;
	s12 =	simm.s32 $0x3800  }
0x5: {  	s13 =	simm.s32 $0x3A00;
	s14 =	simm.s32 $0x3880;
	s15 =	simm.s32 $0x6A00  }
0x6: {  	s16 =	simm.s32 $0x1;
	s17 =	simm.s32 $0x3900;
	s18 =	simm.s32 $0x2  }
0x7: {  	s19 =	simm.s32 $0x3980;
	s6 =	sand.u32 $0x1, s2;
	s2 =	stileid.u32  }
0x8: {  	s22 =	simm.s32 $0x0;
	[smem:$0x7FF] =	sst s3;
	s7 =	smul.u32 $0x140000, s6  }
0x9: {  	s4 =	sshll.u32 s2, $0x1;
	s8 =	smul.u32 $0x14000, s2;
	_ =	strace $0x8000004A  }
0xa: {  	s29 =	smul.u32 $0x50000, s2;
	s20 =	sshll.u32 s2, $0x6;
	s9 =	sor.u32 s6, s4  }
0xb: {  	s4 =	sadd.s32 $0x6B000, s5;
	s6 =	ssub.s32 $0x2, s6;
	s20 =	sor.u32 $0x1C03, s20  }
0xc: {  	s9 =	smul.u32 $0x700, s9;
	s7 =	sadd.s32 s8, s7;
	s30 =	sshrl.u32 s6, $0x1  }
0xd: {  	s31 =	sshrl.u32 s29, $0x2;
	s7 =	sshrl.u32 s7, $0x3;
	s10 =	ssub.s32 s6, s30  }
0xe: {  	s6 =	sadd.s32 s31, s1;
	s9 =	sadd.s32 s9, s5;
	s7 =	sadd.s32 s7, s5  }
0xf: {  	s8 =	smax.u32 s10, $0x1;
	s10 =	simm.s32 $0x9A00;
	s21 =	sshrl.u32 s6, $0x3  }
0x10: {  	v0 =	vimm.f32 $0.0e+00;
	s5 =	sadd.s32 $0x5D000, s9;
	s7 =	sadd.s32 $0x92200, s7;
	s9 =	simm.s32 $0x3  }
.LBB2_1:
0x11: {  	[tilespmem:s3], [sflag:$0x3] =	stream.linear.gather [hbm4b:s5+s3], $0x3500, $0x38;
	[tilespmem:$0x1DE00] =	vst v63  }
0x12: {  	_ =	swait.ge [sflag:s9], $0x3500  }
0x13: {  	[sflag:s9] =	ssyncset.done $0x0  }
0x14: {  	[sflag:s9] =	ssyncadd.s32 $0xFFFFCB00  }
0x15: {  	[tilespmem:$0x9A00] =	vst v0  }
0x16: {  	[tilespmem:$0x9A10] =	vst v0  }
0x17: {  	[tilespmem:$0x9A20] =	vst v0  }
0x18: {  	[tilespmem:$0x9A30] =	vst v0  }
0x19: {  	[tilespmem:$0x9A40] =	vst v0  }
0x1a: {  	[tilespmem:$0x9A50] =	vst v0  }
0x1b: {  	[tilespmem:$0x9A60] =	vst v0  }
0x1c: {  	[tilespmem:$0x9A70] =	vst v0  }
0x1d: {  	[tilespmem:$0x9A80] =	vst v0  }
0x1e: {  	[tilespmem:$0x9A90] =	vst v0  }
0x1f: {  	[tilespmem:$0x9AA0] =	vst v0  }
0x20: {  	[tilespmem:$0x9AB0] =	vst v0  }
0x21: {  	[tilespmem:$0x9AC0] =	vst v0  }
0x22: {  	[tilespmem:$0x9AD0] =	vst v0  }
0x23: {  	[tilespmem:$0x9AE0] =	vst v0  }
0x24: {  	[tilespmem:$0x9AF0] =	vst v0  }
0x25: {  	[tilespmem:$0x9B00] =	vst v0  }
0x26: {  	[tilespmem:$0x9B10] =	vst v0  }
0x27: {  	[tilespmem:$0x9B20] =	vst v0  }
0x28: {  	[tilespmem:$0x9B30] =	vst v0  }
0x29: {  	[tilespmem:$0x9B40] =	vst v0  }
0x2a: {  	[tilespmem:$0x9B50] =	vst v0  }
0x2b: {  	[tilespmem:$0x9B60] =	vst v0  }
0x2c: {  	[tilespmem:$0x9B70] =	vst v0  }
0x2d: {  	[tilespmem:$0x9B80] =	vst v0  }
0x2e: {  	[tilespmem:$0x9B90] =	vst v0  }
0x2f: {  	[tilespmem:$0x9BA0] =	vst v0  }
0x30: {  	[tilespmem:$0x9BB0] =	vst v0  }
0x31: {  	[tilespmem:$0x9BC0] =	vst v0  }
0x32: {  	[tilespmem:$0x9BD0] =	vst v0  }
0x33: {  	[tilespmem:$0x9BE0] =	vst v0  }
0x34: {  	[tilespmem:$0x9BF0] =	vst v0  }
0x35: {  	[tilespmem:$0x9C00] =	vst v0  }
0x36: {  	[tilespmem:$0x9C10] =	vst v0  }
0x37: {  	[tilespmem:$0x9C20] =	vst v0  }
0x38: {  	[tilespmem:$0x9C30] =	vst v0  }
0x39: {  	[tilespmem:$0x9C40] =	vst v0  }
0x3a: {  	[tilespmem:$0x9C50] =	vst v0  }
0x3b: {  	[tilespmem:$0x9C60] =	vst v0  }
0x3c: {  	[tilespmem:$0x9C70] =	vst v0  }
0x3d: {  	[tilespmem:$0x9C80] =	vst v0  }
0x3e: {  	[tilespmem:$0x9C90] =	vst v0  }
0x3f: {  	[tilespmem:$0x9CA0] =	vst v0  }
0x40: {  	[tilespmem:$0x9CB0] =	vst v0  }
0x41: {  	[tilespmem:$0x9CC0] =	vst v0  }
0x42: {  	[tilespmem:$0x9CD0] =	vst v0  }
0x43: {  	[tilespmem:$0x9CE0] =	vst v0  }
0x44: {  	[tilespmem:$0x9CF0] =	vst v0  }
0x45: {  	[tilespmem:$0x9D00] =	vst v0  }
0x46: {  	[tilespmem:$0x9D10] =	vst v0  }
0x47: {  	[tilespmem:$0x9D20] =	vst v0  }
0x48: {  	[tilespmem:$0x9D30] =	vst v0  }
0x49: {  	[tilespmem:$0x9D40] =	vst v0  }
0x4a: {  	[tilespmem:$0x9D50] =	vst v0  }
0x4b: {  	[tilespmem:$0x9D60] =	vst v0  }
0x4c: {  	[tilespmem:$0x9D70] =	vst v0  }
0x4d: {  	[tilespmem:$0x9D80] =	vst v0  }
0x4e: {  	[tilespmem:$0x9D90] =	vst v0  }
0x4f: {  	[tilespmem:$0x9DA0] =	vst v0  }
0x50: {  	[tilespmem:$0x9DB0] =	vst v0  }
0x51: {  	[tilespmem:$0x9DC0] =	vst v0  }
0x52: {  	[tilespmem:$0x9DD0] =	vst v0  }
0x53: {  	[tilespmem:$0x9DE0] =	vst v0  }
0x54: {  	s23 =	sadd.s32 $0x0, s6;
	[tilespmem:$0x9DF0] =	vst v0  }
0x55: {  	[spmem:s23] =	stream.linear.scatter [tilespmem:s10], [sflag:$0x3], $0x400, $0x38;
	[tilespmem:$0x1DE00] =	vst v63  }
0x56: {  	s23 =	simm.s32 $0x1000;
	_ =	swait.ge [sflag:s9], $0x400  }
.LBB2_2:
0x57: {  	s24 =	sshra.s32 s23, $0x2;
	[sflag:s9] =	ssyncset.done $0x0;
	p0 =	sne.s32 s23, $0x4F000  }
.Ltmp0:
0x58: {  	s24 =	sadd.s32 s24, s6;
	[sflag:s9] =	ssyncadd.s32 $0xFFFFFC00;
	(pc) =	sbr.rel @p0 .LBB2_2-.Ltmp0, $3  }
0x59: {  	[spmem:s24] =	stream.linear.scatter [tilespmem:s10], [sflag:$0x3], $0x400, $0x38;
	[tilespmem:$0x1DE00] =	vst v63  }
0x5a: {  	s23 =	sadd.s32 $0x1000, s23;
	_ =	sdelay $0x1  }
0x5b: {  	_ =	swait.ge [sflag:s9], $0x400  }
0x5c: {  	[sflag:s9] =	ssyncset.done $0x0  }
0x5d: {  	[sflag:s9] =	ssyncadd.s32 $0xFFFFFC00  }
0x5e: {  	[bflag:$0x0] =	sbarrier.arrive $0xFFFF  }
0x5f: {  	v1 =	vld [tilespmem:$0x0];
	_ =	sdelay $0x1  }
0x60: {  	v2 =	vld [tilespmem:$0x10];
	_ =	sdelay $0x1  }
0x61: {  	v3 =	vld [tilespmem:$0x20]  }
0x62: {  	v4 =	vshrl.u32 v1, $0xE  }
0x63: {  	v61 =	vld [tilespmem:$0x30];
	v1 =	vand.u32 $0x3FFF, v1;
	[tilespmem:$0x3800] =	vst v4  }
0x64: {  	[tilespmem:$0x3900] =	vst v1;
	v1 =	vshrl.u32 v2, $0xE  }
0x65: {  	[tilespmem:$0x3810] =	vst v1;
	v1 =	vand.u32 $0x3FFF, v2;
	v2 =	vld [tilespmem:$0x40]  }
0x66: {  	[tilespmem:$0x3910] =	vst v1;
	v1 =	vshrl.u32 v3, $0xE  }
0x67: {  	[tilespmem:$0x3820] =	vst v1;
	v1 =	vand.u32 $0x3FFF, v3;
	v3 =	vld [tilespmem:$0x50]  }
0x68: {  	[tilespmem:$0x3920] =	vst v1;
	v1 =	vshrl.u32 v61, $0xE  }
0x69: {  	[tilespmem:$0x3830] =	vst v1;
	v1 =	vand.u32 $0x3FFF, v61  }
0x6a: {  	[tilespmem:$0x3930] =	vst v1;
	v1 =	vshrl.u32 v2, $0xE  }
0x6b: {  	[tilespmem:$0x3840] =	vst v1;
	v1 =	vand.u32 $0x3FFF, v2  }
0x6c: {  	[tilespmem:$0x3940] =	vst v1;
	v1 =	vshrl.u32 v3, $0xE  }
0x6d: {  	[tilespmem:$0x3850] =	vst v1;
	v1 =	vand.u32 $0x3FFF, v3  }
0x6e: {  	[tilespmem:$0x3950] =	vst v1  }
0x6f: {  	[tilespmem:s13], [sflag:$0x1] =	stream.indirect.gather [hbm4b:s4+s11], $0x80, s12, s11, $0xb8;
	[tilespmem:$0x1DE00] =	vst v63  }
0x70: {  	v1 =	vld [tilespmem:$0x80];
	_ =	sdelay $0x1  }
0x71: {  	v2 =	vld [tilespmem:$0x90];
	_ =	sdelay $0x1  }
0x72: {  	v3 =	vld [tilespmem:$0xA0]  }
0x73: {  	v62 =	vshrl.u32 v1, $0xE  }
0x74: {  	v63 =	vld [tilespmem:$0xB0];
	v1 =	vand.u32 $0x3FFF, v1;
	[tilespmem:$0x3880] =	vst v62  }
0x75: {  	[tilespmem:$0x3980] =	vst v1;
	v1 =	vshrl.u32 v2, $0xE  }
0x76: {  	[tilespmem:$0x3890] =	vst v1;
	v1 =	vand.u32 $0x3FFF, v2;
	v2 =	vld [tilespmem:$0xC0]  }
0x77: {  	[tilespmem:$0x3990] =	vst v1;
	v1 =	vshrl.u32 v3, $0xE  }
0x78: {  	[tilespmem:$0x38A0] =	vst v1;
	v1 =	vand.u32 $0x3FFF, v3;
	v3 =	vld [tilespmem:$0xD0]  }
0x79: {  	[tilespmem:$0x39A0] =	vst v1;
	v1 =	vshrl.u32 v63, $0xE  }
0x7a: {  	[tilespmem:$0x38B0] =	vst v1;
	v1 =	vand.u32 $0x3FFF, v63  }
0x7b: {  	[tilespmem:$0x39B0] =	vst v1;
	v1 =	vshrl.u32 v2, $0xE  }
0x7c: {  	[tilespmem:$0x38C0] =	vst v1;
	v1 =	vand.u32 $0x3FFF, v2  }
0x7d: {  	[tilespmem:$0x39C0] =	vst v1;
	v1 =	vshrl.u32 v3, $0xE  }
0x7e: {  	[tilespmem:$0x38D0] =	vst v1;
	v1 =	vand.u32 $0x3FFF, v3  }
0x7f: {  	[tilespmem:$0x39D0] =	vst v1  }
0x80: {  	[tilespmem:s15], [sflag:$0x2] =	stream.indirect.gather [hbm4b:s4+s11], $0x80, s14, s11, $0xb8;
	[tilespmem:$0x1DE00] =	vst v63  }
0x81: {  	_ =	swait.ge [sflag:s16], $0x3000  }
0x82: {  	[sflag:s16] =	ssyncset.done $0x0  }
0x83: {  	[sflag:s16] =	ssyncadd.s32 $0xFFFFD000  }
0x84: {  	[spmem:s1] =	stream.indirect.scatter.add.f32 [tilespmem:s13], [sflag:$0x3], $0x80, s17, s11, $0xb8;
	[tilespmem:$0x1DE00] =	vst v63  }
0x85: {  	_ =	swait.ge [sflag:s9], $0x3000  }
0x86: {  	[sflag:s9] =	ssyncset.done $0x0  }
0x87: {  	s23 =	simm.s32 $0x1D0;
	[sflag:s9] =	ssyncadd.s32 $0xFFFFD000  }
0x88: {  	v1 =	vld [tilespmem:s23+$0xFFFFFF30];
	_ =	sdelay $0x4  }
0x89: {  	v2 =	vshrl.u32 v1, $0xE  }
0x8a: {  	v1 =	vand.u32 $0x3FFF, v1;
	[tilespmem:$0x3800] =	vst v2  }
0x8b: {  	[tilespmem:$0x3900] =	vst v1  }
0x8c: {  	v1 =	vld [tilespmem:s23+$0xFFFFFF40];
	_ =	sdelay $0x4  }
0x8d: {  	v2 =	vshrl.u32 v1, $0xE  }
0x8e: {  	v1 =	vand.u32 $0x3FFF, v1;
	[tilespmem:$0x3810] =	vst v2  }
0x8f: {  	[tilespmem:$0x3910] =	vst v1  }
0x90: {  	v1 =	vld [tilespmem:s23+$0xFFFFFF50];
	_ =	sdelay $0x4  }
0x91: {  	v2 =	vshrl.u32 v1, $0xE  }
0x92: {  	v1 =	vand.u32 $0x3FFF, v1;
	[tilespmem:$0x3820] =	vst v2  }
0x93: {  	[tilespmem:$0x3920] =	vst v1  }
0x94: {  	v1 =	vld [tilespmem:s23+$0xFFFFFF60];
	_ =	sdelay $0x4  }
0x95: {  	v2 =	vshrl.u32 v1, $0xE  }
0x96: {  	v1 =	vand.u32 $0x3FFF, v1;
	[tilespmem:$0x3830] =	vst v2  }
0x97: {  	[tilespmem:$0x3930] =	vst v1  }
0x98: {  	v1 =	vld [tilespmem:s23+$0xFFFFFF70];
	_ =	sdelay $0x4  }
0x99: {  	v2 =	vshrl.u32 v1, $0xE  }
0x9a: {  	v1 =	vand.u32 $0x3FFF, v1;
	[tilespmem:$0x3840] =	vst v2  }
0x9b: {  	[tilespmem:$0x3940] =	vst v1  }
0x9c: {  	v1 =	vld [tilespmem:s23+$0xFFFFFF80];
	_ =	sdelay $0x4  }
0x9d: {  	v2 =	vshrl.u32 v1, $0xE  }
0x9e: {  	v1 =	vand.u32 $0x3FFF, v1;
	[tilespmem:$0x3850] =	vst v2  }
0x9f: {  	[tilespmem:$0x3950] =	vst v1  }
0xa0: {  	[tilespmem:s13], [sflag:$0x1] =	stream.indirect.gather [hbm4b:s4+s11], $0x80, s12, s11, $0xb8;
	[tilespmem:$0x1DE00] =	vst v63  }
0xa1: {  	_ =	swait.ge [sflag:s18], $0x3000  }
0xa2: {  	[sflag:s18] =	ssyncset.done $0x0  }
0xa3: {  	[sflag:s18] =	ssyncadd.s32 $0xFFFFD000  }
0xa4: {  	[spmem:s1] =	stream.indirect.scatter.add.f32 [tilespmem:s15], [sflag:$0x3], $0x80, s19, s11, $0xb8;
	[tilespmem:$0x1DE00] =	vst v63  }
0xa5: {  	_ =	swait.ge [sflag:s9], $0x3000  }
0xa6: {  	[sflag:s9] =	ssyncset.done $0x0  }
0xa7: {  	[sflag:s9] =	ssyncadd.s32 $0xFFFFD000  }
0xa8: {  	v1 =	vld [tilespmem:s23+$0xFFFFFFB0];
	_ =	sdelay $0x4  }
0xa9: {  	v2 =	vshrl.u32 v1, $0xE  }
0xaa: {  	v1 =	vand.u32 $0x3FFF, v1;
	[tilespmem:$0x3880] =	vst v2  }
0xab: {  	[tilespmem:$0x3980] =	vst v1  }
0xac: {  	v1 =	vld [tilespmem:s23+$0xFFFFFFC0];
	_ =	sdelay $0x4  }
0xad: {  	v2 =	vshrl.u32 v1, $0xE  }
0xae: {  	v1 =	vand.u32 $0x3FFF, v1;
	[tilespmem:$0x3890] =	vst v2  }
0xaf: {  	[tilespmem:$0x3990] =	vst v1  }
0xb0: {  	v1 =	vld [tilespmem:s23+$0xFFFFFFD0];
	_ =	sdelay $0x4  }
0xb1: {  	v2 =	vshrl.u32 v1, $0xE  }
0xb2: {  	v1 =	vand.u32 $0x3FFF, v1;
	[tilespmem:$0x38A0] =	vst v2  }
0xb3: {  	[tilespmem:$0x39A0] =	vst v1  }
0xb4: {  	v1 =	vld [tilespmem:s23+$0xFFFFFFE0];
	_ =	sdelay $0x4  }
0xb5: {  	v2 =	vshrl.u32 v1, $0xE  }
0xb6: {  	v1 =	vand.u32 $0x3FFF, v1;
	[tilespmem:$0x38B0] =	vst v2  }
0xb7: {  	[tilespmem:$0x39B0] =	vst v1  }
0xb8: {  	s24 =	simm.s32 $0xB40;
	v1 =	vld [tilespmem:s23+$0xFFFFFFF0]  }
.LBB2_4:
0xb9: {  	_ =	sdelay $0x2  }
0xba: {  	p0 =	sne.s32 s24, $0xD340;
	s25 =	smov.u32 s24;
	s24 =	sadd.s32 $0x400, s24  }
0xbb: {  	v2 =	vshrl.u32 v1, $0xE;
	v1 =	vand.u32 $0x3FFF, v1  }
0xbc: {  	[tilespmem:$0x38C0] =	vst v2  }
0xbd: {  	[tilespmem:$0x39C0] =	vst v1  }
0xbe: {  	v1 =	vld [tilespmem:s23+$0x0];
	_ =	sdelay $0x4  }
0xbf: {  	v2 =	vshrl.u32 v1, $0xE;
	v1 =	vand.u32 $0x3FFF, v1  }
0xc0: {  	[tilespmem:$0x38D0] =	vst v2  }
0xc1: {  	[tilespmem:$0x39D0] =	vst v1  }
0xc2: {  	[tilespmem:s15], [sflag:$0x2] =	stream.indirect.gather [hbm4b:s4+s11], $0x80, s14, s11, $0xb8;
	[tilespmem:$0x1DE00] =	vst v63  }
0xc3: {  	_ =	swait.ge [sflag:s16], $0x3000  }
0xc4: {  	[sflag:s16] =	ssyncset.done $0x0  }
0xc5: {  	[sflag:s16] =	ssyncadd.s32 $0xFFFFD000  }
0xc6: {  	[spmem:s1] =	stream.indirect.scatter.add.f32 [tilespmem:s13], [sflag:$0x3], $0x80, s17, s11, $0xb8;
	[tilespmem:$0x1DE00] =	vst v63  }
0xc7: {  	_ =	swait.ge [sflag:s9], $0x3000  }
0xc8: {  	[sflag:s9] =	ssyncset.done $0x0  }
0xc9: {  	s23 =	sshra.s32 s25, $0x2;
	[sflag:s9] =	ssyncadd.s32 $0xFFFFD000  }
0xca: {  	v1 =	vld [tilespmem:s23+$0xFFFFFF30];
	_ =	sdelay $0x4  }
0xcb: {  	v2 =	vshrl.u32 v1, $0xE;
	v1 =	vand.u32 $0x3FFF, v1  }
0xcc: {  	[tilespmem:$0x3800] =	vst v2  }
0xcd: {  	[tilespmem:$0x3900] =	vst v1  }
0xce: {  	v1 =	vld [tilespmem:s23+$0xFFFFFF40];
	_ =	sdelay $0x4  }
0xcf: {  	v2 =	vshrl.u32 v1, $0xE;
	v1 =	vand.u32 $0x3FFF, v1  }
0xd0: {  	[tilespmem:$0x3810] =	vst v2  }
0xd1: {  	[tilespmem:$0x3910] =	vst v1  }
0xd2: {  	v1 =	vld [tilespmem:s23+$0xFFFFFF50];
	_ =	sdelay $0x4  }
0xd3: {  	v2 =	vshrl.u32 v1, $0xE;
	v1 =	vand.u32 $0x3FFF, v1  }
0xd4: {  	[tilespmem:$0x3820] =	vst v2  }
0xd5: {  	[tilespmem:$0x3920] =	vst v1  }
0xd6: {  	v1 =	vld [tilespmem:s23+$0xFFFFFF60];
	_ =	sdelay $0x4  }
0xd7: {  	v2 =	vshrl.u32 v1, $0xE;
	v1 =	vand.u32 $0x3FFF, v1  }
0xd8: {  	[tilespmem:$0x3830] =	vst v2  }
0xd9: {  	[tilespmem:$0x3930] =	vst v1  }
0xda: {  	v1 =	vld [tilespmem:s23+$0xFFFFFF70];
	_ =	sdelay $0x4  }
0xdb: {  	v2 =	vshrl.u32 v1, $0xE;
	v1 =	vand.u32 $0x3FFF, v1  }
0xdc: {  	[tilespmem:$0x3840] =	vst v2  }
0xdd: {  	[tilespmem:$0x3940] =	vst v1  }
0xde: {  	v1 =	vld [tilespmem:s23+$0xFFFFFF80];
	_ =	sdelay $0x4  }
0xdf: {  	v2 =	vshrl.u32 v1, $0xE;
	v1 =	vand.u32 $0x3FFF, v1  }
0xe0: {  	[tilespmem:$0x3850] =	vst v2  }
0xe1: {  	[tilespmem:$0x3950] =	vst v1  }
0xe2: {  	[tilespmem:s13], [sflag:$0x1] =	stream.indirect.gather [hbm4b:s4+s11], $0x80, s12, s11, $0xb8;
	[tilespmem:$0x1DE00] =	vst v63  }
0xe3: {  	_ =	swait.ge [sflag:s18], $0x3000  }
0xe4: {  	[sflag:s18] =	ssyncset.done $0x0  }
0xe5: {  	[sflag:s18] =	ssyncadd.s32 $0xFFFFD000  }
0xe6: {  	[spmem:s1] =	stream.indirect.scatter.add.f32 [tilespmem:s15], [sflag:$0x3], $0x80, s19, s11, $0xb8;
	[tilespmem:$0x1DE00] =	vst v63  }
0xe7: {  	_ =	swait.ge [sflag:s9], $0x3000  }
0xe8: {  	[sflag:s9] =	ssyncset.done $0x0  }
0xe9: {  	[sflag:s9] =	ssyncadd.s32 $0xFFFFD000  }
0xea: {  	v1 =	vld [tilespmem:s23+$0xFFFFFFB0];
	_ =	sdelay $0x4  }
0xeb: {  	v2 =	vshrl.u32 v1, $0xE;
	v1 =	vand.u32 $0x3FFF, v1  }
0xec: {  	[tilespmem:$0x3880] =	vst v2  }
0xed: {  	[tilespmem:$0x3980] =	vst v1  }
0xee: {  	v1 =	vld [tilespmem:s23+$0xFFFFFFC0];
	_ =	sdelay $0x4  }
0xef: {  	v2 =	vshrl.u32 v1, $0xE;
	v1 =	vand.u32 $0x3FFF, v1  }
0xf0: {  	[tilespmem:$0x3890] =	vst v2  }
0xf1: {  	[tilespmem:$0x3990] =	vst v1  }
0xf2: {  	v1 =	vld [tilespmem:s23+$0xFFFFFFD0];
	_ =	sdelay $0x4  }
0xf3: {  	v2 =	vshrl.u32 v1, $0xE;
	v1 =	vand.u32 $0x3FFF, v1  }
0xf4: {  	[tilespmem:$0x38A0] =	vst v2  }
0xf5: {  	[tilespmem:$0x39A0] =	vst v1  }
0xf6: {  	v1 =	vld [tilespmem:s23+$0xFFFFFFE0];
	_ =	sdelay $0x3  }
.Ltmp1:
0xf7: {  	(pc) =	sbr.rel @p0 .LBB2_4-.Ltmp1, $4  }
0xf8: {  	v2 =	vshrl.u32 v1, $0xE;
	v1 =	vand.u32 $0x3FFF, v1  }
0xf9: {  	[tilespmem:$0x38B0] =	vst v2  }
0xfa: {  	[tilespmem:$0x39B0] =	vst v1  }
0xfb: {  	v1 =	vld [tilespmem:s23+$0xFFFFFFF0]  }
0xfc: {  	_ =	sdelay $0x3  }
0xfd: {  	v2 =	vshrl.u32 v1, $0xE  }
0xfe: {  	v1 =	vand.u32 $0x3FFF, v1;
	[tilespmem:$0x38C0] =	vst v2  }
0xff: {  	[tilespmem:$0x39C0] =	vst v1  }
0x100: {  	v1 =	vld [tilespmem:s23+$0x0];
	_ =	sdelay $0x4  }
0x101: {  	v2 =	vshrl.u32 v1, $0xE  }
0x102: {  	v1 =	vand.u32 $0x3FFF, v1;
	[tilespmem:$0x38D0] =	vst v2  }
0x103: {  	[tilespmem:$0x39D0] =	vst v1  }
0x104: {  	[tilespmem:s15], [sflag:$0x2] =	stream.indirect.gather [hbm4b:s4+s11], $0x80, s14, s11, $0xb8;
	[tilespmem:$0x1DE00] =	vst v63  }
0x105: {  	_ =	swait.ge [sflag:s16], $0x3000  }
0x106: {  	[sflag:s16] =	ssyncset.done $0x0  }
0x107: {  	[sflag:s16] =	ssyncadd.s32 $0xFFFFD000  }
0x108: {  	[spmem:s1] =	stream.indirect.scatter.add.f32 [tilespmem:s13], [sflag:$0x3], $0x80, s17, s11, $0xb8;
	[tilespmem:$0x1DE00] =	vst v63  }
0x109: {  	_ =	swait.ge [sflag:s9], $0x3000  }
0x10a: {  	[sflag:s9] =	ssyncset.done $0x0  }
0x10b: {  	[sflag:s9] =	ssyncadd.s32 $0xFFFFD000  }
0x10c: {  	_ =	swait.ge [sflag:s18], $0x3000  }
0x10d: {  	[sflag:s18] =	ssyncset.done $0x0  }
0x10e: {  	[sflag:s18] =	ssyncadd.s32 $0xFFFFD000  }
0x10f: {  	[spmem:s1] =	stream.indirect.scatter.add.f32 [tilespmem:s15], [sflag:$0x3], $0x80, s19, s11, $0xb8;
	[tilespmem:$0x1DE00] =	vst v63  }
0x110: {  	_ =	swait.ge [sflag:s9], $0x3000  }
0x111: {  	s22 =	sadd.s32 $0x1, s22;
	[sflag:s9] =	ssyncset.done $0x0  }
0x112: {  	p0 =	sne.s32 s22, s8;
	[sflag:s9] =	ssyncadd.s32 $0xFFFFD000  }
.Ltmp2:
0x113: {  	[bflag:$0x0] =	sbarrier.arrive $0xFFFF;
	(pc) =	sbr.rel @p0 .LBB2_1-.Ltmp2, $4  }
0x114: {  	[hbm:s7], [sflag:s20] =	dma.local [spmem:s21], $0x2800  }
0x115: {  	_ =	swait.ge [sflag:s9], $0x2800  }
0x116: {  	[sflag:s9] =	ssyncset.done $0x0  }
0x117: {  	[sflag:s9] =	ssyncadd.s32 $0xFFFFD800  }
0x118: {  	_ =	sfence.sel $0x180000  }
0x119: {  	[bflag:$0x0] =	sbarrier.arrive $0xFFFF  }
0x11a: {  	p0 =	sne.s32 s2, $0x0;
	_ =	strace $0x9000004A  }
0x11b: {  	s0 =	sadd.s32 @!p0 $0x100000, s0;
	[bflag:$0x2] =	sbarrier.arrive $0xFFFF  }
0x11c: {  	[sflag:s0] =	ssyncadd.tile.s32 @!p0 $0x1;
	_ =	shalt  }
.Lfunc_end2:
_tile_overlayer_lowered:
.L_overlay_start_2:
0x11d: {  	(tag) =	ssettag $0x2  }
0x11e: {  	s0 =	rddreg [dreg:$0x0];
	s2 =	stileid.u32  }
0x11f: {  	s1 =	rddreg [dreg:$0x1];
	p0 =	sne.s32 s2, $0x0  }
0x120: {  	s3 =	rddreg [dreg:$0x2];
	[bflag:$0x3] =	sbarrier.arrive $0xFFFF;
	s2 =	simm.s32 @!p0 $0x1C03  }
0x121: {  	[timem:s3], [sflag:s2] =	dma.local @!p0 [hbm:s0], s1  }
0x122: {  	s0 =	simm.s32 @!p0 $0x3  }
0x123: {  	_ =	swait.ge @!p0 [sflag:s0], s1  }
0x124: {  	s1 =	ssub.s32 @!p0 $0x0, s1;
	[sflag:s0] =	ssyncset.done @!p0 $0x0  }
0x125: {  	[sflag:s0] =	ssyncadd.s32 @!p0 s1  }
0x126: {  	[bflag:$0x3] =	sbarrier.arrive $0xFFFF  }
0x127: {  	_ =	shalt  }

// kernel: kernel.15.cloned.1.call-start
scs
__scs_entry_jumppad:
0x0: {  	(pc) =	sbr.rel $0x88, $3  }
0x1: {  	(tag) =	ssettag $0x0;
	lr =	simm.s32 $0x1  }
0x2: {  	[smem:$0x3F99] =	sst lr;
	_ =	strace $0xD0000000  }
0x3: {  	_ = 	snop  }
0x4: {  	_ = 	snop  }
0x5: {  	_ = 	snop  }
0x6: {  	_ = 	snop  }
0x7: {  	_ = 	snop  }
__scs_overlays_trampoline_lowered:
0x8: {  	[smem:$0x3FA8] =	sst s0  }
0x9: {  	[smem:$0x3FA9] =	sst s1  }
0xa: {  	[smem:$0x3FAA] =	sst s2  }
0xb: {  	[smem:$0x3FAB] =	sst s3  }
0xc: {  	[smem:$0x3FAC] =	sst s4  }
0xd: {  	[smem:$0x3FAD] =	sst s5  }
0xe: {  	[smem:$0x3FAE] =	sst s6  }
0xf: {  	[smem:$0x3FAF] =	sst s7  }
0x10: {  	[smem:$0x3FB0] =	sst s8  }
0x11: {  	[smem:$0x3FB1] =	sst s9;
	s0 =	simm.s32 @!p0 $0x0  }
0x12: {  	s1 =	sld [smem:$0x3F97];
	s0 =	simm.s32 @p0 $0x1  }
0x13: {  	[smem:$0x3FB2] =	sst s0;
	s0 =	simm.s32 @!p1 $0x0  }
0x14: {  	s2 =	sld [smem:$0x3F96];
	s0 =	simm.s32 @p1 $0x1  }
0x15: {  	[smem:$0x3FB3] =	sst s0;
	s0 =	simm.s32 @!p2 $0x0  }
0x16: {  	s3 =	sld [smem:$0x3FDB];
	s0 =	simm.s32 @p2 $0x1  }
0x17: {  	s4 =	simm.s32 $0x1BF5;
	[smem:$0x3FB5] =	sst s0  }
0x18: {  	s0 =	sld [smem:$0x3F98];
	_ =	swait.ge [sflag:s4], $0x0  }
0x19: {  	s7 =	sld [smem:$0x3F99]  }
0x1a: {  	s8 =	sadd.s32 $0xFFFFE003, lr  }
0x1b: {  	s9 =	sadd.s32 $0xFFFFFEF7, lr;
	s5 =	simm.s32 $0xFFFFFFFF;
	p2 =	slt.u32 s8, $0xFFFFF086  }
0x1c: {  	p1 =	slt.u32 s9, $0xF7A;
	s5 =	simm.s32 @!p2 $0x0  }
0x1d: {  	s5 =	simm.s32 @p1 $0x1;
	p0 =	seq.s32 s7, s2  }
0x1e: {  	s7 =	smul.u32 @!p0 $0xF7A, s2;
	p2 =	seq.s32 @!p0 s5, $0x0  }
0x1f: {  	s9 =	smul.u32 $0xF7A, s1;
	s8 =	simm.s32 @!p0 $0x1BF5;
	p2 =	por !p2, p0  }
0x20: {  	[sflag:s8] =	ssyncset.s32 @!p0 $0xFFFFF086;
	s6 =	sadd.s32 @!p0 s3, s7;
	s7 =	simm.s32 @!p0 $0x108  }
0x21: {  	s3 =	sadd.s32 s3, s9;
	s6 =	sadd.s32 @!p0 $0x88, s6;
	s7 =	simm.s32 @p2 $0x1082  }
0x22: {  	[simem:s7], [sflag:s8] =	dma.local @!p0 [hbm:s6], $0xF7A  }
0x23: {  	s9 =	sor.u32 $0xD0000000, s2;
	s6 =	simm.s32 $0x108;
	_ =	swait.ge @!p0 [sflag:s8], $0x0  }
0x24: {  	s3 =	sadd.s32 $0x88, s3;
	s6 =	simm.s32 @!p1 $0x1082;
	[sflag:s4] =	ssyncset.s32 $0xFFFFF086  }
0x25: {  	[simem:s6], [sflag:s4] =	dma.local [hbm:s3], $0xF7A  }
0x26: {  	[smem:$0x3F99] =	sst s1;
	(tag) =	ssettag s2;
	_ =	strace s9  }
0x27: {  	s1 =	sld [smem:$0x3FA9]  }
0x28: {  	s2 =	sld [smem:$0x3FAA]  }
0x29: {  	s4 =	sld [smem:$0x3FAC]  }
0x2a: {  	p0 =	seq.s32 s5, $0x0;
	s5 =	sld [smem:$0x3FAD]  }
0x2b: {  	s6 =	sld [smem:$0x3FAE]  }
0x2c: {  	s7 =	sld [smem:$0x3FAF]  }
0x2d: {  	s3 =	simm.s32 $0x108;
	s8 =	sld [smem:$0x3FB0]  }
0x2e: {  	s3 =	simm.s32 @!p0 $0x1082;
	s9 =	sld [smem:$0x3FB1]  }
0x2f: {  	lr =	sadd.s32 s0, s3;
	s0 =	sld [smem:$0x3FA8]  }
0x30: {  	s3 =	sld [smem:$0x3FAB]  }
0x31: {  	[smem:$0x3FB4] =	sst s10  }
0x32: {  	s10 =	sld [smem:$0x3FB2];
	_ =	sdelay $0x3  }
0x33: {  	p0 =	seq.s32 s10, $0x1;
	s10 =	sld [smem:$0x3FB4];
	_ =	sdelay $0x3  }
0x34: {  	[smem:$0x3FB4] =	sst s10  }
0x35: {  	s10 =	sld [smem:$0x3FB3];
	_ =	sdelay $0x3  }
0x36: {  	p1 =	seq.s32 s10, $0x1;
	s10 =	sld [smem:$0x3FB4];
	_ =	sdelay $0x3  }
0x37: {  	[smem:$0x3FB4] =	sst s10  }
0x38: {  	s10 =	sld [smem:$0x3FB5]  }
0x39: {  	_ = 	snop;
	(pc) =	sbr.ind lr, $3  }
0x3a: {  	_ = 	snop  }
0x3b: {  	_ = 	snop  }
0x3c: {  	p2 =	seq.s32 s10, $0x1;
	s10 =	sld [smem:$0x3FB4]  }
0x3d: {  	_ =	shalt  }
0x3e: {  	_ =	shalt  }
0x3f: {  	_ =	shalt  }
0x40: {  	_ =	shalt  }
0x41: {  	_ =	shalt  }
0x42: {  	_ =	shalt  }
0x43: {  	_ =	shalt  }
0x44: {  	_ =	shalt  }
0x45: {  	_ =	shalt  }
0x46: {  	_ =	shalt  }
0x47: {  	_ =	shalt  }
0x48: {  	_ =	shalt  }
0x49: {  	_ =	shalt  }
0x4a: {  	_ =	shalt  }
0x4b: {  	_ =	shalt  }
0x4c: {  	_ =	shalt  }
0x4d: {  	_ =	shalt  }
0x4e: {  	_ =	shalt  }
0x4f: {  	_ =	shalt  }
0x50: {  	_ =	shalt  }
0x51: {  	_ =	shalt  }
0x52: {  	_ =	shalt  }
0x53: {  	_ =	shalt  }
0x54: {  	_ =	shalt  }
0x55: {  	_ =	shalt  }
0x56: {  	_ =	shalt  }
0x57: {  	_ =	shalt  }
0x58: {  	_ =	shalt  }
0x59: {  	_ =	shalt  }
0x5a: {  	_ =	shalt  }
0x5b: {  	_ =	shalt  }
0x5c: {  	_ =	shalt  }
0x5d: {  	_ =	shalt  }
0x5e: {  	_ =	shalt  }
0x5f: {  	_ =	shalt  }
0x60: {  	_ =	shalt  }
0x61: {  	_ =	shalt  }
0x62: {  	_ =	shalt  }
0x63: {  	_ =	shalt  }
0x64: {  	_ =	shalt  }
0x65: {  	_ =	shalt  }
0x66: {  	_ =	shalt  }
0x67: {  	_ =	shalt  }
0x68: {  	_ =	shalt  }
0x69: {  	_ =	shalt  }
0x6a: {  	_ =	shalt  }
0x6b: {  	_ =	shalt  }
0x6c: {  	_ =	shalt  }
0x6d: {  	_ =	shalt  }
0x6e: {  	_ =	shalt  }
0x6f: {  	_ =	shalt  }
0x70: {  	_ =	shalt  }
0x71: {  	_ =	shalt  }
0x72: {  	_ =	shalt  }
0x73: {  	_ =	shalt  }
0x74: {  	_ =	shalt  }
0x75: {  	_ =	shalt  }
0x76: {  	_ =	shalt  }
0x77: {  	_ =	shalt  }
0x78: {  	_ =	shalt  }
0x79: {  	_ =	shalt  }
0x7a: {  	_ =	shalt  }
0x7b: {  	_ =	shalt  }
0x7c: {  	_ =	shalt  }
0x7d: {  	_ =	shalt  }
0x7e: {  	_ =	shalt  }
0x7f: {  	_ =	shalt  }
0x80: {  	_ =	shalt  }
0x81: {  	_ =	shalt  }
0x82: {  	_ =	shalt  }
0x83: {  	_ =	shalt  }
0x84: {  	_ =	shalt  }
0x85: {  	_ =	shalt  }
0x86: {  	_ =	shalt  }
0x87: {  	_ =	shalt  }
.Lfunc_end0:
.L_simem_size_0:
called_computation.2_lowered:
.L_overlay_start_0:
0x88: {  	s2 =	sld [smem:$0x3FD9]  }
0x89: {  	s3 =	sld [smem:$0x3FFE];
	_ =	sdelay $0x1  }
0x8a: {  	s1 =	srdreg.scid  }
0x8b: {  	s0 =	sand.u32 $0x1, s1  }
0x8c: {  	s16 =	sshll.u32 s0, $0xA;
	s2 =	sadd.s32 s3, s2  }
0x8d: {  	s2 =	sadd.s32 s2, s16  }
0x8e: {  	[smem:$0x3FC0] =	sst s2  }
0x8f: {  	_ = 	snop  }
0x90: {  	(tm) =	ssettm $0x1  }
0x91: {  	s17 =	sld [smem:$0x3FFB];
	_ =	sdelay $0x3  }
0x92: {  	_ =	strace s17  }
0x93: {  	s2 =	sld [smem:$0x3FFC];
	_ =	sdelay $0x3  }
0x94: {  	_ =	strace s2  }
0x95: {  	s2 =	sld [smem:$0x3FFD];
	_ =	sdelay $0x3  }
0x96: {  	_ =	strace s2  }
0x97: {  	_ =	strace $0x8FFFFFFF  }
0x98: {  	s18 =	sld [smem:$0x3FDB];
	_ =	sdelay $0x1  }
0x99: {  	s19 =	simm.s32 $_scs_section_size  }
0x9a: {  	s4 =	simm.s32 $_size__tile_overlayer_lowered;
	s5 =	simm.s32 $_tile_overlayer_lowered  }
0x9b: {  	s22 =	simm.s32 $0x1BFF;
	s21 =	sshll.u32 s5, $0x1;
	s2 =	sadd.s32 s19, s18  }
0x9c: {  	s6 =	simm.s32 $0x0;
	s20 =	sshll.u32 s4, $0x1;
	s4 =	sadd.s32 s21, s2  }
0x9d: {  	[timem:s6], [sflag:s22] =	dma.local [hbm:s4], s20  }
0x9e: {  	_ =	swait.ge [sflag:s22], s20  }
0x9f: {  	s3 =	ssub.s32 $0x0, s20;
	[sflag:s22] =	ssyncset.done $0x0  }
0xa0: {  	[sflag:s22] =	ssyncadd.s32 s3;
	_ =	sdelay $0x1  }
0xa1: {  	s23 =	simm.s32 $0x1B8B  }
0xa2: {  	_ =	swait.ge [sflag:s23], $0x1  }
0xa3: {  	[sflag:s23] =	ssyncset.done $0x0  }
0xa4: {  	s25 =	simm.s32 $0x1B8E;
	s24 =	sld [smem:$0x3FFE];
	[sflag:s23] =	ssyncadd.s32 $0xFFFFFFFF  }
0xa5: {  	s26 =	simm.s32 $execute0_lowered;
	[smem:$0x3FD2] =	sst s25  }
0xa6: {  	s4 =	sshll.u32 s26, $0x1;
	_ =	strace $0x8000004C;
	[dreg:$0x1] =	wrdreg $0xFFFFFFFF  }
0xa7: {  	s28 =	simm.s32 $_size_execute0_lowered;
	s2 =	sadd.s32 s2, s4;
	[dreg:$0x0] =	wrdreg $0x0  }
0xa8: {  	s4 =	sshll.u32 s28, $0x1;
	[dreg:$0x2] =	wrdreg s2  }
0xa9: {  	[dreg:$0x3] =	wrdreg s4  }
0xaa: {  	[dreg:$0x4] =	wrdreg $0xC0  }
0xab: {  	_ =	task [dreg:s6], $0x5FFFF  }
0xac: {  	[dreg:$0x1] =	wrdreg $0xFFFFFFFF  }
0xad: {  	[dreg:$0x0] =	wrdreg $0x60  }
0xae: {  	[dreg:$0x2] =	wrdreg s24  }
0xaf: {  	[dreg:$0x3] =	wrdreg $0x9E000  }
0xb0: {  	[dreg:$0x4] =	wrdreg $0x9  }
0xb1: {  	_ =	task.clear_ibuf [dreg:s6], $0x5FFFF;
	_ =	strace $0x9000004C  }
0xb2: {  	s29 =	simm.s32 $0x9;
	_ =	strace $0x8000004E  }
0xb3: {  	_ =	swait.ge [sflag:s29], $0x1  }
0xb4: {  	[sflag:s29] =	ssyncadd.s32 $0xFFFFFFFF  }
0xb5: {  	_ =	strace $0x9000004E  }
0xb6: {  	_ =	sfence  }
0xb7: {  	s30 =	sld [smem:$0x0];
	_ =	sdelay $0x2  }
0xb8: {  	s31 =	sshll.u32 s1, $0xD;
	s1 =	sshrl.u32 s1, $0x2  }
0xb9: {  	s3 =	sand.u32 $0x4000, s31;
	s1 =	sadd.s32 s1, s30  }
0xba: {  	s0 =	sor.u32 s3, s0;
	s1 =	sshll.u32 s1, $0x11  }
0xbb: {  	s0 =	sor.u32 s1, s0  }
0xbc: {  	s0 =	sadd.s32 $0x8F2B, s0  }
0xbd: {  	[sflag:s0] =	ssyncadd.remote.s32 $0x1  }
0xbe: {  	_ =	sfence.sel $0xFFFF  }
0xbf: {  	[dreg:$0x0] =	wrdreg $0xFFFFFFFF;
	(pc) =	sbr.abs _section_cstart, $3  }
0xc0: {  	[dreg:$0x1] =	wrdreg $0xFFFFFFFF  }
0xc1: {  	_ =	task.clear_ibuf [dreg:s6], $0x2FFFF;
	_ =	strace $0x9FFFFFFF  }
0xc2: {  	(tm) =	ssettm $0x7FFFFFFF  }
0xc3: {  	_ =	shalt  }
tec
execute0_lowered:
.L_overlay_start_1:
0x0: {  	(tag) =	ssettag $0x1  }
0x1: {  	s5 =	rddreg [dreg:$0x0]  }
0x2: {  	s1 =	rddreg [dreg:$0x1]  }
0x3: {  	s2 =	srdreg.scid;
	s0 =	rddreg [dreg:$0x2]  }
0x4: {  	s3 =	simm.s32 $0x0;
	s11 =	simm.s32 $0x60;
	s12 =	simm.s32 $0x3800  }
0x5: {  	s13 =	simm.s32 $0x3A00;
	s14 =	simm.s32 $0x3880;
	s15 =	simm.s32 $0x6A00  }
0x6: {  	s16 =	simm.s32 $0x1;
	s17 =	simm.s32 $0x3900;
	s18 =	simm.s32 $0x2  }
0x7: {  	s19 =	simm.s32 $0x3980;
	s6 =	sand.u32 $0x1, s2;
	s2 =	stileid.u32  }
0x8: {  	s22 =	simm.s32 $0x0;
	[smem:$0x7FF] =	sst s3;
	s7 =	smul.u32 $0x140000, s6  }
0x9: {  	s4 =	sshll.u32 s2, $0x1;
	s8 =	smul.u32 $0x14000, s2;
	_ =	strace $0x8000004D  }
0xa: {  	s29 =	smul.u32 $0x50000, s2;
	s20 =	sshll.u32 s2, $0x6;
	s9 =	sor.u32 s6, s4  }
0xb: {  	s4 =	sadd.s32 $0x6B000, s5;
	s6 =	ssub.s32 $0x2, s6;
	s20 =	sor.u32 $0x1C03, s20  }
0xc: {  	s9 =	smul.u32 $0x700, s9;
	s7 =	sadd.s32 s8, s7;
	s30 =	sshrl.u32 s6, $0x1  }
0xd: {  	s31 =	sshrl.u32 s29, $0x2;
	s7 =	sshrl.u32 s7, $0x3;
	s10 =	ssub.s32 s6, s30  }
0xe: {  	s6 =	sadd.s32 s31, s1;
	s9 =	sadd.s32 s9, s5;
	s7 =	sadd.s32 s7, s5  }
0xf: {  	s8 =	smax.u32 s10, $0x1;
	s10 =	simm.s32 $0x9A00;
	s21 =	sshrl.u32 s6, $0x3  }
0x10: {  	v0 =	vimm.f32 $0.0e+00;
	s5 =	sadd.s32 $0x5D000, s9;
	s7 =	sadd.s32 $0x92200, s7;
	s9 =	simm.s32 $0x3  }
.LBB2_1:
0x11: {  	[tilespmem:s3], [sflag:$0x3] =	stream.linear.gather [hbm4b:s5+s3], $0x3500, $0x38;
	[tilespmem:$0x1DE00] =	vst v63  }
0x12: {  	_ =	swait.ge [sflag:s9], $0x3500  }
0x13: {  	[sflag:s9] =	ssyncset.done $0x0  }
0x14: {  	[sflag:s9] =	ssyncadd.s32 $0xFFFFCB00  }
0x15: {  	[tilespmem:$0x9A00] =	vst v0  }
0x16: {  	[tilespmem:$0x9A10] =	vst v0  }
0x17: {  	[tilespmem:$0x9A20] =	vst v0  }
0x18: {  	[tilespmem:$0x9A30] =	vst v0  }
0x19: {  	[tilespmem:$0x9A40] =	vst v0  }
0x1a: {  	[tilespmem:$0x9A50] =	vst v0  }
0x1b: {  	[tilespmem:$0x9A60] =	vst v0  }
0x1c: {  	[tilespmem:$0x9A70] =	vst v0  }
0x1d: {  	[tilespmem:$0x9A80] =	vst v0  }
0x1e: {  	[tilespmem:$0x9A90] =	vst v0  }
0x1f: {  	[tilespmem:$0x9AA0] =	vst v0  }
0x20: {  	[tilespmem:$0x9AB0] =	vst v0  }
0x21: {  	[tilespmem:$0x9AC0] =	vst v0  }
0x22: {  	[tilespmem:$0x9AD0] =	vst v0  }
0x23: {  	[tilespmem:$0x9AE0] =	vst v0  }
0x24: {  	[tilespmem:$0x9AF0] =	vst v0  }
0x25: {  	[tilespmem:$0x9B00] =	vst v0  }
0x26: {  	[tilespmem:$0x9B10] =	vst v0  }
0x27: {  	[tilespmem:$0x9B20] =	vst v0  }
0x28: {  	[tilespmem:$0x9B30] =	vst v0  }
0x29: {  	[tilespmem:$0x9B40] =	vst v0  }
0x2a: {  	[tilespmem:$0x9B50] =	vst v0  }
0x2b: {  	[tilespmem:$0x9B60] =	vst v0  }
0x2c: {  	[tilespmem:$0x9B70] =	vst v0  }
0x2d: {  	[tilespmem:$0x9B80] =	vst v0  }
0x2e: {  	[tilespmem:$0x9B90] =	vst v0  }
0x2f: {  	[tilespmem:$0x9BA0] =	vst v0  }
0x30: {  	[tilespmem:$0x9BB0] =	vst v0  }
0x31: {  	[tilespmem:$0x9BC0] =	vst v0  }
0x32: {  	[tilespmem:$0x9BD0] =	vst v0  }
0x33: {  	[tilespmem:$0x9BE0] =	vst v0  }
0x34: {  	[tilespmem:$0x9BF0] =	vst v0  }
0x35: {  	[tilespmem:$0x9C00] =	vst v0  }
0x36: {  	[tilespmem:$0x9C10] =	vst v0  }
0x37: {  	[tilespmem:$0x9C20] =	vst v0  }
0x38: {  	[tilespmem:$0x9C30] =	vst v0  }
0x39: {  	[tilespmem:$0x9C40] =	vst v0  }
0x3a: {  	[tilespmem:$0x9C50] =	vst v0  }
0x3b: {  	[tilespmem:$0x9C60] =	vst v0  }
0x3c: {  	[tilespmem:$0x9C70] =	vst v0  }
0x3d: {  	[tilespmem:$0x9C80] =	vst v0  }
0x3e: {  	[tilespmem:$0x9C90] =	vst v0  }
0x3f: {  	[tilespmem:$0x9CA0] =	vst v0  }
0x40: {  	[tilespmem:$0x9CB0] =	vst v0  }
0x41: {  	[tilespmem:$0x9CC0] =	vst v0  }
0x42: {  	[tilespmem:$0x9CD0] =	vst v0  }
0x43: {  	[tilespmem:$0x9CE0] =	vst v0  }
0x44: {  	[tilespmem:$0x9CF0] =	vst v0  }
0x45: {  	[tilespmem:$0x9D00] =	vst v0  }
0x46: {  	[tilespmem:$0x9D10] =	vst v0  }
0x47: {  	[tilespmem:$0x9D20] =	vst v0  }
0x48: {  	[tilespmem:$0x9D30] =	vst v0  }
0x49: {  	[tilespmem:$0x9D40] =	vst v0  }
0x4a: {  	[tilespmem:$0x9D50] =	vst v0  }
0x4b: {  	[tilespmem:$0x9D60] =	vst v0  }
0x4c: {  	[tilespmem:$0x9D70] =	vst v0  }
0x4d: {  	[tilespmem:$0x9D80] =	vst v0  }
0x4e: {  	[tilespmem:$0x9D90] =	vst v0  }
0x4f: {  	[tilespmem:$0x9DA0] =	vst v0  }
0x50: {  	[tilespmem:$0x9DB0] =	vst v0  }
0x51: {  	[tilespmem:$0x9DC0] =	vst v0  }
0x52: {  	[tilespmem:$0x9DD0] =	vst v0  }
0x53: {  	[tilespmem:$0x9DE0] =	vst v0  }
0x54: {  	s23 =	sadd.s32 $0x0, s6;
	[tilespmem:$0x9DF0] =	vst v0  }
0x55: {  	[spmem:s23] =	stream.linear.scatter [tilespmem:s10], [sflag:$0x3], $0x400, $0x38;
	[tilespmem:$0x1DE00] =	vst v63  }
0x56: {  	s23 =	simm.s32 $0x1000;
	_ =	swait.ge [sflag:s9], $0x400  }
.LBB2_2:
0x57: {  	s24 =	sshra.s32 s23, $0x2;
	[sflag:s9] =	ssyncset.done $0x0;
	p0 =	sne.s32 s23, $0x4F000  }
.Ltmp0:
0x58: {  	s24 =	sadd.s32 s24, s6;
	[sflag:s9] =	ssyncadd.s32 $0xFFFFFC00;
	(pc) =	sbr.rel @p0 .LBB2_2-.Ltmp0, $3  }
0x59: {  	[spmem:s24] =	stream.linear.scatter [tilespmem:s10], [sflag:$0x3], $0x400, $0x38;
	[tilespmem:$0x1DE00] =	vst v63  }
0x5a: {  	s23 =	sadd.s32 $0x1000, s23;
	_ =	sdelay $0x1  }
0x5b: {  	_ =	swait.ge [sflag:s9], $0x400  }
0x5c: {  	[sflag:s9] =	ssyncset.done $0x0  }
0x5d: {  	[sflag:s9] =	ssyncadd.s32 $0xFFFFFC00  }
0x5e: {  	[bflag:$0x0] =	sbarrier.arrive $0xFFFF  }
0x5f: {  	v1 =	vld [tilespmem:$0x0];
	_ =	sdelay $0x1  }
0x60: {  	v2 =	vld [tilespmem:$0x10];
	_ =	sdelay $0x1  }
0x61: {  	v3 =	vld [tilespmem:$0x20]  }
0x62: {  	v4 =	vshrl.u32 v1, $0xE  }
0x63: {  	v61 =	vld [tilespmem:$0x30];
	v1 =	vand.u32 $0x3FFF, v1;
	[tilespmem:$0x3800] =	vst v4  }
0x64: {  	[tilespmem:$0x3900] =	vst v1;
	v1 =	vshrl.u32 v2, $0xE  }
0x65: {  	[tilespmem:$0x3810] =	vst v1;
	v1 =	vand.u32 $0x3FFF, v2;
	v2 =	vld [tilespmem:$0x40]  }
0x66: {  	[tilespmem:$0x3910] =	vst v1;
	v1 =	vshrl.u32 v3, $0xE  }
0x67: {  	[tilespmem:$0x3820] =	vst v1;
	v1 =	vand.u32 $0x3FFF, v3;
	v3 =	vld [tilespmem:$0x50]  }
0x68: {  	[tilespmem:$0x3920] =	vst v1;
	v1 =	vshrl.u32 v61, $0xE  }
0x69: {  	[tilespmem:$0x3830] =	vst v1;
	v1 =	vand.u32 $0x3FFF, v61  }
0x6a: {  	[tilespmem:$0x3930] =	vst v1;
	v1 =	vshrl.u32 v2, $0xE  }
0x6b: {  	[tilespmem:$0x3840] =	vst v1;
	v1 =	vand.u32 $0x3FFF, v2  }
0x6c: {  	[tilespmem:$0x3940] =	vst v1;
	v1 =	vshrl.u32 v3, $0xE  }
0x6d: {  	[tilespmem:$0x3850] =	vst v1;
	v1 =	vand.u32 $0x3FFF, v3  }
0x6e: {  	[tilespmem:$0x3950] =	vst v1  }
0x6f: {  	[tilespmem:s13], [sflag:$0x1] =	stream.indirect.gather [hbm4b:s4+s11], $0x80, s12, s11, $0xb8;
	[tilespmem:$0x1DE00] =	vst v63  }
0x70: {  	v1 =	vld [tilespmem:$0x80];
	_ =	sdelay $0x1  }
0x71: {  	v2 =	vld [tilespmem:$0x90];
	_ =	sdelay $0x1  }
0x72: {  	v3 =	vld [tilespmem:$0xA0]  }
0x73: {  	v62 =	vshrl.u32 v1, $0xE  }
0x74: {  	v63 =	vld [tilespmem:$0xB0];
	v1 =	vand.u32 $0x3FFF, v1;
	[tilespmem:$0x3880] =	vst v62  }
0x75: {  	[tilespmem:$0x3980] =	vst v1;
	v1 =	vshrl.u32 v2, $0xE  }
0x76: {  	[tilespmem:$0x3890] =	vst v1;
	v1 =	vand.u32 $0x3FFF, v2;
	v2 =	vld [tilespmem:$0xC0]  }
0x77: {  	[tilespmem:$0x3990] =	vst v1;
	v1 =	vshrl.u32 v3, $0xE  }
0x78: {  	[tilespmem:$0x38A0] =	vst v1;
	v1 =	vand.u32 $0x3FFF, v3;
	v3 =	vld [tilespmem:$0xD0]  }
0x79: {  	[tilespmem:$0x39A0] =	vst v1;
	v1 =	vshrl.u32 v63, $0xE  }
0x7a: {  	[tilespmem:$0x38B0] =	vst v1;
	v1 =	vand.u32 $0x3FFF, v63  }
0x7b: {  	[tilespmem:$0x39B0] =	vst v1;
	v1 =	vshrl.u32 v2, $0xE  }
0x7c: {  	[tilespmem:$0x38C0] =	vst v1;
	v1 =	vand.u32 $0x3FFF, v2  }
0x7d: {  	[tilespmem:$0x39C0] =	vst v1;
	v1 =	vshrl.u32 v3, $0xE  }
0x7e: {  	[tilespmem:$0x38D0] =	vst v1;
	v1 =	vand.u32 $0x3FFF, v3  }
0x7f: {  	[tilespmem:$0x39D0] =	vst v1  }
0x80: {  	[tilespmem:s15], [sflag:$0x2] =	stream.indirect.gather [hbm4b:s4+s11], $0x80, s14, s11, $0xb8;
	[tilespmem:$0x1DE00] =	vst v63  }
0x81: {  	_ =	swait.ge [sflag:s16], $0x3000  }
0x82: {  	[sflag:s16] =	ssyncset.done $0x0  }
0x83: {  	[sflag:s16] =	ssyncadd.s32 $0xFFFFD000  }
0x84: {  	[spmem:s1] =	stream.indirect.scatter.add.f32 [tilespmem:s13], [sflag:$0x3], $0x80, s17, s11, $0xb8;
	[tilespmem:$0x1DE00] =	vst v63  }
0x85: {  	_ =	swait.ge [sflag:s9], $0x3000  }
0x86: {  	[sflag:s9] =	ssyncset.done $0x0  }
0x87: {  	s23 =	simm.s32 $0x1D0;
	[sflag:s9] =	ssyncadd.s32 $0xFFFFD000  }
0x88: {  	v1 =	vld [tilespmem:s23+$0xFFFFFF30];
	_ =	sdelay $0x4  }
0x89: {  	v2 =	vshrl.u32 v1, $0xE  }
0x8a: {  	v1 =	vand.u32 $0x3FFF, v1;
	[tilespmem:$0x3800] =	vst v2  }
0x8b: {  	[tilespmem:$0x3900] =	vst v1  }
0x8c: {  	v1 =	vld [tilespmem:s23+$0xFFFFFF40];
	_ =	sdelay $0x4  }
0x8d: {  	v2 =	vshrl.u32 v1, $0xE  }
0x8e: {  	v1 =	vand.u32 $0x3FFF, v1;
	[tilespmem:$0x3810] =	vst v2  }
0x8f: {  	[tilespmem:$0x3910] =	vst v1  }
0x90: {  	v1 =	vld [tilespmem:s23+$0xFFFFFF50];
	_ =	sdelay $0x4  }
0x91: {  	v2 =	vshrl.u32 v1, $0xE  }
0x92: {  	v1 =	vand.u32 $0x3FFF, v1;
	[tilespmem:$0x3820] =	vst v2  }
0x93: {  	[tilespmem:$0x3920] =	vst v1  }
0x94: {  	v1 =	vld [tilespmem:s23+$0xFFFFFF60];
	_ =	sdelay $0x4  }
0x95: {  	v2 =	vshrl.u32 v1, $0xE  }
0x96: {  	v1 =	vand.u32 $0x3FFF, v1;
	[tilespmem:$0x3830] =	vst v2  }
0x97: {  	[tilespmem:$0x3930] =	vst v1  }
0x98: {  	v1 =	vld [tilespmem:s23+$0xFFFFFF70];
	_ =	sdelay $0x4  }
0x99: {  	v2 =	vshrl.u32 v1, $0xE  }
0x9a: {  	v1 =	vand.u32 $0x3FFF, v1;
	[tilespmem:$0x3840] =	vst v2  }
0x9b: {  	[tilespmem:$0x3940] =	vst v1  }
0x9c: {  	v1 =	vld [tilespmem:s23+$0xFFFFFF80];
	_ =	sdelay $0x4  }
0x9d: {  	v2 =	vshrl.u32 v1, $0xE  }
0x9e: {  	v1 =	vand.u32 $0x3FFF, v1;
	[tilespmem:$0x3850] =	vst v2  }
0x9f: {  	[tilespmem:$0x3950] =	vst v1  }
0xa0: {  	[tilespmem:s13], [sflag:$0x1] =	stream.indirect.gather [hbm4b:s4+s11], $0x80, s12, s11, $0xb8;
	[tilespmem:$0x1DE00] =	vst v63  }
0xa1: {  	_ =	swait.ge [sflag:s18], $0x3000  }
0xa2: {  	[sflag:s18] =	ssyncset.done $0x0  }
0xa3: {  	[sflag:s18] =	ssyncadd.s32 $0xFFFFD000  }
0xa4: {  	[spmem:s1] =	stream.indirect.scatter.add.f32 [tilespmem:s15], [sflag:$0x3], $0x80, s19, s11, $0xb8;
	[tilespmem:$0x1DE00] =	vst v63  }
0xa5: {  	_ =	swait.ge [sflag:s9], $0x3000  }
0xa6: {  	[sflag:s9] =	ssyncset.done $0x0  }
0xa7: {  	[sflag:s9] =	ssyncadd.s32 $0xFFFFD000  }
0xa8: {  	v1 =	vld [tilespmem:s23+$0xFFFFFFB0];
	_ =	sdelay $0x4  }
0xa9: {  	v2 =	vshrl.u32 v1, $0xE  }
0xaa: {  	v1 =	vand.u32 $0x3FFF, v1;
	[tilespmem:$0x3880] =	vst v2  }
0xab: {  	[tilespmem:$0x3980] =	vst v1  }
0xac: {  	v1 =	vld [tilespmem:s23+$0xFFFFFFC0];
	_ =	sdelay $0x4  }
0xad: {  	v2 =	vshrl.u32 v1, $0xE  }
0xae: {  	v1 =	vand.u32 $0x3FFF, v1;
	[tilespmem:$0x3890] =	vst v2  }
0xaf: {  	[tilespmem:$0x3990] =	vst v1  }
0xb0: {  	v1 =	vld [tilespmem:s23+$0xFFFFFFD0];
	_ =	sdelay $0x4  }
0xb1: {  	v2 =	vshrl.u32 v1, $0xE  }
0xb2: {  	v1 =	vand.u32 $0x3FFF, v1;
	[tilespmem:$0x38A0] =	vst v2  }
0xb3: {  	[tilespmem:$0x39A0] =	vst v1  }
0xb4: {  	v1 =	vld [tilespmem:s23+$0xFFFFFFE0];
	_ =	sdelay $0x4  }
0xb5: {  	v2 =	vshrl.u32 v1, $0xE  }
0xb6: {  	v1 =	vand.u32 $0x3FFF, v1;
	[tilespmem:$0x38B0] =	vst v2  }
0xb7: {  	[tilespmem:$0x39B0] =	vst v1  }
0xb8: {  	s24 =	simm.s32 $0xB40;
	v1 =	vld [tilespmem:s23+$0xFFFFFFF0]  }
.LBB2_4:
0xb9: {  	_ =	sdelay $0x2  }
0xba: {  	p0 =	sne.s32 s24, $0xD340;
	s25 =	smov.u32 s24;
	s24 =	sadd.s32 $0x400, s24  }
0xbb: {  	v2 =	vshrl.u32 v1, $0xE;
	v1 =	vand.u32 $0x3FFF, v1  }
0xbc: {  	[tilespmem:$0x38C0] =	vst v2  }
0xbd: {  	[tilespmem:$0x39C0] =	vst v1  }
0xbe: {  	v1 =	vld [tilespmem:s23+$0x0];
	_ =	sdelay $0x4  }
0xbf: {  	v2 =	vshrl.u32 v1, $0xE;
	v1 =	vand.u32 $0x3FFF, v1  }
0xc0: {  	[tilespmem:$0x38D0] =	vst v2  }
0xc1: {  	[tilespmem:$0x39D0] =	vst v1  }
0xc2: {  	[tilespmem:s15], [sflag:$0x2] =	stream.indirect.gather [hbm4b:s4+s11], $0x80, s14, s11, $0xb8;
	[tilespmem:$0x1DE00] =	vst v63  }
0xc3: {  	_ =	swait.ge [sflag:s16], $0x3000  }
0xc4: {  	[sflag:s16] =	ssyncset.done $0x0  }
0xc5: {  	[sflag:s16] =	ssyncadd.s32 $0xFFFFD000  }
0xc6: {  	[spmem:s1] =	stream.indirect.scatter.add.f32 [tilespmem:s13], [sflag:$0x3], $0x80, s17, s11, $0xb8;
	[tilespmem:$0x1DE00] =	vst v63  }
0xc7: {  	_ =	swait.ge [sflag:s9], $0x3000  }
0xc8: {  	[sflag:s9] =	ssyncset.done $0x0  }
0xc9: {  	s23 =	sshra.s32 s25, $0x2;
	[sflag:s9] =	ssyncadd.s32 $0xFFFFD000  }
0xca: {  	v1 =	vld [tilespmem:s23+$0xFFFFFF30];
	_ =	sdelay $0x4  }
0xcb: {  	v2 =	vshrl.u32 v1, $0xE;
	v1 =	vand.u32 $0x3FFF, v1  }
0xcc: {  	[tilespmem:$0x3800] =	vst v2  }
0xcd: {  	[tilespmem:$0x3900] =	vst v1  }
0xce: {  	v1 =	vld [tilespmem:s23+$0xFFFFFF40];
	_ =	sdelay $0x4  }
0xcf: {  	v2 =	vshrl.u32 v1, $0xE;
	v1 =	vand.u32 $0x3FFF, v1  }
0xd0: {  	[tilespmem:$0x3810] =	vst v2  }
0xd1: {  	[tilespmem:$0x3910] =	vst v1  }
0xd2: {  	v1 =	vld [tilespmem:s23+$0xFFFFFF50];
	_ =	sdelay $0x4  }
0xd3: {  	v2 =	vshrl.u32 v1, $0xE;
	v1 =	vand.u32 $0x3FFF, v1  }
0xd4: {  	[tilespmem:$0x3820] =	vst v2  }
0xd5: {  	[tilespmem:$0x3920] =	vst v1  }
0xd6: {  	v1 =	vld [tilespmem:s23+$0xFFFFFF60];
	_ =	sdelay $0x4  }
0xd7: {  	v2 =	vshrl.u32 v1, $0xE;
	v1 =	vand.u32 $0x3FFF, v1  }
0xd8: {  	[tilespmem:$0x3830] =	vst v2  }
0xd9: {  	[tilespmem:$0x3930] =	vst v1  }
0xda: {  	v1 =	vld [tilespmem:s23+$0xFFFFFF70];
	_ =	sdelay $0x4  }
0xdb: {  	v2 =	vshrl.u32 v1, $0xE;
	v1 =	vand.u32 $0x3FFF, v1  }
0xdc: {  	[tilespmem:$0x3840] =	vst v2  }
0xdd: {  	[tilespmem:$0x3940] =	vst v1  }
0xde: {  	v1 =	vld [tilespmem:s23+$0xFFFFFF80];
	_ =	sdelay $0x4  }
0xdf: {  	v2 =	vshrl.u32 v1, $0xE;
	v1 =	vand.u32 $0x3FFF, v1  }
0xe0: {  	[tilespmem:$0x3850] =	vst v2  }
0xe1: {  	[tilespmem:$0x3950] =	vst v1  }
0xe2: {  	[tilespmem:s13], [sflag:$0x1] =	stream.indirect.gather [hbm4b:s4+s11], $0x80, s12, s11, $0xb8;
	[tilespmem:$0x1DE00] =	vst v63  }
0xe3: {  	_ =	swait.ge [sflag:s18], $0x3000  }
0xe4: {  	[sflag:s18] =	ssyncset.done $0x0  }
0xe5: {  	[sflag:s18] =	ssyncadd.s32 $0xFFFFD000  }
0xe6: {  	[spmem:s1] =	stream.indirect.scatter.add.f32 [tilespmem:s15], [sflag:$0x3], $0x80, s19, s11, $0xb8;
	[tilespmem:$0x1DE00] =	vst v63  }
0xe7: {  	_ =	swait.ge [sflag:s9], $0x3000  }
0xe8: {  	[sflag:s9] =	ssyncset.done $0x0  }
0xe9: {  	[sflag:s9] =	ssyncadd.s32 $0xFFFFD000  }
0xea: {  	v1 =	vld [tilespmem:s23+$0xFFFFFFB0];
	_ =	sdelay $0x4  }
0xeb: {  	v2 =	vshrl.u32 v1, $0xE;
	v1 =	vand.u32 $0x3FFF, v1  }
0xec: {  	[tilespmem:$0x3880] =	vst v2  }
0xed: {  	[tilespmem:$0x3980] =	vst v1  }
0xee: {  	v1 =	vld [tilespmem:s23+$0xFFFFFFC0];
	_ =	sdelay $0x4  }
0xef: {  	v2 =	vshrl.u32 v1, $0xE;
	v1 =	vand.u32 $0x3FFF, v1  }
0xf0: {  	[tilespmem:$0x3890] =	vst v2  }
0xf1: {  	[tilespmem:$0x3990] =	vst v1  }
0xf2: {  	v1 =	vld [tilespmem:s23+$0xFFFFFFD0];
	_ =	sdelay $0x4  }
0xf3: {  	v2 =	vshrl.u32 v1, $0xE;
	v1 =	vand.u32 $0x3FFF, v1  }
0xf4: {  	[tilespmem:$0x38A0] =	vst v2  }
0xf5: {  	[tilespmem:$0x39A0] =	vst v1  }
0xf6: {  	v1 =	vld [tilespmem:s23+$0xFFFFFFE0];
	_ =	sdelay $0x3  }
.Ltmp1:
0xf7: {  	(pc) =	sbr.rel @p0 .LBB2_4-.Ltmp1, $4  }
0xf8: {  	v2 =	vshrl.u32 v1, $0xE;
	v1 =	vand.u32 $0x3FFF, v1  }
0xf9: {  	[tilespmem:$0x38B0] =	vst v2  }
0xfa: {  	[tilespmem:$0x39B0] =	vst v1  }
0xfb: {  	v1 =	vld [tilespmem:s23+$0xFFFFFFF0]  }
0xfc: {  	_ =	sdelay $0x3  }
0xfd: {  	v2 =	vshrl.u32 v1, $0xE  }
0xfe: {  	v1 =	vand.u32 $0x3FFF, v1;
	[tilespmem:$0x38C0] =	vst v2  }
0xff: {  	[tilespmem:$0x39C0] =	vst v1  }
0x100: {  	v1 =	vld [tilespmem:s23+$0x0];
	_ =	sdelay $0x4  }
0x101: {  	v2 =	vshrl.u32 v1, $0xE  }
0x102: {  	v1 =	vand.u32 $0x3FFF, v1;
	[tilespmem:$0x38D0] =	vst v2  }
0x103: {  	[tilespmem:$0x39D0] =	vst v1  }
0x104: {  	[tilespmem:s15], [sflag:$0x2] =	stream.indirect.gather [hbm4b:s4+s11], $0x80, s14, s11, $0xb8;
	[tilespmem:$0x1DE00] =	vst v63  }
0x105: {  	_ =	swait.ge [sflag:s16], $0x3000  }
0x106: {  	[sflag:s16] =	ssyncset.done $0x0  }
0x107: {  	[sflag:s16] =	ssyncadd.s32 $0xFFFFD000  }
0x108: {  	[spmem:s1] =	stream.indirect.scatter.add.f32 [tilespmem:s13], [sflag:$0x3], $0x80, s17, s11, $0xb8;
	[tilespmem:$0x1DE00] =	vst v63  }
0x109: {  	_ =	swait.ge [sflag:s9], $0x3000  }
0x10a: {  	[sflag:s9] =	ssyncset.done $0x0  }
0x10b: {  	[sflag:s9] =	ssyncadd.s32 $0xFFFFD000  }
0x10c: {  	_ =	swait.ge [sflag:s18], $0x3000  }
0x10d: {  	[sflag:s18] =	ssyncset.done $0x0  }
0x10e: {  	[sflag:s18] =	ssyncadd.s32 $0xFFFFD000  }
0x10f: {  	[spmem:s1] =	stream.indirect.scatter.add.f32 [tilespmem:s15], [sflag:$0x3], $0x80, s19, s11, $0xb8;
	[tilespmem:$0x1DE00] =	vst v63  }
0x110: {  	_ =	swait.ge [sflag:s9], $0x3000  }
0x111: {  	s22 =	sadd.s32 $0x1, s22;
	[sflag:s9] =	ssyncset.done $0x0  }
0x112: {  	p0 =	sne.s32 s22, s8;
	[sflag:s9] =	ssyncadd.s32 $0xFFFFD000  }
.Ltmp2:
0x113: {  	[bflag:$0x0] =	sbarrier.arrive $0xFFFF;
	(pc) =	sbr.rel @p0 .LBB2_1-.Ltmp2, $4  }
0x114: {  	[hbm:s7], [sflag:s20] =	dma.local [spmem:s21], $0x2800  }
0x115: {  	_ =	swait.ge [sflag:s9], $0x2800  }
0x116: {  	[sflag:s9] =	ssyncset.done $0x0  }
0x117: {  	[sflag:s9] =	ssyncadd.s32 $0xFFFFD800  }
0x118: {  	_ =	sfence.sel $0x180000  }
0x119: {  	[bflag:$0x0] =	sbarrier.arrive $0xFFFF  }
0x11a: {  	p0 =	sne.s32 s2, $0x0;
	_ =	strace $0x9000004D  }
0x11b: {  	s0 =	sadd.s32 @!p0 $0x100000, s0;
	[bflag:$0x2] =	sbarrier.arrive $0xFFFF  }
0x11c: {  	[sflag:s0] =	ssyncadd.tile.s32 @!p0 $0x1;
	_ =	shalt  }
.Lfunc_end2:
_tile_overlayer_lowered:
.L_overlay_start_2:
0x11d: {  	(tag) =	ssettag $0x2  }
0x11e: {  	s0 =	rddreg [dreg:$0x0];
	s2 =	stileid.u32  }
0x11f: {  	s1 =	rddreg [dreg:$0x1];
	p0 =	sne.s32 s2, $0x0  }
0x120: {  	s3 =	rddreg [dreg:$0x2];
	[bflag:$0x3] =	sbarrier.arrive $0xFFFF;
	s2 =	simm.s32 @!p0 $0x1C03  }
0x121: {  	[timem:s3], [sflag:s2] =	dma.local @!p0 [hbm:s0], s1  }
0x122: {  	s0 =	simm.s32 @!p0 $0x3  }
0x123: {  	_ =	swait.ge @!p0 [sflag:s0], s1  }
0x124: {  	s1 =	ssub.s32 @!p0 $0x0, s1;
	[sflag:s0] =	ssyncset.done @!p0 $0x0  }
0x125: {  	[sflag:s0] =	ssyncadd.s32 @!p0 s1  }
0x126: {  	[bflag:$0x3] =	sbarrier.arrive $0xFFFF  }
0x127: {  	_ =	shalt  }

// kernel: kernel.9.cloned.1.call-start
scs
__scs_entry_jumppad:
0x0: {  	(pc) =	sbr.rel $0x88, $3  }
0x1: {  	(tag) =	ssettag $0x0;
	lr =	simm.s32 $0x1  }
0x2: {  	[smem:$0x3F99] =	sst lr;
	_ =	strace $0xD0000000  }
0x3: {  	_ = 	snop  }
0x4: {  	_ = 	snop  }
0x5: {  	_ = 	snop  }
0x6: {  	_ = 	snop  }
0x7: {  	_ = 	snop  }
__scs_overlays_trampoline_lowered:
0x8: {  	[smem:$0x3FA8] =	sst s0  }
0x9: {  	[smem:$0x3FA9] =	sst s1  }
0xa: {  	[smem:$0x3FAA] =	sst s2  }
0xb: {  	[smem:$0x3FAB] =	sst s3  }
0xc: {  	[smem:$0x3FAC] =	sst s4  }
0xd: {  	[smem:$0x3FAD] =	sst s5  }
0xe: {  	[smem:$0x3FAE] =	sst s6  }
0xf: {  	[smem:$0x3FAF] =	sst s7  }
0x10: {  	[smem:$0x3FB0] =	sst s8  }
0x11: {  	[smem:$0x3FB1] =	sst s9;
	s0 =	simm.s32 @!p0 $0x0  }
0x12: {  	s1 =	sld [smem:$0x3F97];
	s0 =	simm.s32 @p0 $0x1  }
0x13: {  	[smem:$0x3FB2] =	sst s0;
	s0 =	simm.s32 @!p1 $0x0  }
0x14: {  	s2 =	sld [smem:$0x3F96];
	s0 =	simm.s32 @p1 $0x1  }
0x15: {  	[smem:$0x3FB3] =	sst s0;
	s0 =	simm.s32 @!p2 $0x0  }
0x16: {  	s3 =	sld [smem:$0x3FDB];
	s0 =	simm.s32 @p2 $0x1  }
0x17: {  	s4 =	simm.s32 $0x1BF5;
	[smem:$0x3FB5] =	sst s0  }
0x18: {  	s0 =	sld [smem:$0x3F98];
	_ =	swait.ge [sflag:s4], $0x0  }
0x19: {  	s7 =	sld [smem:$0x3F99]  }
0x1a: {  	s8 =	sadd.s32 $0xFFFFE003, lr  }
0x1b: {  	s9 =	sadd.s32 $0xFFFFFEF7, lr;
	s5 =	simm.s32 $0xFFFFFFFF;
	p2 =	slt.u32 s8, $0xFFFFF086  }
0x1c: {  	p1 =	slt.u32 s9, $0xF7A;
	s5 =	simm.s32 @!p2 $0x0  }
0x1d: {  	s5 =	simm.s32 @p1 $0x1;
	p0 =	seq.s32 s7, s2  }
0x1e: {  	s7 =	smul.u32 @!p0 $0xF7A, s2;
	p2 =	seq.s32 @!p0 s5, $0x0  }
0x1f: {  	s9 =	smul.u32 $0xF7A, s1;
	s8 =	simm.s32 @!p0 $0x1BF5;
	p2 =	por !p2, p0  }
0x20: {  	[sflag:s8] =	ssyncset.s32 @!p0 $0xFFFFF086;
	s6 =	sadd.s32 @!p0 s3, s7;
	s7 =	simm.s32 @!p0 $0x108  }
0x21: {  	s3 =	sadd.s32 s3, s9;
	s6 =	sadd.s32 @!p0 $0x88, s6;
	s7 =	simm.s32 @p2 $0x1082  }
0x22: {  	[simem:s7], [sflag:s8] =	dma.local @!p0 [hbm:s6], $0xF7A  }
0x23: {  	s9 =	sor.u32 $0xD0000000, s2;
	s6 =	simm.s32 $0x108;
	_ =	swait.ge @!p0 [sflag:s8], $0x0  }
0x24: {  	s3 =	sadd.s32 $0x88, s3;
	s6 =	simm.s32 @!p1 $0x1082;
	[sflag:s4] =	ssyncset.s32 $0xFFFFF086  }
0x25: {  	[simem:s6], [sflag:s4] =	dma.local [hbm:s3], $0xF7A  }
0x26: {  	[smem:$0x3F99] =	sst s1;
	(tag) =	ssettag s2;
	_ =	strace s9  }
0x27: {  	s1 =	sld [smem:$0x3FA9]  }
0x28: {  	s2 =	sld [smem:$0x3FAA]  }
0x29: {  	s4 =	sld [smem:$0x3FAC]  }
0x2a: {  	p0 =	seq.s32 s5, $0x0;
	s5 =	sld [smem:$0x3FAD]  }
0x2b: {  	s6 =	sld [smem:$0x3FAE]  }
0x2c: {  	s7 =	sld [smem:$0x3FAF]  }
0x2d: {  	s3 =	simm.s32 $0x108;
	s8 =	sld [smem:$0x3FB0]  }
0x2e: {  	s3 =	simm.s32 @!p0 $0x1082;
	s9 =	sld [smem:$0x3FB1]  }
0x2f: {  	lr =	sadd.s32 s0, s3;
	s0 =	sld [smem:$0x3FA8]  }
0x30: {  	s3 =	sld [smem:$0x3FAB]  }
0x31: {  	[smem:$0x3FB4] =	sst s10  }
0x32: {  	s10 =	sld [smem:$0x3FB2];
	_ =	sdelay $0x3  }
0x33: {  	p0 =	seq.s32 s10, $0x1;
	s10 =	sld [smem:$0x3FB4];
	_ =	sdelay $0x3  }
0x34: {  	[smem:$0x3FB4] =	sst s10  }
0x35: {  	s10 =	sld [smem:$0x3FB3];
	_ =	sdelay $0x3  }
0x36: {  	p1 =	seq.s32 s10, $0x1;
	s10 =	sld [smem:$0x3FB4];
	_ =	sdelay $0x3  }
0x37: {  	[smem:$0x3FB4] =	sst s10  }
0x38: {  	s10 =	sld [smem:$0x3FB5]  }
0x39: {  	_ = 	snop;
	(pc) =	sbr.ind lr, $3  }
0x3a: {  	_ = 	snop  }
0x3b: {  	_ = 	snop  }
0x3c: {  	p2 =	seq.s32 s10, $0x1;
	s10 =	sld [smem:$0x3FB4]  }
0x3d: {  	_ =	shalt  }
0x3e: {  	_ =	shalt  }
0x3f: {  	_ =	shalt  }
0x40: {  	_ =	shalt  }
0x41: {  	_ =	shalt  }
0x42: {  	_ =	shalt  }
0x43: {  	_ =	shalt  }
0x44: {  	_ =	shalt  }
0x45: {  	_ =	shalt  }
0x46: {  	_ =	shalt  }
0x47: {  	_ =	shalt  }
0x48: {  	_ =	shalt  }
0x49: {  	_ =	shalt  }
0x4a: {  	_ =	shalt  }
0x4b: {  	_ =	shalt  }
0x4c: {  	_ =	shalt  }
0x4d: {  	_ =	shalt  }
0x4e: {  	_ =	shalt  }
0x4f: {  	_ =	shalt  }
0x50: {  	_ =	shalt  }
0x51: {  	_ =	shalt  }
0x52: {  	_ =	shalt  }
0x53: {  	_ =	shalt  }
0x54: {  	_ =	shalt  }
0x55: {  	_ =	shalt  }
0x56: {  	_ =	shalt  }
0x57: {  	_ =	shalt  }
0x58: {  	_ =	shalt  }
0x59: {  	_ =	shalt  }
0x5a: {  	_ =	shalt  }
0x5b: {  	_ =	shalt  }
0x5c: {  	_ =	shalt  }
0x5d: {  	_ =	shalt  }
0x5e: {  	_ =	shalt  }
0x5f: {  	_ =	shalt  }
0x60: {  	_ =	shalt  }
0x61: {  	_ =	shalt  }
0x62: {  	_ =	shalt  }
0x63: {  	_ =	shalt  }
0x64: {  	_ =	shalt  }
0x65: {  	_ =	shalt  }
0x66: {  	_ =	shalt  }
0x67: {  	_ =	shalt  }
0x68: {  	_ =	shalt  }
0x69: {  	_ =	shalt  }
0x6a: {  	_ =	shalt  }
0x6b: {  	_ =	shalt  }
0x6c: {  	_ =	shalt  }
0x6d: {  	_ =	shalt  }
0x6e: {  	_ =	shalt  }
0x6f: {  	_ =	shalt  }
0x70: {  	_ =	shalt  }
0x71: {  	_ =	shalt  }
0x72: {  	_ =	shalt  }
0x73: {  	_ =	shalt  }
0x74: {  	_ =	shalt  }
0x75: {  	_ =	shalt  }
0x76: {  	_ =	shalt  }
0x77: {  	_ =	shalt  }
0x78: {  	_ =	shalt  }
0x79: {  	_ =	shalt  }
0x7a: {  	_ =	shalt  }
0x7b: {  	_ =	shalt  }
0x7c: {  	_ =	shalt  }
0x7d: {  	_ =	shalt  }
0x7e: {  	_ =	shalt  }
0x7f: {  	_ =	shalt  }
0x80: {  	_ =	shalt  }
0x81: {  	_ =	shalt  }
0x82: {  	_ =	shalt  }
0x83: {  	_ =	shalt  }
0x84: {  	_ =	shalt  }
0x85: {  	_ =	shalt  }
0x86: {  	_ =	shalt  }
0x87: {  	_ =	shalt  }
.Lfunc_end0:
.L_simem_size_0:
called_computation_lowered:
.L_overlay_start_0:
0x88: {  	s2 =	sld [smem:$0x3FD9]  }
0x89: {  	s3 =	sld [smem:$0x3FFE];
	_ =	sdelay $0x1  }
0x8a: {  	s1 =	srdreg.scid  }
0x8b: {  	s0 =	sand.u32 $0x1, s1  }
0x8c: {  	s16 =	sshll.u32 s0, $0xA;
	s2 =	sadd.s32 s3, s2  }
0x8d: {  	s2 =	sadd.s32 s2, s16  }
0x8e: {  	[smem:$0x3FC0] =	sst s2  }
0x8f: {  	_ = 	snop  }
0x90: {  	(tm) =	ssettm $0x1  }
0x91: {  	s17 =	sld [smem:$0x3FFB];
	_ =	sdelay $0x3  }
0x92: {  	_ =	strace s17  }
0x93: {  	s2 =	sld [smem:$0x3FFC];
	_ =	sdelay $0x3  }
0x94: {  	_ =	strace s2  }
0x95: {  	s2 =	sld [smem:$0x3FFD];
	_ =	sdelay $0x3  }
0x96: {  	_ =	strace s2  }
0x97: {  	_ =	strace $0x8FFFFFFF  }
0x98: {  	s18 =	sld [smem:$0x3FDB];
	_ =	sdelay $0x1  }
0x99: {  	s19 =	simm.s32 $_scs_section_size  }
0x9a: {  	s4 =	simm.s32 $_size__tile_overlayer_lowered;
	s5 =	simm.s32 $_tile_overlayer_lowered  }
0x9b: {  	s22 =	simm.s32 $0x1BFF;
	s21 =	sshll.u32 s5, $0x1;
	s2 =	sadd.s32 s19, s18  }
0x9c: {  	s6 =	simm.s32 $0x0;
	s20 =	sshll.u32 s4, $0x1;
	s4 =	sadd.s32 s21, s2  }
0x9d: {  	[timem:s6], [sflag:s22] =	dma.local [hbm:s4], s20  }
0x9e: {  	_ =	swait.ge [sflag:s22], s20  }
0x9f: {  	s3 =	ssub.s32 $0x0, s20;
	[sflag:s22] =	ssyncset.done $0x0  }
0xa0: {  	[sflag:s22] =	ssyncadd.s32 s3;
	_ =	sdelay $0x1  }
0xa1: {  	s23 =	simm.s32 $0x1B8B  }
0xa2: {  	_ =	swait.ge [sflag:s23], $0x1  }
0xa3: {  	[sflag:s23] =	ssyncset.done $0x0  }
0xa4: {  	s25 =	simm.s32 $0x1B8E;
	s24 =	sld [smem:$0x3FFE];
	[sflag:s23] =	ssyncadd.s32 $0xFFFFFFFF  }
0xa5: {  	s26 =	simm.s32 $execute0_lowered;
	[smem:$0x3FD2] =	sst s25  }
0xa6: {  	s4 =	sshll.u32 s26, $0x1;
	_ =	strace $0x80000046;
	[dreg:$0x1] =	wrdreg $0xFFFFFFFF  }
0xa7: {  	s28 =	simm.s32 $_size_execute0_lowered;
	s2 =	sadd.s32 s2, s4;
	[dreg:$0x0] =	wrdreg $0x0  }
0xa8: {  	s4 =	sshll.u32 s28, $0x1;
	[dreg:$0x2] =	wrdreg s2  }
0xa9: {  	[dreg:$0x3] =	wrdreg s4  }
0xaa: {  	[dreg:$0x4] =	wrdreg $0xC0  }
0xab: {  	_ =	task [dreg:s6], $0x5FFFF  }
0xac: {  	[dreg:$0x1] =	wrdreg $0xFFFFFFFF  }
0xad: {  	[dreg:$0x0] =	wrdreg $0x60  }
0xae: {  	[dreg:$0x2] =	wrdreg s24  }
0xaf: {  	[dreg:$0x3] =	wrdreg $0x85000  }
0xb0: {  	[dreg:$0x4] =	wrdreg $0x9  }
0xb1: {  	_ =	task.clear_ibuf [dreg:s6], $0x5FFFF;
	_ =	strace $0x90000046  }
0xb2: {  	s29 =	simm.s32 $0x9;
	_ =	strace $0x80000048  }
0xb3: {  	_ =	swait.ge [sflag:s29], $0x1  }
0xb4: {  	[sflag:s29] =	ssyncadd.s32 $0xFFFFFFFF  }
0xb5: {  	_ =	strace $0x90000048  }
0xb6: {  	_ =	sfence  }
0xb7: {  	s30 =	sld [smem:$0x0];
	_ =	sdelay $0x2  }
0xb8: {  	s31 =	sshll.u32 s1, $0xD;
	s1 =	sshrl.u32 s1, $0x2  }
0xb9: {  	s3 =	sand.u32 $0x4000, s31;
	s1 =	sadd.s32 s1, s30  }
0xba: {  	s0 =	sor.u32 s3, s0;
	s1 =	sshll.u32 s1, $0x11  }
0xbb: {  	s0 =	sor.u32 s1, s0  }
0xbc: {  	s0 =	sadd.s32 $0x8F2B, s0  }
0xbd: {  	[sflag:s0] =	ssyncadd.remote.s32 $0x1  }
0xbe: {  	_ =	sfence.sel $0xFFFF  }
0xbf: {  	[dreg:$0x0] =	wrdreg $0xFFFFFFFF;
	(pc) =	sbr.abs _section_cstart, $3  }
0xc0: {  	[dreg:$0x1] =	wrdreg $0xFFFFFFFF  }
0xc1: {  	_ =	task.clear_ibuf [dreg:s6], $0x2FFFF;
	_ =	strace $0x9FFFFFFF  }
0xc2: {  	(tm) =	ssettm $0x7FFFFFFF  }
0xc3: {  	_ =	shalt  }
tec
execute0_lowered:
.L_overlay_start_1:
0x0: {  	(tag) =	ssettag $0x1  }
0x1: {  	s1 =	srdreg.scid  }
0x2: {  	s0 =	stileid.u32;
	s4 =	rddreg [dreg:$0x0]  }
0x3: {  	s2 =	rddreg [dreg:$0x1];
	s3 =	simm.s32 $0x0;
	s6 =	smul.u32 $0x4E20, s0  }
0x4: {  	s17 =	simm.s32 $0x6500;
	s18 =	simm.s32 $0x1;
	s26 =	smul.u32 $0x14000, s0  }
0x5: {  	s19 =	simm.s32 $0xC8;
	s5 =	sand.u32 $0x1, s1;
	s28 =	smul.u32 $0x50000, s0  }
0x6: {  	s20 =	simm.s32 $0x100;
	s21 =	simm.s32 $0x0;
	s7 =	smul.u32 $0x2710, s5  }
0x7: {  	[smem:$0x7FF] =	sst s3;
	s8 =	smul.u32 $0x140000, s5;
	s5 =	ssub.s32 $0x2, s5  }
0x8: {  	s1 =	rddreg [dreg:$0x2];
	_ =	strace $0x80000047;
	s30 =	sshrl.u32 s5, $0x1  }
0x9: {  	s31 =	sshrl.u32 s28, $0x2;
	s6 =	sadd.s32 s7, s6;
	s7 =	sadd.s32 s26, s8  }
0xa: {  	s6 =	sshrl.u32 s6, $0x3;
	s29 =	sshrl.u32 s7, $0x3;
	s7 =	ssub.s32 s5, s30  }
0xb: {  	s16 =	sadd.s32 s6, s4;
	s6 =	sadd.s32 s29, s4;
	s4 =	sadd.s32 s31, s2  }
0xc: {  	s5 =	sadd.s32 $0xD000, s6;
	s6 =	smax.u32 s7, $0x1;
	s7 =	sadd.s32 $0x2000, s4  }
0xd: {  	s8 =	sadd.s32 $0x4000, s4;
	s9 =	sadd.s32 $0x6000, s4;
	s10 =	sadd.s32 $0x8000, s4  }
0xe: {  	s11 =	sadd.s32 $0xA000, s4;
	s12 =	sadd.s32 $0xC000, s4;
	s13 =	sadd.s32 $0xE000, s4  }
0xf: {  	v0 =	vimm.f32 $0.0e+00;
	v1 =	vimm.f32 $1.000000000e+00;
	s14 =	sadd.s32 $0x10000, s4;
	s15 =	sadd.s32 $0x12000, s4;
	s16 =	sadd.s32 $0x3200, s16  }
.LBB2_1:
0x10: {  	s22 =	simm.s32 $0x0  }
.LBB2_2:
0x11: {  	p0 =	sne.s32 s22, $0x7E00  }
.Ltmp0:
0x12: {  	_ = 	snop;
	(pc) =	sbr.rel @p0 .LBB2_2-.Ltmp0, $3  }
0x13: {  	_ =	sdelay $0x1  }
0x14: {  	s23 =	sshra.s32 s22, $0x2  }
0x15: {  	s22 =	sadd.s32 $0x200, s22;
	[tilespmem:s23+$0x6500] =	vst v0  }
0x16: {  	s22 =	simm.s32 $0x200;
	s23 =	simm.s32 $0x0  }
.LBB2_4:
0x17: {  	p0 =	sne.s32 s22, $0x18E00;
	[tilespmem:s23+$0x100] =	vst v1;
	s23 =	smov.u32 s22;
	s22 =	sadd.s32 $0x200, s22  }
.Ltmp1:
0x18: {  	(pc) =	sbr.rel @p0 .LBB2_4-.Ltmp1, $2  }
0x19: {  	_ =	sdelay $0x2  }
0x1a: {  	s23 =	sshra.s32 s23, $0x2  }
0x1b: {  	[tilespmem:s23+$0x100] =	vst v1  }
0x1c: {  	[spmem:s4] =	stream.linear.scatter [tilespmem:s17], [sflag:$0x1], $0x2000, $0x38;
	[tilespmem:$0xAD00] =	vst v63  }
0x1d: {  	_ =	swait.ge [sflag:s18], $0x2000  }
0x1e: {  	[sflag:s18] =	ssyncset.done $0x0  }
0x1f: {  	[sflag:s18] =	ssyncadd.s32 $0xFFFFE000  }
0x20: {  	[spmem:s7] =	stream.linear.scatter [tilespmem:s17], [sflag:$0x1], $0x2000, $0x38;
	[tilespmem:$0xAD00] =	vst v63  }
0x21: {  	_ =	swait.ge [sflag:s18], $0x2000  }
0x22: {  	[sflag:s18] =	ssyncset.done $0x0  }
0x23: {  	[sflag:s18] =	ssyncadd.s32 $0xFFFFE000  }
0x24: {  	[spmem:s8] =	stream.linear.scatter [tilespmem:s17], [sflag:$0x1], $0x2000, $0x38;
	[tilespmem:$0xAD00] =	vst v63  }
0x25: {  	_ =	swait.ge [sflag:s18], $0x2000  }
0x26: {  	[sflag:s18] =	ssyncset.done $0x0  }
0x27: {  	[sflag:s18] =	ssyncadd.s32 $0xFFFFE000  }
0x28: {  	[spmem:s9] =	stream.linear.scatter [tilespmem:s17], [sflag:$0x1], $0x2000, $0x38;
	[tilespmem:$0xAD00] =	vst v63  }
0x29: {  	_ =	swait.ge [sflag:s18], $0x2000  }
0x2a: {  	[sflag:s18] =	ssyncset.done $0x0  }
0x2b: {  	[sflag:s18] =	ssyncadd.s32 $0xFFFFE000  }
0x2c: {  	[spmem:s10] =	stream.linear.scatter [tilespmem:s17], [sflag:$0x1], $0x2000, $0x38;
	[tilespmem:$0xAD00] =	vst v63  }
0x2d: {  	_ =	swait.ge [sflag:s18], $0x2000  }
0x2e: {  	[sflag:s18] =	ssyncset.done $0x0  }
0x2f: {  	[sflag:s18] =	ssyncadd.s32 $0xFFFFE000  }
0x30: {  	[spmem:s11] =	stream.linear.scatter [tilespmem:s17], [sflag:$0x1], $0x2000, $0x38;
	[tilespmem:$0xAD00] =	vst v63  }
0x31: {  	_ =	swait.ge [sflag:s18], $0x2000  }
0x32: {  	[sflag:s18] =	ssyncset.done $0x0  }
0x33: {  	[sflag:s18] =	ssyncadd.s32 $0xFFFFE000  }
0x34: {  	[spmem:s12] =	stream.linear.scatter [tilespmem:s17], [sflag:$0x1], $0x2000, $0x38;
	[tilespmem:$0xAD00] =	vst v63  }
0x35: {  	_ =	swait.ge [sflag:s18], $0x2000  }
0x36: {  	[sflag:s18] =	ssyncset.done $0x0  }
0x37: {  	[sflag:s18] =	ssyncadd.s32 $0xFFFFE000  }
0x38: {  	[spmem:s13] =	stream.linear.scatter [tilespmem:s17], [sflag:$0x1], $0x2000, $0x38;
	[tilespmem:$0xAD00] =	vst v63  }
0x39: {  	_ =	swait.ge [sflag:s18], $0x2000  }
0x3a: {  	[sflag:s18] =	ssyncset.done $0x0  }
0x3b: {  	[sflag:s18] =	ssyncadd.s32 $0xFFFFE000  }
0x3c: {  	[spmem:s14] =	stream.linear.scatter [tilespmem:s17], [sflag:$0x1], $0x2000, $0x38;
	[tilespmem:$0xAD00] =	vst v63  }
0x3d: {  	_ =	swait.ge [sflag:s18], $0x2000  }
0x3e: {  	[sflag:s18] =	ssyncset.done $0x0  }
0x3f: {  	[sflag:s18] =	ssyncadd.s32 $0xFFFFE000  }
0x40: {  	[spmem:s15] =	stream.linear.scatter [tilespmem:s17], [sflag:$0x1], $0x2000, $0x38;
	[tilespmem:$0xAD00] =	vst v63  }
0x41: {  	_ =	swait.ge [sflag:s18], $0x2000  }
0x42: {  	[sflag:s18] =	ssyncset.done $0x0  }
0x43: {  	[sflag:s18] =	ssyncadd.s32 $0xFFFFE000  }
0x44: {  	s22 =	sadd.s32 $0x0, s16;
	[bflag:$0x0] =	sbarrier.arrive $0xFFFF  }
0x45: {  	[tilespmem:s3], [sflag:$0x1] =	stream.linear.gather [hbm4b:s22+s3], $0xC8, $0x38;
	[tilespmem:$0xAD00] =	vst v63  }
0x46: {  	_ =	swait.ge [sflag:s18], $0xC8  }
0x47: {  	[sflag:s18] =	ssyncset.done $0x0  }
0x48: {  	[sflag:s18] =	ssyncadd.s32 $0xFFFFFF38  }
0x49: {  	[spmem:s2] =	stream.indirect.scatter.add.f32 [tilespmem:s20], [sflag:$0x1], $0x10, s3, s19, $0xb8;
	[tilespmem:$0xAD00] =	vst v63  }
0x4a: {  	_ =	swait.ge [sflag:s18], $0xC80  }
0x4b: {  	s23 =	simm.s32 $0x32;
	s22 =	simm.s32 $0x19;
	[sflag:s18] =	ssyncset.done $0x0  }
.LBB2_6:
0x4c: {  	s24 =	sadd.s32 s22, s16  }
0x4d: {  	[sflag:s18] =	ssyncadd.s32 $0xFFFFF380;
	s22 =	smov.u32 s23;
	s25 =	sadd.s32 $0x19, s23  }
0x4e: {  	[tilespmem:s3], [sflag:$0x1] =	stream.linear.gather [hbm4b:s24+s3], $0xC8, $0x38;
	[tilespmem:$0xAD00] =	vst v63  }
0x4f: {  	p0 =	sne.s32 s23, $0x4C9;
	_ =	swait.ge [sflag:s18], $0xC8  }
.Ltmp2:
0x50: {  	[sflag:s18] =	ssyncset.done $0x0;
	(pc) =	sbr.rel @p0 .LBB2_6-.Ltmp2, $4  }
0x51: {  	[sflag:s18] =	ssyncadd.s32 $0xFFFFFF38  }
0x52: {  	[spmem:s2] =	stream.indirect.scatter.add.f32 [tilespmem:s20], [sflag:$0x1], $0x10, s3, s19, $0xb8;
	[tilespmem:$0xAD00] =	vst v63  }
0x53: {  	_ =	swait.ge [sflag:s18], $0xC80  }
0x54: {  	s23 =	smov.u32 s25;
	[sflag:s18] =	ssyncset.done $0x0  }
0x55: {  	s22 =	sadd.s32 s22, s16;
	[sflag:s18] =	ssyncadd.s32 $0xFFFFF380  }
0x56: {  	[tilespmem:s3], [sflag:$0x1] =	stream.linear.gather [hbm4b:s22+s3], $0xC8, $0x38;
	[tilespmem:$0xAD00] =	vst v63  }
0x57: {  	_ =	swait.ge [sflag:s18], $0xC8  }
0x58: {  	[sflag:s18] =	ssyncset.done $0x0  }
0x59: {  	[sflag:s18] =	ssyncadd.s32 $0xFFFFFF38  }
0x5a: {  	[spmem:s2] =	stream.indirect.scatter.add.f32 [tilespmem:s20], [sflag:$0x1], $0x10, s3, s19, $0xb8;
	[tilespmem:$0xAD00] =	vst v63  }
0x5b: {  	_ =	swait.ge [sflag:s18], $0xC80  }
0x5c: {  	s31 =	sshll.u32 s0, $0x6;
	s21 =	sadd.s32 $0x1, s21;
	[sflag:s18] =	ssyncset.done $0x0  }
0x5d: {  	s23 =	sshrl.u32 s4, $0x3;
	p0 =	sne.s32 s21, s6;
	[sflag:s18] =	ssyncadd.s32 $0xFFFFF380  }
.Ltmp3:
0x5e: {  	s22 =	sor.u32 $0x1C01, s31;
	[bflag:$0x0] =	sbarrier.arrive $0xFFFF;
	(pc) =	sbr.rel @p0 .LBB2_1-.Ltmp3, $4  }
0x5f: {  	[hbm:s5], [sflag:s22] =	dma.local [spmem:s23], $0x2800  }
0x60: {  	_ =	swait.ge [sflag:s18], $0x2800  }
0x61: {  	[sflag:s18] =	ssyncset.done $0x0  }
0x62: {  	[sflag:s18] =	ssyncadd.s32 $0xFFFFD800  }
0x63: {  	_ =	sfence.sel $0x180000  }
0x64: {  	[bflag:$0x0] =	sbarrier.arrive $0xFFFF  }
0x65: {  	p0 =	sne.s32 s0, $0x0;
	_ =	strace $0x90000047  }
0x66: {  	s0 =	sadd.s32 @!p0 $0x100000, s1;
	[bflag:$0x2] =	sbarrier.arrive $0xFFFF  }
0x67: {  	[sflag:s0] =	ssyncadd.tile.s32 @!p0 $0x1;
	_ =	shalt  }
.Lfunc_end2:
_tile_overlayer_lowered:
.L_overlay_start_2:
0x68: {  	(tag) =	ssettag $0x2  }
0x69: {  	s0 =	rddreg [dreg:$0x0];
	s2 =	stileid.u32  }
0x6a: {  	s1 =	rddreg [dreg:$0x1];
	p0 =	sne.s32 s2, $0x0  }
0x6b: {  	s3 =	rddreg [dreg:$0x2];
	[bflag:$0x3] =	sbarrier.arrive $0xFFFF;
	s2 =	simm.s32 @!p0 $0x1C01  }
0x6c: {  	[timem:s3], [sflag:s2] =	dma.local @!p0 [hbm:s0], s1  }
0x6d: {  	s0 =	simm.s32 @!p0 $0x1  }
0x6e: {  	_ =	swait.ge @!p0 [sflag:s0], s1  }
0x6f: {  	s1 =	ssub.s32 @!p0 $0x0, s1;
	[sflag:s0] =	ssyncset.done @!p0 $0x0  }
0x70: {  	[sflag:s0] =	ssyncadd.s32 @!p0 s1  }
0x71: {  	[bflag:$0x3] =	sbarrier.arrive $0xFFFF  }
0x72: {  	_ =	shalt  }

</sc_bundles>
